<compile_context>
chip_gen: v7x
topology: tpu7x:2x2x1
jax: 0.10.2.dev20260603
libtpu: 0.0.44.dev20260713+nightly
codegen_flags: <defaults>
</compile_context>

<pallas_src>
import functools

import jax
import jax.numpy as jnp
from jax import lax
from jax.experimental import pallas as pl
from jax.experimental.pallas import tpu as pltpu
from jax.experimental.pallas import tpu_sc as plsc

L = 16
POOL = 16
HW = 512
PR = HW // POOL
NBLK = PR * PR
NCHUNK = NBLK // L
CPR = PR // L
OUT_LEN = NBLK + 1
ROW_PAD = ((OUT_LEN + L - 1) // L) * L
B = 256
OUT_ROWS_PER_TILE = B // 32


def _tc_pool_body(x_ref, m_ref):
    x = x_ref[0, 0]
    b = (x > 0.0).astype(jnp.float32)
    r1 = lax.broadcasted_iota(jnp.int32, (PR, HW), 0)
    c1 = lax.broadcasted_iota(jnp.int32, (PR, HW), 1)
    p_left = (c1 // POOL == r1).astype(jnp.float32)
    r2 = lax.broadcasted_iota(jnp.int32, (HW, PR), 0)
    c2 = lax.broadcasted_iota(jnp.int32, (HW, PR), 1)
    p_right = (r2 // POOL == c2).astype(jnp.float32)
    rows = jnp.dot(p_left, b, preferred_element_type=jnp.float32)
    counts = jnp.dot(rows, p_right, preferred_element_type=jnp.float32)
    m_ref[...] = (counts > 0.5).astype(jnp.int32)


_tc_pool = pl.pallas_call(
    _tc_pool_body,
    out_shape=jax.ShapeDtypeStruct((PR, PR), jnp.int32),
    grid=(1,),
    in_specs=[pl.BlockSpec((1, 1, HW, HW), lambda i: (0, 0, 0, 0))],
    out_specs=pl.BlockSpec((PR, PR), lambda i: (0, 0)),
)


_mesh = plsc.VectorSubcoreMesh(core_axis_name="c", subcore_axis_name="s")


@functools.partial(
    pl.kernel,
    out_type=jax.ShapeDtypeStruct((B, OUT_LEN), jnp.int32),
    mesh=_mesh,
    compiler_params=pltpu.CompilerParams(needs_layout_passes=False,
                                         use_tc_tiling_on_sc=False),
    scratch_types=[
        pltpu.VMEM((PR, PR), jnp.int32),
        pltpu.VMEM((ROW_PAD,), jnp.int32),
        pltpu.VMEM((OUT_ROWS_PER_TILE, OUT_LEN), jnp.int32),
        pltpu.VMEM_SHARED((ROW_PAD,), jnp.int32),
        pltpu.SemaphoreType.DMA,
    ],
)
def _sc_compact_broadcast(m_hbm, out_hbm, mv, row_v, rep_v, shared_row, sem):
    c = lax.axis_index("c")
    s = lax.axis_index("s")
    lanes = lax.broadcasted_iota(jnp.int32, (L,), 0)

    @pl.when(s == 0)
    def _compact():
        pltpu.sync_copy(m_hbm, mv)
        one = jnp.ones((L,), jnp.int32)
        row_v[pl.ds(0, L)] = jnp.where(lanes == 0, 0, one)
        for t in range(1, ROW_PAD // L):
            row_v[pl.ds(t * L, L)] = one
        masks, ranks, counts = [], [], []
        for t in range(NCHUNK):
            m_vec = mv[t // CPR, pl.ds((t % CPR) * L, L)]
            masks.append(m_vec > 0)
            ranks.append(plsc.cumsum(m_vec))
            counts.append(jnp.sum(m_vec))
        carry = jnp.int32(0)
        for t in range(NCHUNK):
            idx = ranks[t] + carry
            vals = lanes + (t * L + 1)
            plsc.store_scatter(row_v, [idx], vals, mask=masks[t])
            carry = carry + counts[t]
        pltpu.sync_copy(row_v, shared_row)

    plsc.subcore_barrier()

    copies = [
        pltpu.async_copy(shared_row.at[pl.ds(0, OUT_LEN)], rep_v.at[i], sem)
        for i in range(OUT_ROWS_PER_TILE)
    ]
    for cp in copies:
        cp.wait()
    base = (s * 2 + c) * OUT_ROWS_PER_TILE
    pltpu.sync_copy(rep_v, out_hbm.at[pl.ds(base, OUT_ROWS_PER_TILE)])


def kernel(ones_mask):
    return _sc_compact_broadcast(_tc_pool(ones_mask))

# --- scband reference (transcript-rebuilt; emitter-appended) ---
"""Pipeline reference for scband-mask-processor-87952340287962 (READ-ONLY COPY).

The authoritative reference and input builder live on the scoring server;
editing this copy changes nothing except your own understanding.
"""

import jax, jax.numpy as jnp
import numpy as np

PATCH = 16

def _avg_pool(x, p):
    # x: [C, H, W], non-overlapping pool with kernel=stride=p (matches nn.AvgPool2d(p))
    C, H, W = x.shape
    return x.reshape(C, H // p, p, W // p, p).mean(axis=(2, 4))

def setup_inputs(seed: int = 0) -> dict:
    key = jax.random.key(seed)
    ones_mask = jax.random.uniform(key, (256, 1, 512, 512), dtype=jnp.float32)
    return {"ones_mask": ones_mask}

def reference(ones_mask):
    B = ones_mask.shape[0]
    # ones_mask[0].unsqueeze(0) then AvgPool2d(patch)[0]
    x = ones_mask[0]                      # [C, H, W]
    pooled = _avg_pool(x, PATCH)          # [C, H//p, W//p]
    flat = pooled.reshape(-1)
    # torch.where(flat > 0)[0] + 1  (eager jax: concrete nonzero is fine)
    idx = jnp.nonzero(flat > 0, size=flat.shape[0])[0].astype(jnp.int32) + 1
    out = jnp.concatenate([jnp.zeros((1,), dtype=jnp.int32), idx])[None, :]
    out = jnp.broadcast_to(out, (B, out.shape[1]))
    return out

if __name__ == "__main__":
    import jax
    _d = setup_inputs()
    print(jax.jit(kernel)(*tuple(_d.values())))

</pallas_src>

<mosaic_0001>
#map = affine_map<(d0, d1) -> (0, 0)>
module attributes {stable_mosaic.version = 14 : i64} {
  func.func @_sc_compact_broadcast(%arg0: i32, %arg1: i32, %arg2: memref<32x32xi32, #tpu.memory_space<hbm>>, %arg3: memref<256x1025xi32, #tpu.memory_space<hbm>>, %arg4: memref<32x32xi32, #tpu.memory_space<vmem>>, %arg5: memref<1040xi32, #tpu.memory_space<vmem>>, %arg6: memref<8x1025xi32, #tpu.memory_space<vmem>>, %arg7: memref<1040xi32, #tpu.memory_space<vmem_shared>>, %arg8: memref<!tpu.dma_semaphore, #tpu.memory_space<semaphore_mem>>) attributes {dimension_semantics = [#tpu.dimension_semantics<core_parallel>, #tpu.dimension_semantics<subcore_parallel>], iteration_bounds = array<i64: 2, 16>, scalar_prefetch = 0 : i64, scratch_operands = 5 : i64, tpu.core_type = #tpu.core_type<sc_vector_subcore>, window_params = [{transform_indices = #map}, {transform_indices = #map}]} {
    %iota3A = tpu.iota {dimensions = array<i32: 0>} : vector<16xi32>
    %eq3A = arith.constant 0 : i32
    %eq3A_0 = arith.cmpi eq, %arg1, %eq3A : i32
    %convert_element_type3A = arith.extui %eq3A_0 : i1 to i32
    %cond3A = arith.constant 0 : i32
    %cond3A_1 = arith.cmpi ne, %convert_element_type3A, %cond3A : i32
    scf.if %cond3A_1 {
      "tpu.region"() ({
        %run_scoped3A = tpu.sem_alloc : memref<!tpu.dma_semaphore, #tpu.memory_space<semaphore_mem>>
        tpu.enqueue_dma source(%arg2 : memref<32x32xi32, #tpu.memory_space<hbm>>) target(%arg4 : memref<32x32xi32, #tpu.memory_space<vmem>>) target_semaphore(%run_scoped3A : memref<!tpu.dma_semaphore, #tpu.memory_space<semaphore_mem>>)
        tpu.wait_dma2 semaphore(%run_scoped3A : memref<!tpu.dma_semaphore, #tpu.memory_space<semaphore_mem>>) src(%arg2 : memref<32x32xi32, #tpu.memory_space<hbm>>) dst(%arg4 : memref<32x32xi32, #tpu.memory_space<vmem>>)
        tpu.yield
      }) : () -> ()
      %broadcast_in_dim3A = arith.constant 1 : i32
      %broadcast_in_dim3A_179 = vector.broadcast %broadcast_in_dim3A : i32 to vector<16xi32>
      %eq3A_180 = arith.constant 0 : i32
      %eq3A_181 = vector.broadcast %eq3A_180 : i32 to vector<16xi32>
      %eq3A_182 = arith.cmpi eq, %iota3A, %eq3A_181 : vector<16xi32>
      %jit3A = arith.constant 0 : i32
      %broadcast_in_dim3A_183 = vector.broadcast %jit3A : i32 to vector<16xi32>
      %select_n3A = arith.select %eq3A_182, %broadcast_in_dim3A_183, %broadcast_in_dim3A_179 : vector<16xi1>, vector<16xi32>
      %swap3A = arith.constant 0 : index
      %swap3A_184 = tpu.vector_load %arg5[%swap3A] {strides = array<i32>} : memref<1040xi32, #tpu.memory_space<vmem>>, vector<16xi32>,
      tpu.vector_store %arg5[%swap3A], %select_n3A {strides = array<i32>} : memref<1040xi32, #tpu.memory_space<vmem>>, vector<16xi32>,
      %swap3A_185 = arith.constant 16 : index
      %swap3A_186 = tpu.vector_load %arg5[%swap3A_185] {strides = array<i32>} : memref<1040xi32, #tpu.memory_space<vmem>>, vector<16xi32>,
      tpu.vector_store %arg5[%swap3A_185], %broadcast_in_dim3A_179 {strides = array<i32>} : memref<1040xi32, #tpu.memory_space<vmem>>, vector<16xi32>,
      %swap3A_187 = arith.constant 32 : index
      %swap3A_188 = tpu.vector_load %arg5[%swap3A_187] {strides = array<i32>} : memref<1040xi32, #tpu.memory_space<vmem>>, vector<16xi32>,
      tpu.vector_store %arg5[%swap3A_187], %broadcast_in_dim3A_179 {strides = array<i32>} : memref<1040xi32, #tpu.memory_space<vmem>>, vector<16xi32>,
      %swap3A_189 = arith.constant 48 : index
      %swap3A_190 = tpu.vector_load %arg5[%swap3A_189] {strides = array<i32>} : memref<1040xi32, #tpu.memory_space<vmem>>, vector<16xi32>,
      tpu.vector_store %arg5[%swap3A_189], %broadcast_in_dim3A_179 {strides = array<i32>} : memref<1040xi32, #tpu.memory_space<vmem>>, vector<16xi32>,
      %swap3A_191 = arith.constant 64 : index
      %swap3A_192 = tpu.vector_load %arg5[%swap3A_191] {strides = array<i32>} : memref<1040xi32, #tpu.memory_space<vmem>>, vector<16xi32>,
      tpu.vector_store %arg5[%swap3A_191], %broadcast_in_dim3A_179 {strides = array<i32>} : memref<1040xi32, #tpu.memory_space<vmem>>, vector<16xi32>,
      %swap3A_193 = arith.constant 80 : index
      %swap3A_194 = tpu.vector_load %arg5[%swap3A_193] {strides = array<i32>} : memref<1040xi32, #tpu.memory_space<vmem>>, vector<16xi32>,
      tpu.vector_store %arg5[%swap3A_193], %broadcast_in_dim3A_179 {strides = array<i32>} : memref<1040xi32, #tpu.memory_space<vmem>>, vector<16xi32>,
      %swap3A_195 = arith.constant 96 : index
      %swap3A_196 = tpu.vector_load %arg5[%swap3A_195] {strides = array<i32>} : memref<1040xi32, #tpu.memory_space<vmem>>, vector<16xi32>,
      tpu.vector_store %arg5[%swap3A_195], %broadcast_in_dim3A_179 {strides = array<i32>} : memref<1040xi32, #tpu.memory_space<vmem>>, vector<16xi32>,
      %swap3A_197 = arith.constant 112 : index
      %swap3A_198 = tpu.vector_load %arg5[%swap3A_197] {strides = array<i32>} : memref<1040xi32, #tpu.memory_space<vmem>>, vector<16xi32>,
      tpu.vector_store %arg5[%swap3A_197], %broadcast_in_dim3A_179 {strides = array<i32>} : memref<1040xi32, #tpu.memory_space<vmem>>, vector<16xi32>,
      %swap3A_199 = arith.constant 128 : index
      %swap3A_200 = tpu.vector_load %arg5[%swap3A_199] {strides = array<i32>} : memref<1040xi32, #tpu.memory_space<vmem>>, vector<16xi32>,
      tpu.vector_store %arg5[%swap3A_199], %broadcast_in_dim3A_179 {strides = array<i32>} : memref<1040xi32, #tpu.memory_space<vmem>>, vector<16xi32>,
      %swap3A_201 = arith.constant 144 : index
      %swap3A_202 = tpu.vector_load %arg5[%swap3A_201] {strides = array<i32>} : memref<1040xi32, #tpu.memory_space<vmem>>, vector<16xi32>,
      tpu.vector_store %arg5[%swap3A_201], %broadcast_in_dim3A_179 {strides = array<i32>} : memref<1040xi32, #tpu.memory_space<vmem>>, vector<16xi32>,
      %swap3A_203 = arith.constant 160 : index
      %swap3A_204 = tpu.vector_load %arg5[%swap3A_203] {strides = array<i32>} : memref<1040xi32, #tpu.memory_space<vmem>>, vector<16xi32>,
      tpu.vector_store %arg5[%swap3A_203], %broadcast_in_dim3A_179 {strides = array<i32>} : memref<1040xi32, #tpu.memory_space<vmem>>, vector<16xi32>,
      %swap3A_205 = arith.constant 176 : index
      %swap3A_206 = tpu.vector_load %arg5[%swap3A_205] {strides = array<i32>} : memref<1040xi32, #tpu.memory_space<vmem>>, vector<16xi32>,
      tpu.vector_store %arg5[%swap3A_205], %broadcast_in_dim3A_179 {strides = array<i32>} : memref<1040xi32, #tpu.memory_space<vmem>>, vector<16xi32>,
      %swap3A_207 = arith.constant 192 : index
      %swap3A_208 = tpu.vector_load %arg5[%swap3A_207] {strides = array<i32>} : memref<1040xi32, #tpu.memory_space<vmem>>, vector<16xi32>,
      tpu.vector_store %arg5[%swap3A_207], %broadcast_in_dim3A_179 {strides = array<i32>} : memref<1040xi32, #tpu.memory_space<vmem>>, vector<16xi32>,
      %swap3A_209 = arith.constant 208 : index
      %swap3A_210 = tpu.vector_load %arg5[%swap3A_209] {strides = array<i32>} : memref<1040xi32, #tpu.memory_space<vmem>>, vector<16xi32>,
      tpu.vector_store %arg5[%swap3A_209], %broadcast_in_dim3A_179 {strides = array<i32>} : memref<1040xi32, #tpu.memory_space<vmem>>, vector<16xi32>,
      %swap3A_211 = arith.constant 224 : index
      %swap3A_212 = tpu.vector_load %arg5[%swap3A_211] {strides = array<i32>} : memref<1040xi32, #tpu.memory_space<vmem>>, vector<16xi32>,
      tpu.vector_store %arg5[%swap3A_211], %broadcast_in_dim3A_179 {strides = array<i32>} : memref<1040xi32, #tpu.memory_space<vmem>>, vector<16xi32>,
      %swap3A_213 = arith.constant 240 : index
      %swap3A_214 = tpu.vector_load %arg5[%swap3A_213] {strides = array<i32>} : memref<1040xi32, #tpu.memory_space<vmem>>, vector<16xi32>,
      tpu.vector_store %arg5[%swap3A_213], %broadcast_in_dim3A_179 {strides = array<i32>} : memref<1040xi32, #tpu.memory_space<vmem>>, vector<16xi32>,
      %swap3A_215 = arith.constant 256 : index
      %swap3A_216 = tpu.vector_load %arg5[%swap3A_215] {strides = array<i32>} : memref<1040xi32, #tpu.memory_space<vmem>>, vector<16xi32>,
      tpu.vector_store %arg5[%swap3A_215], %broadcast_in_dim3A_179 {strides = array<i32>} : memref<1040xi32, #tpu.memory_space<vmem>>, vector<16xi32>,
      %swap3A_217 = arith.constant 272 : index
      %swap3A_218 = tpu.vector_load %arg5[%swap3A_217] {strides = array<i32>} : memref<1040xi32, #tpu.memory_space<vmem>>, vector<16xi32>,
      tpu.vector_store %arg5[%swap3A_217], %broadcast_in_dim3A_179 {strides = array<i32>} : memref<1040xi32, #tpu.memory_space<vmem>>, vector<16xi32>,
      %swap3A_219 = arith.constant 288 : index
      %swap3A_220 = tpu.vector_load %arg5[%swap3A_219] {strides = array<i32>} : memref<1040xi32, #tpu.memory_space<vmem>>, vector<16xi32>,
      tpu.vector_store %arg5[%swap3A_219], %broadcast_in_dim3A_179 {strides = array<i32>} : memref<1040xi32, #tpu.memory_space<vmem>>, vector<16xi32>,
      %swap3A_221 = arith.constant 304 : index
      %swap3A_222 = tpu.vector_load %arg5[%swap3A_221] {strides = array<i32>} : memref<1040xi32, #tpu.memory_space<vmem>>, vector<16xi32>,
      tpu.vector_store %arg5[%swap3A_221], %broadcast_in_dim3A_179 {strides = array<i32>} : memref<1040xi32, #tpu.memory_space<vmem>>, vector<16xi32>,
      %swap3A_223 = arith.constant 320 : index
      %swap3A_224 = tpu.vector_load %arg5[%swap3A_223] {strides = array<i32>} : memref<1040xi32, #tpu.memory_space<vmem>>, vector<16xi32>,
      tpu.vector_store %arg5[%swap3A_223], %broadcast_in_dim3A_179 {strides = array<i32>} : memref<1040xi32, #tpu.memory_space<vmem>>, vector<16xi32>,
      %swap3A_225 = arith.constant 336 : index
      %swap3A_226 = tpu.vector_load %arg5[%swap3A_225] {strides = array<i32>} : memref<1040xi32, #tpu.memory_space<vmem>>, vector<16xi32>,
      tpu.vector_store %arg5[%swap3A_225], %broadcast_in_dim3A_179 {strides = array<i32>} : memref<1040xi32, #tpu.memory_space<vmem>>, vector<16xi32>,
      %swap3A_227 = arith.constant 352 : index
      %swap3A_228 = tpu.vector_load %arg5[%swap3A_227] {strides = array<i32>} : memref<1040xi32, #tpu.memory_space<vmem>>, vector<16xi32>,
      tpu.vector_store %arg5[%swap3A_227], %broadcast_in_dim3A_179 {strides = array<i32>} : memref<1040xi32, #tpu.memory_space<vmem>>, vector<16xi32>,
      %swap3A_229 = arith.constant 368 : index
      %swap3A_230 = tpu.vector_load %arg5[%swap3A_229] {strides = array<i32>} : memref<1040xi32, #tpu.memory_space<vmem>>, vector<16xi32>,
      tpu.vector_store %arg5[%swap3A_229], %broadcast_in_dim3A_179 {strides = array<i32>} : memref<1040xi32, #tpu.memory_space<vmem>>, vector<16xi32>,
      %swap3A_231 = arith.constant 384 : index
      %swap3A_232 = tpu.vector_load %arg5[%swap3A_231] {strides = array<i32>} : memref<1040xi32, #tpu.memory_space<vmem>>, vector<16xi32>,
      tpu.vector_store %arg5[%swap3A_231], %broadcast_in_dim3A_179 {strides = array<i32>} : memref<1040xi32, #tpu.memory_space<vmem>>, vector<16xi32>,
      %swap3A_233 = arith.constant 400 : index
      %swap3A_234 = tpu.vector_load %arg5[%swap3A_233] {strides = array<i32>} : memref<1040xi32, #tpu.memory_space<vmem>>, vector<16xi32>,
      tpu.vector_store %arg5[%swap3A_233], %broadcast_in_dim3A_179 {strides = array<i32>} : memref<1040xi32, #tpu.memory_space<vmem>>, vector<16xi32>,
      %swap3A_235 = arith.constant 416 : index
      %swap3A_236 = tpu.vector_load %arg5[%swap3A_235] {strides = array<i32>} : memref<1040xi32, #tpu.memory_space<vmem>>, vector<16xi32>,
      tpu.vector_store %arg5[%swap3A_235], %broadcast_in_dim3A_179 {strides = array<i32>} : memref<1040xi32, #tpu.memory_space<vmem>>, vector<16xi32>,
      %swap3A_237 = arith.constant 432 : index
      %swap3A_238 = tpu.vector_load %arg5[%swap3A_237] {strides = array<i32>} : memref<1040xi32, #tpu.memory_space<vmem>>, vector<16xi32>,
      tpu.vector_store %arg5[%swap3A_237], %broadcast_in_dim3A_179 {strides = array<i32>} : memref<1040xi32, #tpu.memory_space<vmem>>, vector<16xi32>,
      %swap3A_239 = arith.constant 448 : index
      %swap3A_240 = tpu.vector_load %arg5[%swap3A_239] {strides = array<i32>} : memref<1040xi32, #tpu.memory_space<vmem>>, vector<16xi32>,
      tpu.vector_store %arg5[%swap3A_239], %broadcast_in_dim3A_179 {strides = array<i32>} : memref<1040xi32, #tpu.memory_space<vmem>>, vector<16xi32>,
      %swap3A_241 = arith.constant 464 : index
      %swap3A_242 = tpu.vector_load %arg5[%swap3A_241] {strides = array<i32>} : memref<1040xi32, #tpu.memory_space<vmem>>, vector<16xi32>,
      tpu.vector_store %arg5[%swap3A_241], %broadcast_in_dim3A_179 {strides = array<i32>} : memref<1040xi32, #tpu.memory_space<vmem>>, vector<16xi32>,
      %swap3A_243 = arith.constant 480 : index
      %swap3A_244 = tpu.vector_load %arg5[%swap3A_243] {strides = array<i32>} : memref<1040xi32, #tpu.memory_space<vmem>>, vector<16xi32>,
      tpu.vector_store %arg5[%swap3A_243], %broadcast_in_dim3A_179 {strides = array<i32>} : memref<1040xi32, #tpu.memory_space<vmem>>, vector<16xi32>,
      %swap3A_245 = arith.constant 496 : index
      %swap3A_246 = tpu.vector_load %arg5[%swap3A_245] {strides = array<i32>} : memref<1040xi32, #tpu.memory_space<vmem>>, vector<16xi32>,
      tpu.vector_store %arg5[%swap3A_245], %broadcast_in_dim3A_179 {strides = array<i32>} : memref<1040xi32, #tpu.memory_space<vmem>>, vector<16xi32>,
      %swap3A_247 = arith.constant 512 : index
      %swap3A_248 = tpu.vector_load %arg5[%swap3A_247] {strides = array<i32>} : memref<1040xi32, #tpu.memory_space<vmem>>, vector<16xi32>,
      tpu.vector_store %arg5[%swap3A_247], %broadcast_in_dim3A_179 {strides = array<i32>} : memref<1040xi32, #tpu.memory_space<vmem>>, vector<16xi32>,
      %swap3A_249 = arith.constant 528 : index
      %swap3A_250 = tpu.vector_load %arg5[%swap3A_249] {strides = array<i32>} : memref<1040xi32, #tpu.memory_space<vmem>>, vector<16xi32>,
      tpu.vector_store %arg5[%swap3A_249], %broadcast_in_dim3A_179 {strides = array<i32>} : memref<1040xi32, #tpu.memory_space<vmem>>, vector<16xi32>,
      %swap3A_251 = arith.constant 544 : index
      %swap3A_252 = tpu.vector_load %arg5[%swap3A_251] {strides = array<i32>} : memref<1040xi32, #tpu.memory_space<vmem>>, vector<16xi32>,
      tpu.vector_store %arg5[%swap3A_251], %broadcast_in_dim3A_179 {strides = array<i32>} : memref<1040xi32, #tpu.memory_space<vmem>>, vector<16xi32>,
      %swap3A_253 = arith.constant 560 : index
      %swap3A_254 = tpu.vector_load %arg5[%swap3A_253] {strides = array<i32>} : memref<1040xi32, #tpu.memory_space<vmem>>, vector<16xi32>,
      tpu.vector_store %arg5[%swap3A_253], %broadcast_in_dim3A_179 {strides = array<i32>} : memref<1040xi32, #tpu.memory_space<vmem>>, vector<16xi32>,
      %swap3A_255 = arith.constant 576 : index
      %swap3A_256 = tpu.vector_load %arg5[%swap3A_255] {strides = array<i32>} : memref<1040xi32, #tpu.memory_space<vmem>>, vector<16xi32>,
      tpu.vector_store %arg5[%swap3A_255], %broadcast_in_dim3A_179 {strides = array<i32>} : memref<1040xi32, #tpu.memory_space<vmem>>, vector<16xi32>,
      %swap3A_257 = arith.constant 592 : index
      %swap3A_258 = tpu.vector_load %arg5[%swap3A_257] {strides = array<i32>} : memref<1040xi32, #tpu.memory_space<vmem>>, vector<16xi32>,
      tpu.vector_store %arg5[%swap3A_257], %broadcast_in_dim3A_179 {strides = array<i32>} : memref<1040xi32, #tpu.memory_space<vmem>>, vector<16xi32>,
      %swap3A_259 = arith.constant 608 : index
      %swap3A_260 = tpu.vector_load %arg5[%swap3A_259] {strides = array<i32>} : memref<1040xi32, #tpu.memory_space<vmem>>, vector<16xi32>,
      tpu.vector_store %arg5[%swap3A_259], %broadcast_in_dim3A_179 {strides = array<i32>} : memref<1040xi32, #tpu.memory_space<vmem>>, vector<16xi32>,
      %swap3A_261 = arith.constant 624 : index
      %swap3A_262 = tpu.vector_load %arg5[%swap3A_261] {strides = array<i32>} : memref<1040xi32, #tpu.memory_space<vmem>>, vector<16xi32>,
      tpu.vector_store %arg5[%swap3A_261], %broadcast_in_dim3A_179 {strides = array<i32>} : memref<1040xi32, #tpu.memory_space<vmem>>, vector<16xi32>,
      %swap3A_263 = arith.constant 640 : index
      %swap3A_264 = tpu.vector_load %arg5[%swap3A_263] {strides = array<i32>} : memref<1040xi32, #tpu.memory_space<vmem>>, vector<16xi32>,
      tpu.vector_store %arg5[%swap3A_263], %broadcast_in_dim3A_179 {strides = array<i32>} : memref<1040xi32, #tpu.memory_space<vmem>>, vector<16xi32>,
      %swap3A_265 = arith.constant 656 : index
      %swap3A_266 = tpu.vector_load %arg5[%swap3A_265] {strides = array<i32>} : memref<1040xi32, #tpu.memory_space<vmem>>, vector<16xi32>,
      tpu.vector_store %arg5[%swap3A_265], %broadcast_in_dim3A_179 {strides = array<i32>} : memref<1040xi32, #tpu.memory_space<vmem>>, vector<16xi32>,
      %swap3A_267 = arith.constant 672 : index
      %swap3A_268 = tpu.vector_load %arg5[%swap3A_267] {strides = array<i32>} : memref<1040xi32, #tpu.memory_space<vmem>>, vector<16xi32>,
      tpu.vector_store %arg5[%swap3A_267], %broadcast_in_dim3A_179 {strides = array<i32>} : memref<1040xi32, #tpu.memory_space<vmem>>, vector<16xi32>,
      %swap3A_269 = arith.constant 688 : index
      %swap3A_270 = tpu.vector_load %arg5[%swap3A_269] {strides = array<i32>} : memref<1040xi32, #tpu.memory_space<vmem>>, vector<16xi32>,
      tpu.vector_store %arg5[%swap3A_269], %broadcast_in_dim3A_179 {strides = array<i32>} : memref<1040xi32, #tpu.memory_space<vmem>>, vector<16xi32>,
      %swap3A_271 = arith.constant 704 : index
      %swap3A_272 = tpu.vector_load %arg5[%swap3A_271] {strides = array<i32>} : memref<1040xi32, #tpu.memory_space<vmem>>, vector<16xi32>,
      tpu.vector_store %arg5[%swap3A_271], %broadcast_in_dim3A_179 {strides = array<i32>} : memref<1040xi32, #tpu.memory_space<vmem>>, vector<16xi32>,
      %swap3A_273 = arith.constant 720 : index
      %swap3A_274 = tpu.vector_load %arg5[%swap3A_273] {strides = array<i32>} : memref<1040xi32, #tpu.memory_space<vmem>>, vector<16xi32>,
      tpu.vector_store %arg5[%swap3A_273], %broadcast_in_dim3A_179 {strides = array<i32>} : memref<1040xi32, #tpu.memory_space<vmem>>, vector<16xi32>,
      %swap3A_275 = arith.constant 736 : index
      %swap3A_276 = tpu.vector_load %arg5[%swap3A_275] {strides = array<i32>} : memref<1040xi32, #tpu.memory_space<vmem>>, vector<16xi32>,
      tpu.vector_store %arg5[%swap3A_275], %broadcast_in_dim3A_179 {strides = array<i32>} : memref<1040xi32, #tpu.memory_space<vmem>>, vector<16xi32>,
      %swap3A_277 = arith.constant 752 : index
      %swap3A_278 = tpu.vector_load %arg5[%swap3A_277] {strides = array<i32>} : memref<1040xi32, #tpu.memory_space<vmem>>, vector<16xi32>,
      tpu.vector_store %arg5[%swap3A_277], %broadcast_in_dim3A_179 {strides = array<i32>} : memref<1040xi32, #tpu.memory_space<vmem>>, vector<16xi32>,
      %swap3A_279 = arith.constant 768 : index
      %swap3A_280 = tpu.vector_load %arg5[%swap3A_279] {strides = array<i32>} : memref<1040xi32, #tpu.memory_space<vmem>>, vector<16xi32>,
      tpu.vector_store %arg5[%swap3A_279], %broadcast_in_dim3A_179 {strides = array<i32>} : memref<1040xi32, #tpu.memory_space<vmem>>, vector<16xi32>,
      %swap3A_281 = arith.constant 784 : index
      %swap3A_282 = tpu.vector_load %arg5[%swap3A_281] {strides = array<i32>} : memref<1040xi32, #tpu.memory_space<vmem>>, vector<16xi32>,
      tpu.vector_store %arg5[%swap3A_281], %broadcast_in_dim3A_179 {strides = array<i32>} : memref<1040xi32, #tpu.memory_space<vmem>>, vector<16xi32>,
      %swap3A_283 = arith.constant 800 : index
      %swap3A_284 = tpu.vector_load %arg5[%swap3A_283] {strides = array<i32>} : memref<1040xi32, #tpu.memory_space<vmem>>, vector<16xi32>,
      tpu.vector_store %arg5[%swap3A_283], %broadcast_in_dim3A_179 {strides = array<i32>} : memref<1040xi32, #tpu.memory_space<vmem>>, vector<16xi32>,
      %swap3A_285 = arith.constant 816 : index
      %swap3A_286 = tpu.vector_load %arg5[%swap3A_285] {strides = array<i32>} : memref<1040xi32, #tpu.memory_space<vmem>>, vector<16xi32>,
      tpu.vector_store %arg5[%swap3A_285], %broadcast_in_dim3A_179 {strides = array<i32>} : memref<1040xi32, #tpu.memory_space<vmem>>, vector<16xi32>,
      %swap3A_287 = arith.constant 832 : index
      %swap3A_288 = tpu.vector_load %arg5[%swap3A_287] {strides = array<i32>} : memref<1040xi32, #tpu.memory_space<vmem>>, vector<16xi32>,
      tpu.vector_store %arg5[%swap3A_287], %broadcast_in_dim3A_179 {strides = array<i32>} : memref<1040xi32, #tpu.memory_space<vmem>>, vector<16xi32>,
      %swap3A_289 = arith.constant 848 : index
      %swap3A_290 = tpu.vector_load %arg5[%swap3A_289] {strides = array<i32>} : memref<1040xi32, #tpu.memory_space<vmem>>, vector<16xi32>,
      tpu.vector_store %arg5[%swap3A_289], %broadcast_in_dim3A_179 {strides = array<i32>} : memref<1040xi32, #tpu.memory_space<vmem>>, vector<16xi32>,
      %swap3A_291 = arith.constant 864 : index
      %swap3A_292 = tpu.vector_load %arg5[%swap3A_291] {strides = array<i32>} : memref<1040xi32, #tpu.memory_space<vmem>>, vector<16xi32>,
      tpu.vector_store %arg5[%swap3A_291], %broadcast_in_dim3A_179 {strides = array<i32>} : memref<1040xi32, #tpu.memory_space<vmem>>, vector<16xi32>,
      %swap3A_293 = arith.constant 880 : index
      %swap3A_294 = tpu.vector_load %arg5[%swap3A_293] {strides = array<i32>} : memref<1040xi32, #tpu.memory_space<vmem>>, vector<16xi32>,
      tpu.vector_store %arg5[%swap3A_293], %broadcast_in_dim3A_179 {strides = array<i32>} : memref<1040xi32, #tpu.memory_space<vmem>>, vector<16xi32>,
      %swap3A_295 = arith.constant 896 : index
      %swap3A_296 = tpu.vector_load %arg5[%swap3A_295] {strides = array<i32>} : memref<1040xi32, #tpu.memory_space<vmem>>, vector<16xi32>,
      tpu.vector_store %arg5[%swap3A_295], %broadcast_in_dim3A_179 {strides = array<i32>} : memref<1040xi32, #tpu.memory_space<vmem>>, vector<16xi32>,
      %swap3A_297 = arith.constant 912 : index
      %swap3A_298 = tpu.vector_load %arg5[%swap3A_297] {strides = array<i32>} : memref<1040xi32, #tpu.memory_space<vmem>>, vector<16xi32>,
      tpu.vector_store %arg5[%swap3A_297], %broadcast_in_dim3A_179 {strides = array<i32>} : memref<1040xi32, #tpu.memory_space<vmem>>, vector<16xi32>,
      %swap3A_299 = arith.constant 928 : index
      %swap3A_300 = tpu.vector_load %arg5[%swap3A_299] {strides = array<i32>} : memref<1040xi32, #tpu.memory_space<vmem>>, vector<16xi32>,
      tpu.vector_store %arg5[%swap3A_299], %broadcast_in_dim3A_179 {strides = array<i32>} : memref<1040xi32, #tpu.memory_space<vmem>>, vector<16xi32>,
      %swap3A_301 = arith.constant 944 : index
      %swap3A_302 = tpu.vector_load %arg5[%swap3A_301] {strides = array<i32>} : memref<1040xi32, #tpu.memory_space<vmem>>, vector<16xi32>,
      tpu.vector_store %arg5[%swap3A_301], %broadcast_in_dim3A_179 {strides = array<i32>} : memref<1040xi32, #tpu.memory_space<vmem>>, vector<16xi32>,
      %swap3A_303 = arith.constant 960 : index
      %swap3A_304 = tpu.vector_load %arg5[%swap3A_303] {strides = array<i32>} : memref<1040xi32, #tpu.memory_space<vmem>>, vector<16xi32>,
      tpu.vector_store %arg5[%swap3A_303], %broadcast_in_dim3A_179 {strides = array<i32>} : memref<1040xi32, #tpu.memory_space<vmem>>, vector<16xi32>,
      %swap3A_305 = arith.constant 976 : index
      %swap3A_306 = tpu.vector_load %arg5[%swap3A_305] {strides = array<i32>} : memref<1040xi32, #tpu.memory_space<vmem>>, vector<16xi32>,
      tpu.vector_store %arg5[%swap3A_305], %broadcast_in_dim3A_179 {strides = array<i32>} : memref<1040xi32, #tpu.memory_space<vmem>>, vector<16xi32>,
      %swap3A_307 = arith.constant 992 : index
      %swap3A_308 = tpu.vector_load %arg5[%swap3A_307] {strides = array<i32>} : memref<1040xi32, #tpu.memory_space<vmem>>, vector<16xi32>,
      tpu.vector_store %arg5[%swap3A_307], %broadcast_in_dim3A_179 {strides = array<i32>} : memref<1040xi32, #tpu.memory_space<vmem>>, vector<16xi32>,
      %swap3A_309 = arith.constant 1008 : index
      %swap3A_310 = tpu.vector_load %arg5[%swap3A_309] {strides = array<i32>} : memref<1040xi32, #tpu.memory_space<vmem>>, vector<16xi32>,
      tpu.vector_store %arg5[%swap3A_309], %broadcast_in_dim3A_179 {strides = array<i32>} : memref<1040xi32, #tpu.memory_space<vmem>>, vector<16xi32>,
      %swap3A_311 = arith.constant 1024 : index
      %swap3A_312 = tpu.vector_load %arg5[%swap3A_311] {strides = array<i32>} : memref<1040xi32, #tpu.memory_space<vmem>>, vector<16xi32>,
      tpu.vector_store %arg5[%swap3A_311], %broadcast_in_dim3A_179 {strides = array<i32>} : memref<1040xi32, #tpu.memory_space<vmem>>, vector<16xi32>,
      %get3A = arith.constant 0 : i32
      %get3A_313 = arith.index_cast %get3A : i32 to index
      %get3A_314 = arith.constant 0 : index
      %get3A_315 = tpu.vector_load %arg4[%get3A_313, %get3A_314] {strides = array<i32>} : memref<32x32xi32, #tpu.memory_space<vmem>>, vector<16xi32>,
      %gt3A = arith.constant 0 : i32
      %gt3A_316 = vector.broadcast %gt3A : i32 to vector<16xi32>
      %gt3A_317 = arith.cmpi sgt, %get3A_315, %gt3A_316 : vector<16xi32>
      %broadcast_in_dim3A_318 = arith.constant true
      %broadcast_in_dim3A_319 = vector.broadcast %broadcast_in_dim3A_318 : i1 to vector<16xi1>
      %masked_cumsum3A = tpu.scan <sum>, %get3A_315 masked %broadcast_in_dim3A_319 : vector<16xi32>, vector<16xi1> -> vector<16xi32>
      %reduce_sum3A = arith.constant true
      %reduce_sum3A_320 = vector.broadcast %reduce_sum3A : i1 to vector<16xi1>
      %reduce_sum3A_321 = tpu.scan <sum>, %get3A_315 masked %reduce_sum3A_320 : vector<16xi32>, vector<16xi1> -> vector<16xi32>
      %reduce_sum3A_322 = vector.extract %reduce_sum3A_321[15] : i32 from vector<16xi32>
      %get3A_323 = arith.constant 0 : i32
      %get3A_324 = arith.index_cast %get3A_323 : i32 to index
      %get3A_325 = arith.constant 16 : index
      %get3A_326 = tpu.vector_load %arg4[%get3A_324, %get3A_325] {strides = array<i32>} : memref<32x32xi32, #tpu.memory_space<vmem>>, vector<16xi32>,
      %gt3A_327 = arith.constant 0 : i32
      %gt3A_328 = vector.broadcast %gt3A_327 : i32 to vector<16xi32>
      %gt3A_329 = arith.cmpi sgt, %get3A_326, %gt3A_328 : vector<16xi32>
      %broadcast_in_dim3A_330 = arith.constant true
      %broadcast_in_dim3A_331 = vector.broadcast %broadcast_in_dim3A_330 : i1 to vector<16xi1>
      %masked_cumsum3A_332 = tpu.scan <sum>, %get3A_326 masked %broadcast_in_dim3A_331 : vector<16xi32>, vector<16xi1> -> vector<16xi32>
      %reduce_sum3A_333 = arith.constant true
      %reduce_sum3A_334 = vector.broadcast %reduce_sum3A_333 : i1 to vector<16xi1>
      %reduce_sum3A_335 = tpu.scan <sum>, %get3A_326 masked %reduce_sum3A_334 : vector<16xi32>, vector<16xi1> -> vector<16xi32>
      %reduce_sum3A_336 = vector.extract %reduce_sum3A_335[15] : i32 from vector<16xi32>
      %get3A_337 = arith.constant 1 : i32
      %get3A_338 = arith.index_cast %get3A_337 : i32 to index
      %get3A_339 = arith.constant 0 : index
      %get3A_340 = tpu.vector_load %arg4[%get3A_338, %get3A_339] {strides = array<i32>} : memref<32x32xi32, #tpu.memory_space<vmem>>, vector<16xi32>,
      %gt3A_341 = arith.constant 0 : i32
      %gt3A_342 = vector.broadcast %gt3A_341 : i32 to vector<16xi32>
      %gt3A_343 = arith.cmpi sgt, %get3A_340, %gt3A_342 : vector<16xi32>
      %broadcast_in_dim3A_344 = arith.constant true
      %broadcast_in_dim3A_345 = vector.broadcast %broadcast_in_dim3A_344 : i1 to vector<16xi1>
      %masked_cumsum3A_346 = tpu.scan <sum>, %get3A_340 masked %broadcast_in_dim3A_345 : vector<16xi32>, vector<16xi1> -> vector<16xi32>
      %reduce_sum3A_347 = arith.constant true
      %reduce_sum3A_348 = vector.broadcast %reduce_sum3A_347 : i1 to vector<16xi1>
      %reduce_sum3A_349 = tpu.scan <sum>, %get3A_340 masked %reduce_sum3A_348 : vector<16xi32>, vector<16xi1> -> vector<16xi32>
      %reduce_sum3A_350 = vector.extract %reduce_sum3A_349[15] : i32 from vector<16xi32>
      %get3A_351 = arith.constant 1 : i32
      %get3A_352 = arith.index_cast %get3A_351 : i32 to index
      %get3A_353 = arith.constant 16 : index
      %get3A_354 = tpu.vector_load %arg4[%get3A_352, %get3A_353] {strides = array<i32>} : memref<32x32xi32, #tpu.memory_space<vmem>>, vector<16xi32>,
      %gt3A_355 = arith.constant 0 : i32
      %gt3A_356 = vector.broadcast %gt3A_355 : i32 to vector<16xi32>
      %gt3A_357 = arith.cmpi sgt, %get3A_354, %gt3A_356 : vector<16xi32>
      %broadcast_in_dim3A_358 = arith.constant true
      %broadcast_in_dim3A_359 = vector.broadcast %broadcast_in_dim3A_358 : i1 to vector<16xi1>
      %masked_cumsum3A_360 = tpu.scan <sum>, %get3A_354 masked %broadcast_in_dim3A_359 : vector<16xi32>, vector<16xi1> -> vector<16xi32>
      %reduce_sum3A_361 = arith.constant true
      %reduce_sum3A_362 = vector.broadcast %reduce_sum3A_361 : i1 to vector<16xi1>
      %reduce_sum3A_363 = tpu.scan <sum>, %get3A_354 masked %reduce_sum3A_362 : vector<16xi32>, vector<16xi1> -> vector<16xi32>
      %reduce_sum3A_364 = vector.extract %reduce_sum3A_363[15] : i32 from vector<16xi32>
      %get3A_365 = arith.constant 2 : i32
      %get3A_366 = arith.index_cast %get3A_365 : i32 to index
      %get3A_367 = arith.constant 0 : index
      %get3A_368 = tpu.vector_load %arg4[%get3A_366, %get3A_367] {strides = array<i32>} : memref<32x32xi32, #tpu.memory_space<vmem>>, vector<16xi32>,
      %gt3A_369 = arith.constant 0 : i32
      %gt3A_370 = vector.broadcast %gt3A_369 : i32 to vector<16xi32>
      %gt3A_371 = arith.cmpi sgt, %get3A_368, %gt3A_370 : vector<16xi32>
      %broadcast_in_dim3A_372 = arith.constant true
      %broadcast_in_dim3A_373 = vector.broadcast %broadcast_in_dim3A_372 : i1 to vector<16xi1>
      %masked_cumsum3A_374 = tpu.scan <sum>, %get3A_368 masked %broadcast_in_dim3A_373 : vector<16xi32>, vector<16xi1> -> vector<16xi32>
      %reduce_sum3A_375 = arith.constant true
      %reduce_sum3A_376 = vector.broadcast %reduce_sum3A_375 : i1 to vector<16xi1>
      %reduce_sum3A_377 = tpu.scan <sum>, %get3A_368 masked %reduce_sum3A_376 : vector<16xi32>, vector<16xi1> -> vector<16xi32>
      %reduce_sum3A_378 = vector.extract %reduce_sum3A_377[15] : i32 from vector<16xi32>
      %get3A_379 = arith.constant 2 : i32
      %get3A_380 = arith.index_cast %get3A_379 : i32 to index
      %get3A_381 = arith.constant 16 : index
      %get3A_382 = tpu.vector_load %arg4[%get3A_380, %get3A_381] {strides = array<i32>} : memref<32x32xi32, #tpu.memory_space<vmem>>, vector<16xi32>,
      %gt3A_383 = arith.constant 0 : i32
      %gt3A_384 = vector.broadcast %gt3A_383 : i32 to vector<16xi32>
      %gt3A_385 = arith.cmpi sgt, %get3A_382, %gt3A_384 : vector<16xi32>
      %broadcast_in_dim3A_386 = arith.constant true
      %broadcast_in_dim3A_387 = vector.broadcast %broadcast_in_dim3A_386 : i1 to vector<16xi1>
      %masked_cumsum3A_388 = tpu.scan <sum>, %get3A_382 masked %broadcast_in_dim3A_387 : vector<16xi32>, vector<16xi1> -> vector<16xi32>
      %reduce_sum3A_389 = arith.constant true
      %reduce_sum3A_390 = vector.broadcast %reduce_sum3A_389 : i1 to vector<16xi1>
      %reduce_sum3A_391 = tpu.scan <sum>, %get3A_382 masked %reduce_sum3A_390 : vector<16xi32>, vector<16xi1> -> vector<16xi32>
      %reduce_sum3A_392 = vector.extract %reduce_sum3A_391[15] : i32 from vector<16xi32>
      %get3A_393 = arith.constant 3 : i32
      %get3A_394 = arith.index_cast %get3A_393 : i32 to index
      %get3A_395 = arith.constant 0 : index
      %get3A_396 = tpu.vector_load %arg4[%get3A_394, %get3A_395] {strides = array<i32>} : memref<32x32xi32, #tpu.memory_space<vmem>>, vector<16xi32>,
      %gt3A_397 = arith.constant 0 : i32
      %gt3A_398 = vector.broadcast %gt3A_397 : i32 to vector<16xi32>
      %gt3A_399 = arith.cmpi sgt, %get3A_396, %gt3A_398 : vector<16xi32>
      %broadcast_in_dim3A_400 = arith.constant true
      %broadcast_in_dim3A_401 = vector.broadcast %broadcast_in_dim3A_400 : i1 to vector<16xi1>
      %masked_cumsum3A_402 = tpu.scan <sum>, %get3A_396 masked %broadcast_in_dim3A_401 : vector<16xi32>, vector<16xi1> -> vector<16xi32>
      %reduce_sum3A_403 = arith.constant true
      %reduce_sum3A_404 = vector.broadcast %reduce_sum3A_403 : i1 to vector<16xi1>
      %reduce_sum3A_405 = tpu.scan <sum>, %get3A_396 masked %reduce_sum3A_404 : vector<16xi32>, vector<16xi1> -> vector<16xi32>
      %reduce_sum3A_406 = vector.extract %reduce_sum3A_405[15] : i32 from vector<16xi32>
      %get3A_407 = arith.constant 3 : i32
      %get3A_408 = arith.index_cast %get3A_407 : i32 to index
      %get3A_409 = arith.constant 16 : index
      %get3A_410 = tpu.vector_load %arg4[%get3A_408, %get3A_409] {strides = array<i32>} : memref<32x32xi32, #tpu.memory_space<vmem>>, vector<16xi32>,
      %gt3A_411 = arith.constant 0 : i32
      %gt3A_412 = vector.broadcast %gt3A_411 : i32 to vector<16xi32>
      %gt3A_413 = arith.cmpi sgt, %get3A_410, %gt3A_412 : vector<16xi32>
      %broadcast_in_dim3A_414 = arith.constant true
      %broadcast_in_dim3A_415 = vector.broadcast %broadcast_in_dim3A_414 : i1 to vector<16xi1>
      %masked_cumsum3A_416 = tpu.scan <sum>, %get3A_410 masked %broadcast_in_dim3A_415 : vector<16xi32>, vector<16xi1> -> vector<16xi32>
      %reduce_sum3A_417 = arith.constant true
      %reduce_sum3A_418 = vector.broadcast %reduce_sum3A_417 : i1 to vector<16xi1>
      %reduce_sum3A_419 = tpu.scan <sum>, %get3A_410 masked %reduce_sum3A_418 : vector<16xi32>, vector<16xi1> -> vector<16xi32>
      %reduce_sum3A_420 = vector.extract %reduce_sum3A_419[15] : i32 from vector<16xi32>
      %get3A_421 = arith.constant 4 : i32
      %get3A_422 = arith.index_cast %get3A_421 : i32 to index
      %get3A_423 = arith.constant 0 : index
      %get3A_424 = tpu.vector_load %arg4[%get3A_422, %get3A_423] {strides = array<i32>} : memref<32x32xi32, #tpu.memory_space<vmem>>, vector<16xi32>,
      %gt3A_425 = arith.constant 0 : i32
      %gt3A_426 = vector.broadcast %gt3A_425 : i32 to vector<16xi32>
      %gt3A_427 = arith.cmpi sgt, %get3A_424, %gt3A_426 : vector<16xi32>
      %broadcast_in_dim3A_428 = arith.constant true
      %broadcast_in_dim3A_429 = vector.broadcast %broadcast_in_dim3A_428 : i1 to vector<16xi1>
      %masked_cumsum3A_430 = tpu.scan <sum>, %get3A_424 masked %broadcast_in_dim3A_429 : vector<16xi32>, vector<16xi1> -> vector<16xi32>
      %reduce_sum3A_431 = arith.constant true
      %reduce_sum3A_432 = vector.broadcast %reduce_sum3A_431 : i1 to vector<16xi1>
      %reduce_sum3A_433 = tpu.scan <sum>, %get3A_424 masked %reduce_sum3A_432 : vector<16xi32>, vector<16xi1> -> vector<16xi32>
      %reduce_sum3A_434 = vector.extract %reduce_sum3A_433[15] : i32 from vector<16xi32>
      %get3A_435 = arith.constant 4 : i32
      %get3A_436 = arith.index_cast %get3A_435 : i32 to index
      %get3A_437 = arith.constant 16 : index
      %get3A_438 = tpu.vector_load %arg4[%get3A_436, %get3A_437] {strides = array<i32>} : memref<32x32xi32, #tpu.memory_space<vmem>>, vector<16xi32>,
      %gt3A_439 = arith.constant 0 : i32
      %gt3A_440 = vector.broadcast %gt3A_439 : i32 to vector<16xi32>
      %gt3A_441 = arith.cmpi sgt, %get3A_438, %gt3A_440 : vector<16xi32>
      %broadcast_in_dim3A_442 = arith.constant true
      %broadcast_in_dim3A_443 = vector.broadcast %broadcast_in_dim3A_442 : i1 to vector<16xi1>
      %masked_cumsum3A_444 = tpu.scan <sum>, %get3A_438 masked %broadcast_in_dim3A_443 : vector<16xi32>, vector<16xi1> -> vector<16xi32>
      %reduce_sum3A_445 = arith.constant true
      %reduce_sum3A_446 = vector.broadcast %reduce_sum3A_445 : i1 to vector<16xi1>
      %reduce_sum3A_447 = tpu.scan <sum>, %get3A_438 masked %reduce_sum3A_446 : vector<16xi32>, vector<16xi1> -> vector<16xi32>
      %reduce_sum3A_448 = vector.extract %reduce_sum3A_447[15] : i32 from vector<16xi32>
      %get3A_449 = arith.constant 5 : i32
      %get3A_450 = arith.index_cast %get3A_449 : i32 to index
      %get3A_451 = arith.constant 0 : index
      %get3A_452 = tpu.vector_load %arg4[%get3A_450, %get3A_451] {strides = array<i32>} : memref<32x32xi32, #tpu.memory_space<vmem>>, vector<16xi32>,
      %gt3A_453 = arith.constant 0 : i32
      %gt3A_454 = vector.broadcast %gt3A_453 : i32 to vector<16xi32>
      %gt3A_455 = arith.cmpi sgt, %get3A_452, %gt3A_454 : vector<16xi32>
      %broadcast_in_dim3A_456 = arith.constant true
      %broadcast_in_dim3A_457 = vector.broadcast %broadcast_in_dim3A_456 : i1 to vector<16xi1>
      %masked_cumsum3A_458 = tpu.scan <sum>, %get3A_452 masked %broadcast_in_dim3A_457 : vector<16xi32>, vector<16xi1> -> vector<16xi32>
      %reduce_sum3A_459 = arith.constant true
      %reduce_sum3A_460 = vector.broadcast %reduce_sum3A_459 : i1 to vector<16xi1>
      %reduce_sum3A_461 = tpu.scan <sum>, %get3A_452 masked %reduce_sum3A_460 : vector<16xi32>, vector<16xi1> -> vector<16xi32>
      %reduce_sum3A_462 = vector.extract %reduce_sum3A_461[15] : i32 from vector<16xi32>
      %get3A_463 = arith.constant 5 : i32
      %get3A_464 = arith.index_cast %get3A_463 : i32 to index
      %get3A_465 = arith.constant 16 : index
      %get3A_466 = tpu.vector_load %arg4[%get3A_464, %get3A_465] {strides = array<i32>} : memref<32x32xi32, #tpu.memory_space<vmem>>, vector<16xi32>,
      %gt3A_467 = arith.constant 0 : i32
      %gt3A_468 = vector.broadcast %gt3A_467 : i32 to vector<16xi32>
      %gt3A_469 = arith.cmpi sgt, %get3A_466, %gt3A_468 : vector<16xi32>
      %broadcast_in_dim3A_470 = arith.constant true
      %broadcast_in_dim3A_471 = vector.broadcast %broadcast_in_dim3A_470 : i1 to vector<16xi1>
      %masked_cumsum3A_472 = tpu.scan <sum>, %get3A_466 masked %broadcast_in_dim3A_471 : vector<16xi32>, vector<16xi1> -> vector<16xi32>
      %reduce_sum3A_473 = arith.constant true
      %reduce_sum3A_474 = vector.broadcast %reduce_sum3A_473 : i1 to vector<16xi1>
      %reduce_sum3A_475 = tpu.scan <sum>, %get3A_466 masked %reduce_sum3A_474 : vector<16xi32>, vector<16xi1> -> vector<16xi32>
      %reduce_sum3A_476 = vector.extract %reduce_sum3A_475[15] : i32 from vector<16xi32>
      %get3A_477 = arith.constant 6 : i32
      %get3A_478 = arith.index_cast %get3A_477 : i32 to index
      %get3A_479 = arith.constant 0 : index
      %get3A_480 = tpu.vector_load %arg4[%get3A_478, %get3A_479] {strides = array<i32>} : memref<32x32xi32, #tpu.memory_space<vmem>>, vector<16xi32>,
      %gt3A_481 = arith.constant 0 : i32
      %gt3A_482 = vector.broadcast %gt3A_481 : i32 to vector<16xi32>
      %gt3A_483 = arith.cmpi sgt, %get3A_480, %gt3A_482 : vector<16xi32>
      %broadcast_in_dim3A_484 = arith.constant true
      %broadcast_in_dim3A_485 = vector.broadcast %broadcast_in_dim3A_484 : i1 to vector<16xi1>
      %masked_cumsum3A_486 = tpu.scan <sum>, %get3A_480 masked %broadcast_in_dim3A_485 : vector<16xi32>, vector<16xi1> -> vector<16xi32>
      %reduce_sum3A_487 = arith.constant true
      %reduce_sum3A_488 = vector.broadcast %reduce_sum3A_487 : i1 to vector<16xi1>
      %reduce_sum3A_489 = tpu.scan <sum>, %get3A_480 masked %reduce_sum3A_488 : vector<16xi32>, vector<16xi1> -> vector<16xi32>
      %reduce_sum3A_490 = vector.extract %reduce_sum3A_489[15] : i32 from vector<16xi32>
      %get3A_491 = arith.constant 6 : i32
      %get3A_492 = arith.index_cast %get3A_491 : i32 to index
      %get3A_493 = arith.constant 16 : index
      %get3A_494 = tpu.vector_load %arg4[%get3A_492, %get3A_493] {strides = array<i32>} : memref<32x32xi32, #tpu.memory_space<vmem>>, vector<16xi32>,
      %gt3A_495 = arith.constant 0 : i32
      %gt3A_496 = vector.broadcast %gt3A_495 : i32 to vector<16xi32>
      %gt3A_497 = arith.cmpi sgt, %get3A_494, %gt3A_496 : vector<16xi32>
      %broadcast_in_dim3A_498 = arith.constant true
      %broadcast_in_dim3A_499 = vector.broadcast %broadcast_in_dim3A_498 : i1 to vector<16xi1>
      %masked_cumsum3A_500 = tpu.scan <sum>, %get3A_494 masked %broadcast_in_dim3A_499 : vector<16xi32>, vector<16xi1> -> vector<16xi32>
      %reduce_sum3A_501 = arith.constant true
      %reduce_sum3A_502 = vector.broadcast %reduce_sum3A_501 : i1 to vector<16xi1>
      %reduce_sum3A_503 = tpu.scan <sum>, %get3A_494 masked %reduce_sum3A_502 : vector<16xi32>, vector<16xi1> -> vector<16xi32>
      %reduce_sum3A_504 = vector.extract %reduce_sum3A_503[15] : i32 from vector<16xi32>
      %get3A_505 = arith.constant 7 : i32
      %get3A_506 = arith.index_cast %get3A_505 : i32 to index
      %get3A_507 = arith.constant 0 : index
      %get3A_508 = tpu.vector_load %arg4[%get3A_506, %get3A_507] {strides = array<i32>} : memref<32x32xi32, #tpu.memory_space<vmem>>, vector<16xi32>,
      %gt3A_509 = arith.constant 0 : i32
      %gt3A_510 = vector.broadcast %gt3A_509 : i32 to vector<16xi32>
      %gt3A_511 = arith.cmpi sgt, %get3A_508, %gt3A_510 : vector<16xi32>
      %broadcast_in_dim3A_512 = arith.constant true
      %broadcast_in_dim3A_513 = vector.broadcast %broadcast_in_dim3A_512 : i1 to vector<16xi1>
      %masked_cumsum3A_514 = tpu.scan <sum>, %get3A_508 masked %broadcast_in_dim3A_513 : vector<16xi32>, vector<16xi1> -> vector<16xi32>
      %reduce_sum3A_515 = arith.constant true
      %reduce_sum3A_516 = vector.broadcast %reduce_sum3A_515 : i1 to vector<16xi1>
      %reduce_sum3A_517 = tpu.scan <sum>, %get3A_508 masked %reduce_sum3A_516 : vector<16xi32>, vector<16xi1> -> vector<16xi32>
      %reduce_sum3A_518 = vector.extract %reduce_sum3A_517[15] : i32 from vector<16xi32>
      %get3A_519 = arith.constant 7 : i32
      %get3A_520 = arith.index_cast %get3A_519 : i32 to index
      %get3A_521 = arith.constant 16 : index
      %get3A_522 = tpu.vector_load %arg4[%get3A_520, %get3A_521] {strides = array<i32>} : memref<32x32xi32, #tpu.memory_space<vmem>>, vector<16xi32>,
      %gt3A_523 = arith.constant 0 : i32
      %gt3A_524 = vector.broadcast %gt3A_523 : i32 to vector<16xi32>
      %gt3A_525 = arith.cmpi sgt, %get3A_522, %gt3A_524 : vector<16xi32>
      %broadcast_in_dim3A_526 = arith.constant true
      %broadcast_in_dim3A_527 = vector.broadcast %broadcast_in_dim3A_526 : i1 to vector<16xi1>
      %masked_cumsum3A_528 = tpu.scan <sum>, %get3A_522 masked %broadcast_in_dim3A_527 : vector<16xi32>, vector<16xi1> -> vector<16xi32>
      %reduce_sum3A_529 = arith.constant true
      %reduce_sum3A_530 = vector.broadcast %reduce_sum3A_529 : i1 to vector<16xi1>
      %reduce_sum3A_531 = tpu.scan <sum>, %get3A_522 masked %reduce_sum3A_530 : vector<16xi32>, vector<16xi1> -> vector<16xi32>
      %reduce_sum3A_532 = vector.extract %reduce_sum3A_531[15] : i32 from vector<16xi32>
      %get3A_533 = arith.constant 8 : i32
      %get3A_534 = arith.index_cast %get3A_533 : i32 to index
      %get3A_535 = arith.constant 0 : index
      %get3A_536 = tpu.vector_load %arg4[%get3A_534, %get3A_535] {strides = array<i32>} : memref<32x32xi32, #tpu.memory_space<vmem>>, vector<16xi32>,
      %gt3A_537 = arith.constant 0 : i32
      %gt3A_538 = vector.broadcast %gt3A_537 : i32 to vector<16xi32>
      %gt3A_539 = arith.cmpi sgt, %get3A_536, %gt3A_538 : vector<16xi32>
      %broadcast_in_dim3A_540 = arith.constant true
      %broadcast_in_dim3A_541 = vector.broadcast %broadcast_in_dim3A_540 : i1 to vector<16xi1>
      %masked_cumsum3A_542 = tpu.scan <sum>, %get3A_536 masked %broadcast_in_dim3A_541 : vector<16xi32>, vector<16xi1> -> vector<16xi32>
      %reduce_sum3A_543 = arith.constant true
      %reduce_sum3A_544 = vector.broadcast %reduce_sum3A_543 : i1 to vector<16xi1>
      %reduce_sum3A_545 = tpu.scan <sum>, %get3A_536 masked %reduce_sum3A_544 : vector<16xi32>, vector<16xi1> -> vector<16xi32>
      %reduce_sum3A_546 = vector.extract %reduce_sum3A_545[15] : i32 from vector<16xi32>
      %get3A_547 = arith.constant 8 : i32
      %get3A_548 = arith.index_cast %get3A_547 : i32 to index
      %get3A_549 = arith.constant 16 : index
      %get3A_550 = tpu.vector_load %arg4[%get3A_548, %get3A_549] {strides = array<i32>} : memref<32x32xi32, #tpu.memory_space<vmem>>, vector<16xi32>,
      %gt3A_551 = arith.constant 0 : i32
      %gt3A_552 = vector.broadcast %gt3A_551 : i32 to vector<16xi32>
      %gt3A_553 = arith.cmpi sgt, %get3A_550, %gt3A_552 : vector<16xi32>
      %broadcast_in_dim3A_554 = arith.constant true
      %broadcast_in_dim3A_555 = vector.broadcast %broadcast_in_dim3A_554 : i1 to vector<16xi1>
      %masked_cumsum3A_556 = tpu.scan <sum>, %get3A_550 masked %broadcast_in_dim3A_555 : vector<16xi32>, vector<16xi1> -> vector<16xi32>
      %reduce_sum3A_557 = arith.constant true
      %reduce_sum3A_558 = vector.broadcast %reduce_sum3A_557 : i1 to vector<16xi1>
      %reduce_sum3A_559 = tpu.scan <sum>, %get3A_550 masked %reduce_sum3A_558 : vector<16xi32>, vector<16xi1> -> vector<16xi32>
      %reduce_sum3A_560 = vector.extract %reduce_sum3A_559[15] : i32 from vector<16xi32>
      %get3A_561 = arith.constant 9 : i32
      %get3A_562 = arith.index_cast %get3A_561 : i32 to index
      %get3A_563 = arith.constant 0 : index
      %get3A_564 = tpu.vector_load %arg4[%get3A_562, %get3A_563] {strides = array<i32>} : memref<32x32xi32, #tpu.memory_space<vmem>>, vector<16xi32>,
      %gt3A_565 = arith.constant 0 : i32
      %gt3A_566 = vector.broadcast %gt3A_565 : i32 to vector<16xi32>
      %gt3A_567 = arith.cmpi sgt, %get3A_564, %gt3A_566 : vector<16xi32>
      %broadcast_in_dim3A_568 = arith.constant true
      %broadcast_in_dim3A_569 = vector.broadcast %broadcast_in_dim3A_568 : i1 to vector<16xi1>
      %masked_cumsum3A_570 = tpu.scan <sum>, %get3A_564 masked %broadcast_in_dim3A_569 : vector<16xi32>, vector<16xi1> -> vector<16xi32>
      %reduce_sum3A_571 = arith.constant true
      %reduce_sum3A_572 = vector.broadcast %reduce_sum3A_571 : i1 to vector<16xi1>
      %reduce_sum3A_573 = tpu.scan <sum>, %get3A_564 masked %reduce_sum3A_572 : vector<16xi32>, vector<16xi1> -> vector<16xi32>
      %reduce_sum3A_574 = vector.extract %reduce_sum3A_573[15] : i32 from vector<16xi32>
      %get3A_575 = arith.constant 9 : i32
      %get3A_576 = arith.index_cast %get3A_575 : i32 to index
      %get3A_577 = arith.constant 16 : index
      %get3A_578 = tpu.vector_load %arg4[%get3A_576, %get3A_577] {strides = array<i32>} : memref<32x32xi32, #tpu.memory_space<vmem>>, vector<16xi32>,
      %gt3A_579 = arith.constant 0 : i32
      %gt3A_580 = vector.broadcast %gt3A_579 : i32 to vector<16xi32>
      %gt3A_581 = arith.cmpi sgt, %get3A_578, %gt3A_580 : vector<16xi32>
      %broadcast_in_dim3A_582 = arith.constant true
      %broadcast_in_dim3A_583 = vector.broadcast %broadcast_in_dim3A_582 : i1 to vector<16xi1>
      %masked_cumsum3A_584 = tpu.scan <sum>, %get3A_578 masked %broadcast_in_dim3A_583 : vector<16xi32>, vector<16xi1> -> vector<16xi32>
      %reduce_sum3A_585 = arith.constant true
      %reduce_sum3A_586 = vector.broadcast %reduce_sum3A_585 : i1 to vector<16xi1>
      %reduce_sum3A_587 = tpu.scan <sum>, %get3A_578 masked %reduce_sum3A_586 : vector<16xi32>, vector<16xi1> -> vector<16xi32>
      %reduce_sum3A_588 = vector.extract %reduce_sum3A_587[15] : i32 from vector<16xi32>
      %get3A_589 = arith.constant 10 : i32
      %get3A_590 = arith.index_cast %get3A_589 : i32 to index
      %get3A_591 = arith.constant 0 : index
      %get3A_592 = tpu.vector_load %arg4[%get3A_590, %get3A_591] {strides = array<i32>} : memref<32x32xi32, #tpu.memory_space<vmem>>, vector<16xi32>,
      %gt3A_593 = arith.constant 0 : i32
      %gt3A_594 = vector.broadcast %gt3A_593 : i32 to vector<16xi32>
      %gt3A_595 = arith.cmpi sgt, %get3A_592, %gt3A_594 : vector<16xi32>
      %broadcast_in_dim3A_596 = arith.constant true
      %broadcast_in_dim3A_597 = vector.broadcast %broadcast_in_dim3A_596 : i1 to vector<16xi1>
      %masked_cumsum3A_598 = tpu.scan <sum>, %get3A_592 masked %broadcast_in_dim3A_597 : vector<16xi32>, vector<16xi1> -> vector<16xi32>
      %reduce_sum3A_599 = arith.constant true
      %reduce_sum3A_600 = vector.broadcast %reduce_sum3A_599 : i1 to vector<16xi1>
      %reduce_sum3A_601 = tpu.scan <sum>, %get3A_592 masked %reduce_sum3A_600 : vector<16xi32>, vector<16xi1> -> vector<16xi32>
      %reduce_sum3A_602 = vector.extract %reduce_sum3A_601[15] : i32 from vector<16xi32>
      %get3A_603 = arith.constant 10 : i32
      %get3A_604 = arith.index_cast %get3A_603 : i32 to index
      %get3A_605 = arith.constant 16 : index
      %get3A_606 = tpu.vector_load %arg4[%get3A_604, %get3A_605] {strides = array<i32>} : memref<32x32xi32, #tpu.memory_space<vmem>>, vector<16xi32>,
      %gt3A_607 = arith.constant 0 : i32
      %gt3A_608 = vector.broadcast %gt3A_607 : i32 to vector<16xi32>
      %gt3A_609 = arith.cmpi sgt, %get3A_606, %gt3A_608 : vector<16xi32>
      %broadcast_in_dim3A_610 = arith.constant true
      %broadcast_in_dim3A_611 = vector.broadcast %broadcast_in_dim3A_610 : i1 to vector<16xi1>
      %masked_cumsum3A_612 = tpu.scan <sum>, %get3A_606 masked %broadcast_in_dim3A_611 : vector<16xi32>, vector<16xi1> -> vector<16xi32>
      %reduce_sum3A_613 = arith.constant true
      %reduce_sum3A_614 = vector.broadcast %reduce_sum3A_613 : i1 to vector<16xi1>
      %reduce_sum3A_615 = tpu.scan <sum>, %get3A_606 masked %reduce_sum3A_614 : vector<16xi32>, vector<16xi1> -> vector<16xi32>
      %reduce_sum3A_616 = vector.extract %reduce_sum3A_615[15] : i32 from vector<16xi32>
      %get3A_617 = arith.constant 11 : i32
      %get3A_618 = arith.index_cast %get3A_617 : i32 to index
      %get3A_619 = arith.constant 0 : index
      %get3A_620 = tpu.vector_load %arg4[%get3A_618, %get3A_619] {strides = array<i32>} : memref<32x32xi32, #tpu.memory_space<vmem>>, vector<16xi32>,
      %gt3A_621 = arith.constant 0 : i32
      %gt3A_622 = vector.broadcast %gt3A_621 : i32 to vector<16xi32>
      %gt3A_623 = arith.cmpi sgt, %get3A_620, %gt3A_622 : vector<16xi32>
      %broadcast_in_dim3A_624 = arith.constant true
      %broadcast_in_dim3A_625 = vector.broadcast %broadcast_in_dim3A_624 : i1 to vector<16xi1>
      %masked_cumsum3A_626 = tpu.scan <sum>, %get3A_620 masked %broadcast_in_dim3A_625 : vector<16xi32>, vector<16xi1> -> vector<16xi32>
      %reduce_sum3A_627 = arith.constant true
      %reduce_sum3A_628 = vector.broadcast %reduce_sum3A_627 : i1 to vector<16xi1>
      %reduce_sum3A_629 = tpu.scan <sum>, %get3A_620 masked %reduce_sum3A_628 : vector<16xi32>, vector<16xi1> -> vector<16xi32>
      %reduce_sum3A_630 = vector.extract %reduce_sum3A_629[15] : i32 from vector<16xi32>
      %get3A_631 = arith.constant 11 : i32
      %get3A_632 = arith.index_cast %get3A_631 : i32 to index
      %get3A_633 = arith.constant 16 : index
      %get3A_634 = tpu.vector_load %arg4[%get3A_632, %get3A_633] {strides = array<i32>} : memref<32x32xi32, #tpu.memory_space<vmem>>, vector<16xi32>,
      %gt3A_635 = arith.constant 0 : i32
      %gt3A_636 = vector.broadcast %gt3A_635 : i32 to vector<16xi32>
      %gt3A_637 = arith.cmpi sgt, %get3A_634, %gt3A_636 : vector<16xi32>
      %broadcast_in_dim3A_638 = arith.constant true
      %broadcast_in_dim3A_639 = vector.broadcast %broadcast_in_dim3A_638 : i1 to vector<16xi1>
      %masked_cumsum3A_640 = tpu.scan <sum>, %get3A_634 masked %broadcast_in_dim3A_639 : vector<16xi32>, vector<16xi1> -> vector<16xi32>
      %reduce_sum3A_641 = arith.constant true
      %reduce_sum3A_642 = vector.broadcast %reduce_sum3A_641 : i1 to vector<16xi1>
      %reduce_sum3A_643 = tpu.scan <sum>, %get3A_634 masked %reduce_sum3A_642 : vector<16xi32>, vector<16xi1> -> vector<16xi32>
      %reduce_sum3A_644 = vector.extract %reduce_sum3A_643[15] : i32 from vector<16xi32>
      %get3A_645 = arith.constant 12 : i32
      %get3A_646 = arith.index_cast %get3A_645 : i32 to index
      %get3A_647 = arith.constant 0 : index
      %get3A_648 = tpu.vector_load %arg4[%get3A_646, %get3A_647] {strides = array<i32>} : memref<32x32xi32, #tpu.memory_space<vmem>>, vector<16xi32>,
      %gt3A_649 = arith.constant 0 : i32
      %gt3A_650 = vector.broadcast %gt3A_649 : i32 to vector<16xi32>
      %gt3A_651 = arith.cmpi sgt, %get3A_648, %gt3A_650 : vector<16xi32>
      %broadcast_in_dim3A_652 = arith.constant true
      %broadcast_in_dim3A_653 = vector.broadcast %broadcast_in_dim3A_652 : i1 to vector<16xi1>
      %masked_cumsum3A_654 = tpu.scan <sum>, %get3A_648 masked %broadcast_in_dim3A_653 : vector<16xi32>, vector<16xi1> -> vector<16xi32>
      %reduce_sum3A_655 = arith.constant true
      %reduce_sum3A_656 = vector.broadcast %reduce_sum3A_655 : i1 to vector<16xi1>
      %reduce_sum3A_657 = tpu.scan <sum>, %get3A_648 masked %reduce_sum3A_656 : vector<16xi32>, vector<16xi1> -> vector<16xi32>
      %reduce_sum3A_658 = vector.extract %reduce_sum3A_657[15] : i32 from vector<16xi32>
      %get3A_659 = arith.constant 12 : i32
      %get3A_660 = arith.index_cast %get3A_659 : i32 to index
      %get3A_661 = arith.constant 16 : index
      %get3A_662 = tpu.vector_load %arg4[%get3A_660, %get3A_661] {strides = array<i32>} : memref<32x32xi32, #tpu.memory_space<vmem>>, vector<16xi32>,
      %gt3A_663 = arith.constant 0 : i32
      %gt3A_664 = vector.broadcast %gt3A_663 : i32 to vector<16xi32>
      %gt3A_665 = arith.cmpi sgt, %get3A_662, %gt3A_664 : vector<16xi32>
      %broadcast_in_dim3A_666 = arith.constant true
      %broadcast_in_dim3A_667 = vector.broadcast %broadcast_in_dim3A_666 : i1 to vector<16xi1>
      %masked_cumsum3A_668 = tpu.scan <sum>, %get3A_662 masked %broadcast_in_dim3A_667 : vector<16xi32>, vector<16xi1> -> vector<16xi32>
      %reduce_sum3A_669 = arith.constant true
      %reduce_sum3A_670 = vector.broadcast %reduce_sum3A_669 : i1 to vector<16xi1>
      %reduce_sum3A_671 = tpu.scan <sum>, %get3A_662 masked %reduce_sum3A_670 : vector<16xi32>, vector<16xi1> -> vector<16xi32>
      %reduce_sum3A_672 = vector.extract %reduce_sum3A_671[15] : i32 from vector<16xi32>
      %get3A_673 = arith.constant 13 : i32
      %get3A_674 = arith.index_cast %get3A_673 : i32 to index
      %get3A_675 = arith.constant 0 : index
      %get3A_676 = tpu.vector_load %arg4[%get3A_674, %get3A_675] {strides = array<i32>} : memref<32x32xi32, #tpu.memory_space<vmem>>, vector<16xi32>,
      %gt3A_677 = arith.constant 0 : i32
      %gt3A_678 = vector.broadcast %gt3A_677 : i32 to vector<16xi32>
      %gt3A_679 = arith.cmpi sgt, %get3A_676, %gt3A_678 : vector<16xi32>
      %broadcast_in_dim3A_680 = arith.constant true
      %broadcast_in_dim3A_681 = vector.broadcast %broadcast_in_dim3A_680 : i1 to vector<16xi1>
      %masked_cumsum3A_682 = tpu.scan <sum>, %get3A_676 masked %broadcast_in_dim3A_681 : vector<16xi32>, vector<16xi1> -> vector<16xi32>
      %reduce_sum3A_683 = arith.constant true
      %reduce_sum3A_684 = vector.broadcast %reduce_sum3A_683 : i1 to vector<16xi1>
      %reduce_sum3A_685 = tpu.scan <sum>, %get3A_676 masked %reduce_sum3A_684 : vector<16xi32>, vector<16xi1> -> vector<16xi32>
      %reduce_sum3A_686 = vector.extract %reduce_sum3A_685[15] : i32 from vector<16xi32>
      %get3A_687 = arith.constant 13 : i32
      %get3A_688 = arith.index_cast %get3A_687 : i32 to index
      %get3A_689 = arith.constant 16 : index
      %get3A_690 = tpu.vector_load %arg4[%get3A_688, %get3A_689] {strides = array<i32>} : memref<32x32xi32, #tpu.memory_space<vmem>>, vector<16xi32>,
      %gt3A_691 = arith.constant 0 : i32
      %gt3A_692 = vector.broadcast %gt3A_691 : i32 to vector<16xi32>
      %gt3A_693 = arith.cmpi sgt, %get3A_690, %gt3A_692 : vector<16xi32>
      %broadcast_in_dim3A_694 = arith.constant true
      %broadcast_in_dim3A_695 = vector.broadcast %broadcast_in_dim3A_694 : i1 to vector<16xi1>
      %masked_cumsum3A_696 = tpu.scan <sum>, %get3A_690 masked %broadcast_in_dim3A_695 : vector<16xi32>, vector<16xi1> -> vector<16xi32>
      %reduce_sum3A_697 = arith.constant true
      %reduce_sum3A_698 = vector.broadcast %reduce_sum3A_697 : i1 to vector<16xi1>
      %reduce_sum3A_699 = tpu.scan <sum>, %get3A_690 masked %reduce_sum3A_698 : vector<16xi32>, vector<16xi1> -> vector<16xi32>
      %reduce_sum3A_700 = vector.extract %reduce_sum3A_699[15] : i32 from vector<16xi32>
      %get3A_701 = arith.constant 14 : i32
      %get3A_702 = arith.index_cast %get3A_701 : i32 to index
      %get3A_703 = arith.constant 0 : index
      %get3A_704 = tpu.vector_load %arg4[%get3A_702, %get3A_703] {strides = array<i32>} : memref<32x32xi32, #tpu.memory_space<vmem>>, vector<16xi32>,
      %gt3A_705 = arith.constant 0 : i32
      %gt3A_706 = vector.broadcast %gt3A_705 : i32 to vector<16xi32>
      %gt3A_707 = arith.cmpi sgt, %get3A_704, %gt3A_706 : vector<16xi32>
      %broadcast_in_dim3A_708 = arith.constant true
      %broadcast_in_dim3A_709 = vector.broadcast %broadcast_in_dim3A_708 : i1 to vector<16xi1>
      %masked_cumsum3A_710 = tpu.scan <sum>, %get3A_704 masked %broadcast_in_dim3A_709 : vector<16xi32>, vector<16xi1> -> vector<16xi32>
      %reduce_sum3A_711 = arith.constant true
      %reduce_sum3A_712 = vector.broadcast %reduce_sum3A_711 : i1 to vector<16xi1>
      %reduce_sum3A_713 = tpu.scan <sum>, %get3A_704 masked %reduce_sum3A_712 : vector<16xi32>, vector<16xi1> -> vector<16xi32>
      %reduce_sum3A_714 = vector.extract %reduce_sum3A_713[15] : i32 from vector<16xi32>
      %get3A_715 = arith.constant 14 : i32
      %get3A_716 = arith.index_cast %get3A_715 : i32 to index
      %get3A_717 = arith.constant 16 : index
      %get3A_718 = tpu.vector_load %arg4[%get3A_716, %get3A_717] {strides = array<i32>} : memref<32x32xi32, #tpu.memory_space<vmem>>, vector<16xi32>,
      %gt3A_719 = arith.constant 0 : i32
      %gt3A_720 = vector.broadcast %gt3A_719 : i32 to vector<16xi32>
      %gt3A_721 = arith.cmpi sgt, %get3A_718, %gt3A_720 : vector<16xi32>
      %broadcast_in_dim3A_722 = arith.constant true
      %broadcast_in_dim3A_723 = vector.broadcast %broadcast_in_dim3A_722 : i1 to vector<16xi1>
      %masked_cumsum3A_724 = tpu.scan <sum>, %get3A_718 masked %broadcast_in_dim3A_723 : vector<16xi32>, vector<16xi1> -> vector<16xi32>
      %reduce_sum3A_725 = arith.constant true
      %reduce_sum3A_726 = vector.broadcast %reduce_sum3A_725 : i1 to vector<16xi1>
      %reduce_sum3A_727 = tpu.scan <sum>, %get3A_718 masked %reduce_sum3A_726 : vector<16xi32>, vector<16xi1> -> vector<16xi32>
      %reduce_sum3A_728 = vector.extract %reduce_sum3A_727[15] : i32 from vector<16xi32>
      %get3A_729 = arith.constant 15 : i32
      %get3A_730 = arith.index_cast %get3A_729 : i32 to index
      %get3A_731 = arith.constant 0 : index
      %get3A_732 = tpu.vector_load %arg4[%get3A_730, %get3A_731] {strides = array<i32>} : memref<32x32xi32, #tpu.memory_space<vmem>>, vector<16xi32>,
      %gt3A_733 = arith.constant 0 : i32
      %gt3A_734 = vector.broadcast %gt3A_733 : i32 to vector<16xi32>
      %gt3A_735 = arith.cmpi sgt, %get3A_732, %gt3A_734 : vector<16xi32>
      %broadcast_in_dim3A_736 = arith.constant true
      %broadcast_in_dim3A_737 = vector.broadcast %broadcast_in_dim3A_736 : i1 to vector<16xi1>
      %masked_cumsum3A_738 = tpu.scan <sum>, %get3A_732 masked %broadcast_in_dim3A_737 : vector<16xi32>, vector<16xi1> -> vector<16xi32>
      %reduce_sum3A_739 = arith.constant true
      %reduce_sum3A_740 = vector.broadcast %reduce_sum3A_739 : i1 to vector<16xi1>
      %reduce_sum3A_741 = tpu.scan <sum>, %get3A_732 masked %reduce_sum3A_740 : vector<16xi32>, vector<16xi1> -> vector<16xi32>
      %reduce_sum3A_742 = vector.extract %reduce_sum3A_741[15] : i32 from vector<16xi32>
      %get3A_743 = arith.constant 15 : i32
      %get3A_744 = arith.index_cast %get3A_743 : i32 to index
      %get3A_745 = arith.constant 16 : index
      %get3A_746 = tpu.vector_load %arg4[%get3A_744, %get3A_745] {strides = array<i32>} : memref<32x32xi32, #tpu.memory_space<vmem>>, vector<16xi32>,
      %gt3A_747 = arith.constant 0 : i32
      %gt3A_748 = vector.broadcast %gt3A_747 : i32 to vector<16xi32>
      %gt3A_749 = arith.cmpi sgt, %get3A_746, %gt3A_748 : vector<16xi32>
      %broadcast_in_dim3A_750 = arith.constant true
      %broadcast_in_dim3A_751 = vector.broadcast %broadcast_in_dim3A_750 : i1 to vector<16xi1>
      %masked_cumsum3A_752 = tpu.scan <sum>, %get3A_746 masked %broadcast_in_dim3A_751 : vector<16xi32>, vector<16xi1> -> vector<16xi32>
      %reduce_sum3A_753 = arith.constant true
      %reduce_sum3A_754 = vector.broadcast %reduce_sum3A_753 : i1 to vector<16xi1>
      %reduce_sum3A_755 = tpu.scan <sum>, %get3A_746 masked %reduce_sum3A_754 : vector<16xi32>, vector<16xi1> -> vector<16xi32>
      %reduce_sum3A_756 = vector.extract %reduce_sum3A_755[15] : i32 from vector<16xi32>
      %get3A_757 = arith.constant 16 : i32
      %get3A_758 = arith.index_cast %get3A_757 : i32 to index
      %get3A_759 = arith.constant 0 : index
      %get3A_760 = tpu.vector_load %arg4[%get3A_758, %get3A_759] {strides = array<i32>} : memref<32x32xi32, #tpu.memory_space<vmem>>, vector<16xi32>,
      %gt3A_761 = arith.constant 0 : i32
      %gt3A_762 = vector.broadcast %gt3A_761 : i32 to vector<16xi32>
      %gt3A_763 = arith.cmpi sgt, %get3A_760, %gt3A_762 : vector<16xi32>
      %broadcast_in_dim3A_764 = arith.constant true
      %broadcast_in_dim3A_765 = vector.broadcast %broadcast_in_dim3A_764 : i1 to vector<16xi1>
      %masked_cumsum3A_766 = tpu.scan <sum>, %get3A_760 masked %broadcast_in_dim3A_765 : vector<16xi32>, vector<16xi1> -> vector<16xi32>
      %reduce_sum3A_767 = arith.constant true
      %reduce_sum3A_768 = vector.broadcast %reduce_sum3A_767 : i1 to vector<16xi1>
      %reduce_sum3A_769 = tpu.scan <sum>, %get3A_760 masked %reduce_sum3A_768 : vector<16xi32>, vector<16xi1> -> vector<16xi32>
      %reduce_sum3A_770 = vector.extract %reduce_sum3A_769[15] : i32 from vector<16xi32>
      %get3A_771 = arith.constant 16 : i32
      %get3A_772 = arith.index_cast %get3A_771 : i32 to index
      %get3A_773 = arith.constant 16 : index
      %get3A_774 = tpu.vector_load %arg4[%get3A_772, %get3A_773] {strides = array<i32>} : memref<32x32xi32, #tpu.memory_space<vmem>>, vector<16xi32>,
      %gt3A_775 = arith.constant 0 : i32
      %gt3A_776 = vector.broadcast %gt3A_775 : i32 to vector<16xi32>
      %gt3A_777 = arith.cmpi sgt, %get3A_774, %gt3A_776 : vector<16xi32>
      %broadcast_in_dim3A_778 = arith.constant true
      %broadcast_in_dim3A_779 = vector.broadcast %broadcast_in_dim3A_778 : i1 to vector<16xi1>
      %masked_cumsum3A_780 = tpu.scan <sum>, %get3A_774 masked %broadcast_in_dim3A_779 : vector<16xi32>, vector<16xi1> -> vector<16xi32>
      %reduce_sum3A_781 = arith.constant true
      %reduce_sum3A_782 = vector.broadcast %reduce_sum3A_781 : i1 to vector<16xi1>
      %reduce_sum3A_783 = tpu.scan <sum>, %get3A_774 masked %reduce_sum3A_782 : vector<16xi32>, vector<16xi1> -> vector<16xi32>
      %reduce_sum3A_784 = vector.extract %reduce_sum3A_783[15] : i32 from vector<16xi32>
      %get3A_785 = arith.constant 17 : i32
      %get3A_786 = arith.index_cast %get3A_785 : i32 to index
      %get3A_787 = arith.constant 0 : index
      %get3A_788 = tpu.vector_load %arg4[%get3A_786, %get3A_787] {strides = array<i32>} : memref<32x32xi32, #tpu.memory_space<vmem>>, vector<16xi32>,
      %gt3A_789 = arith.constant 0 : i32
      %gt3A_790 = vector.broadcast %gt3A_789 : i32 to vector<16xi32>
      %gt3A_791 = arith.cmpi sgt, %get3A_788, %gt3A_790 : vector<16xi32>
      %broadcast_in_dim3A_792 = arith.constant true
      %broadcast_in_dim3A_793 = vector.broadcast %broadcast_in_dim3A_792 : i1 to vector<16xi1>
      %masked_cumsum3A_794 = tpu.scan <sum>, %get3A_788 masked %broadcast_in_dim3A_793 : vector<16xi32>, vector<16xi1> -> vector<16xi32>
      %reduce_sum3A_795 = arith.constant true
      %reduce_sum3A_796 = vector.broadcast %reduce_sum3A_795 : i1 to vector<16xi1>
      %reduce_sum3A_797 = tpu.scan <sum>, %get3A_788 masked %reduce_sum3A_796 : vector<16xi32>, vector<16xi1> -> vector<16xi32>
      %reduce_sum3A_798 = vector.extract %reduce_sum3A_797[15] : i32 from vector<16xi32>
      %get3A_799 = arith.constant 17 : i32
      %get3A_800 = arith.index_cast %get3A_799 : i32 to index
      %get3A_801 = arith.constant 16 : index
      %get3A_802 = tpu.vector_load %arg4[%get3A_800, %get3A_801] {strides = array<i32>} : memref<32x32xi32, #tpu.memory_space<vmem>>, vector<16xi32>,
      %gt3A_803 = arith.constant 0 : i32
      %gt3A_804 = vector.broadcast %gt3A_803 : i32 to vector<16xi32>
      %gt3A_805 = arith.cmpi sgt, %get3A_802, %gt3A_804 : vector<16xi32>
      %broadcast_in_dim3A_806 = arith.constant true
      %broadcast_in_dim3A_807 = vector.broadcast %broadcast_in_dim3A_806 : i1 to vector<16xi1>
      %masked_cumsum3A_808 = tpu.scan <sum>, %get3A_802 masked %broadcast_in_dim3A_807 : vector<16xi32>, vector<16xi1> -> vector<16xi32>
      %reduce_sum3A_809 = arith.constant true
      %reduce_sum3A_810 = vector.broadcast %reduce_sum3A_809 : i1 to vector<16xi1>
      %reduce_sum3A_811 = tpu.scan <sum>, %get3A_802 masked %reduce_sum3A_810 : vector<16xi32>, vector<16xi1> -> vector<16xi32>
      %reduce_sum3A_812 = vector.extract %reduce_sum3A_811[15] : i32 from vector<16xi32>
      %get3A_813 = arith.constant 18 : i32
      %get3A_814 = arith.index_cast %get3A_813 : i32 to index
      %get3A_815 = arith.constant 0 : index
      %get3A_816 = tpu.vector_load %arg4[%get3A_814, %get3A_815] {strides = array<i32>} : memref<32x32xi32, #tpu.memory_space<vmem>>, vector<16xi32>,
      %gt3A_817 = arith.constant 0 : i32
      %gt3A_818 = vector.broadcast %gt3A_817 : i32 to vector<16xi32>
      %gt3A_819 = arith.cmpi sgt, %get3A_816, %gt3A_818 : vector<16xi32>
      %broadcast_in_dim3A_820 = arith.constant true
      %broadcast_in_dim3A_821 = vector.broadcast %broadcast_in_dim3A_820 : i1 to vector<16xi1>
      %masked_cumsum3A_822 = tpu.scan <sum>, %get3A_816 masked %broadcast_in_dim3A_821 : vector<16xi32>, vector<16xi1> -> vector<16xi32>
      %reduce_sum3A_823 = arith.constant true
      %reduce_sum3A_824 = vector.broadcast %reduce_sum3A_823 : i1 to vector<16xi1>
      %reduce_sum3A_825 = tpu.scan <sum>, %get3A_816 masked %reduce_sum3A_824 : vector<16xi32>, vector<16xi1> -> vector<16xi32>
      %reduce_sum3A_826 = vector.extract %reduce_sum3A_825[15] : i32 from vector<16xi32>
      %get3A_827 = arith.constant 18 : i32
      %get3A_828 = arith.index_cast %get3A_827 : i32 to index
      %get3A_829 = arith.constant 16 : index
      %get3A_830 = tpu.vector_load %arg4[%get3A_828, %get3A_829] {strides = array<i32>} : memref<32x32xi32, #tpu.memory_space<vmem>>, vector<16xi32>,
      %gt3A_831 = arith.constant 0 : i32
      %gt3A_832 = vector.broadcast %gt3A_831 : i32 to vector<16xi32>
      %gt3A_833 = arith.cmpi sgt, %get3A_830, %gt3A_832 : vector<16xi32>
      %broadcast_in_dim3A_834 = arith.constant true
      %broadcast_in_dim3A_835 = vector.broadcast %broadcast_in_dim3A_834 : i1 to vector<16xi1>
      %masked_cumsum3A_836 = tpu.scan <sum>, %get3A_830 masked %broadcast_in_dim3A_835 : vector<16xi32>, vector<16xi1> -> vector<16xi32>
      %reduce_sum3A_837 = arith.constant true
      %reduce_sum3A_838 = vector.broadcast %reduce_sum3A_837 : i1 to vector<16xi1>
      %reduce_sum3A_839 = tpu.scan <sum>, %get3A_830 masked %reduce_sum3A_838 : vector<16xi32>, vector<16xi1> -> vector<16xi32>
      %reduce_sum3A_840 = vector.extract %reduce_sum3A_839[15] : i32 from vector<16xi32>
      %get3A_841 = arith.constant 19 : i32
      %get3A_842 = arith.index_cast %get3A_841 : i32 to index
      %get3A_843 = arith.constant 0 : index
      %get3A_844 = tpu.vector_load %arg4[%get3A_842, %get3A_843] {strides = array<i32>} : memref<32x32xi32, #tpu.memory_space<vmem>>, vector<16xi32>,
      %gt3A_845 = arith.constant 0 : i32
      %gt3A_846 = vector.broadcast %gt3A_845 : i32 to vector<16xi32>
      %gt3A_847 = arith.cmpi sgt, %get3A_844, %gt3A_846 : vector<16xi32>
      %broadcast_in_dim3A_848 = arith.constant true
      %broadcast_in_dim3A_849 = vector.broadcast %broadcast_in_dim3A_848 : i1 to vector<16xi1>
      %masked_cumsum3A_850 = tpu.scan <sum>, %get3A_844 masked %broadcast_in_dim3A_849 : vector<16xi32>, vector<16xi1> -> vector<16xi32>
      %reduce_sum3A_851 = arith.constant true
      %reduce_sum3A_852 = vector.broadcast %reduce_sum3A_851 : i1 to vector<16xi1>
      %reduce_sum3A_853 = tpu.scan <sum>, %get3A_844 masked %reduce_sum3A_852 : vector<16xi32>, vector<16xi1> -> vector<16xi32>
      %reduce_sum3A_854 = vector.extract %reduce_sum3A_853[15] : i32 from vector<16xi32>
      %get3A_855 = arith.constant 19 : i32
      %get3A_856 = arith.index_cast %get3A_855 : i32 to index
      %get3A_857 = arith.constant 16 : index
      %get3A_858 = tpu.vector_load %arg4[%get3A_856, %get3A_857] {strides = array<i32>} : memref<32x32xi32, #tpu.memory_space<vmem>>, vector<16xi32>,
      %gt3A_859 = arith.constant 0 : i32
      %gt3A_860 = vector.broadcast %gt3A_859 : i32 to vector<16xi32>
      %gt3A_861 = arith.cmpi sgt, %get3A_858, %gt3A_860 : vector<16xi32>
      %broadcast_in_dim3A_862 = arith.constant true
      %broadcast_in_dim3A_863 = vector.broadcast %broadcast_in_dim3A_862 : i1 to vector<16xi1>
      %masked_cumsum3A_864 = tpu.scan <sum>, %get3A_858 masked %broadcast_in_dim3A_863 : vector<16xi32>, vector<16xi1> -> vector<16xi32>
      %reduce_sum3A_865 = arith.constant true
      %reduce_sum3A_866 = vector.broadcast %reduce_sum3A_865 : i1 to vector<16xi1>
      %reduce_sum3A_867 = tpu.scan <sum>, %get3A_858 masked %reduce_sum3A_866 : vector<16xi32>, vector<16xi1> -> vector<16xi32>
      %reduce_sum3A_868 = vector.extract %reduce_sum3A_867[15] : i32 from vector<16xi32>
      %get3A_869 = arith.constant 20 : i32
      %get3A_870 = arith.index_cast %get3A_869 : i32 to index
      %get3A_871 = arith.constant 0 : index
      %get3A_872 = tpu.vector_load %arg4[%get3A_870, %get3A_871] {strides = array<i32>} : memref<32x32xi32, #tpu.memory_space<vmem>>, vector<16xi32>,
      %gt3A_873 = arith.constant 0 : i32
      %gt3A_874 = vector.broadcast %gt3A_873 : i32 to vector<16xi32>
      %gt3A_875 = arith.cmpi sgt, %get3A_872, %gt3A_874 : vector<16xi32>
      %broadcast_in_dim3A_876 = arith.constant true
      %broadcast_in_dim3A_877 = vector.broadcast %broadcast_in_dim3A_876 : i1 to vector<16xi1>
      %masked_cumsum3A_878 = tpu.scan <sum>, %get3A_872 masked %broadcast_in_dim3A_877 : vector<16xi32>, vector<16xi1> -> vector<16xi32>
      %reduce_sum3A_879 = arith.constant true
      %reduce_sum3A_880 = vector.broadcast %reduce_sum3A_879 : i1 to vector<16xi1>
      %reduce_sum3A_881 = tpu.scan <sum>, %get3A_872 masked %reduce_sum3A_880 : vector<16xi32>, vector<16xi1> -> vector<16xi32>
      %reduce_sum3A_882 = vector.extract %reduce_sum3A_881[15] : i32 from vector<16xi32>
      %get3A_883 = arith.constant 20 : i32
      %get3A_884 = arith.index_cast %get3A_883 : i32 to index
      %get3A_885 = arith.constant 16 : index
      %get3A_886 = tpu.vector_load %arg4[%get3A_884, %get3A_885] {strides = array<i32>} : memref<32x32xi32, #tpu.memory_space<vmem>>, vector<16xi32>,
      %gt3A_887 = arith.constant 0 : i32
      %gt3A_888 = vector.broadcast %gt3A_887 : i32 to vector<16xi32>
      %gt3A_889 = arith.cmpi sgt, %get3A_886, %gt3A_888 : vector<16xi32>
      %broadcast_in_dim3A_890 = arith.constant true
      %broadcast_in_dim3A_891 = vector.broadcast %broadcast_in_dim3A_890 : i1 to vector<16xi1>
      %masked_cumsum3A_892 = tpu.scan <sum>, %get3A_886 masked %broadcast_in_dim3A_891 : vector<16xi32>, vector<16xi1> -> vector<16xi32>
      %reduce_sum3A_893 = arith.constant true
      %reduce_sum3A_894 = vector.broadcast %reduce_sum3A_893 : i1 to vector<16xi1>
      %reduce_sum3A_895 = tpu.scan <sum>, %get3A_886 masked %reduce_sum3A_894 : vector<16xi32>, vector<16xi1> -> vector<16xi32>
      %reduce_sum3A_896 = vector.extract %reduce_sum3A_895[15] : i32 from vector<16xi32>
      %get3A_897 = arith.constant 21 : i32
      %get3A_898 = arith.index_cast %get3A_897 : i32 to index
      %get3A_899 = arith.constant 0 : index
      %get3A_900 = tpu.vector_load %arg4[%get3A_898, %get3A_899] {strides = array<i32>} : memref<32x32xi32, #tpu.memory_space<vmem>>, vector<16xi32>,
      %gt3A_901 = arith.constant 0 : i32
      %gt3A_902 = vector.broadcast %gt3A_901 : i32 to vector<16xi32>
      %gt3A_903 = arith.cmpi sgt, %get3A_900, %gt3A_902 : vector<16xi32>
      %broadcast_in_dim3A_904 = arith.constant true
      %broadcast_in_dim3A_905 = vector.broadcast %broadcast_in_dim3A_904 : i1 to vector<16xi1>
      %masked_cumsum3A_906 = tpu.scan <sum>, %get3A_900 masked %broadcast_in_dim3A_905 : vector<16xi32>, vector<16xi1> -> vector<16xi32>
      %reduce_sum3A_907 = arith.constant true
      %reduce_sum3A_908 = vector.broadcast %reduce_sum3A_907 : i1 to vector<16xi1>
      %reduce_sum3A_909 = tpu.scan <sum>, %get3A_900 masked %reduce_sum3A_908 : vector<16xi32>, vector<16xi1> -> vector<16xi32>
      %reduce_sum3A_910 = vector.extract %reduce_sum3A_909[15] : i32 from vector<16xi32>
      %get3A_911 = arith.constant 21 : i32
      %get3A_912 = arith.index_cast %get3A_911 : i32 to index
      %get3A_913 = arith.constant 16 : index
      %get3A_914 = tpu.vector_load %arg4[%get3A_912, %get3A_913] {strides = array<i32>} : memref<32x32xi32, #tpu.memory_space<vmem>>, vector<16xi32>,
      %gt3A_915 = arith.constant 0 : i32
      %gt3A_916 = vector.broadcast %gt3A_915 : i32 to vector<16xi32>
      %gt3A_917 = arith.cmpi sgt, %get3A_914, %gt3A_916 : vector<16xi32>
      %broadcast_in_dim3A_918 = arith.constant true
      %broadcast_in_dim3A_919 = vector.broadcast %broadcast_in_dim3A_918 : i1 to vector<16xi1>
      %masked_cumsum3A_920 = tpu.scan <sum>, %get3A_914 masked %broadcast_in_dim3A_919 : vector<16xi32>, vector<16xi1> -> vector<16xi32>
      %reduce_sum3A_921 = arith.constant true
      %reduce_sum3A_922 = vector.broadcast %reduce_sum3A_921 : i1 to vector<16xi1>
      %reduce_sum3A_923 = tpu.scan <sum>, %get3A_914 masked %reduce_sum3A_922 : vector<16xi32>, vector<16xi1> -> vector<16xi32>
      %reduce_sum3A_924 = vector.extract %reduce_sum3A_923[15] : i32 from vector<16xi32>
      %get3A_925 = arith.constant 22 : i32
      %get3A_926 = arith.index_cast %get3A_925 : i32 to index
      %get3A_927 = arith.constant 0 : index
      %get3A_928 = tpu.vector_load %arg4[%get3A_926, %get3A_927] {strides = array<i32>} : memref<32x32xi32, #tpu.memory_space<vmem>>, vector<16xi32>,
      %gt3A_929 = arith.constant 0 : i32
      %gt3A_930 = vector.broadcast %gt3A_929 : i32 to vector<16xi32>
      %gt3A_931 = arith.cmpi sgt, %get3A_928, %gt3A_930 : vector<16xi32>
      %broadcast_in_dim3A_932 = arith.constant true
      %broadcast_in_dim3A_933 = vector.broadcast %broadcast_in_dim3A_932 : i1 to vector<16xi1>
      %masked_cumsum3A_934 = tpu.scan <sum>, %get3A_928 masked %broadcast_in_dim3A_933 : vector<16xi32>, vector<16xi1> -> vector<16xi32>
      %reduce_sum3A_935 = arith.constant true
      %reduce_sum3A_936 = vector.broadcast %reduce_sum3A_935 : i1 to vector<16xi1>
      %reduce_sum3A_937 = tpu.scan <sum>, %get3A_928 masked %reduce_sum3A_936 : vector<16xi32>, vector<16xi1> -> vector<16xi32>
      %reduce_sum3A_938 = vector.extract %reduce_sum3A_937[15] : i32 from vector<16xi32>
      %get3A_939 = arith.constant 22 : i32
      %get3A_940 = arith.index_cast %get3A_939 : i32 to index
      %get3A_941 = arith.constant 16 : index
      %get3A_942 = tpu.vector_load %arg4[%get3A_940, %get3A_941] {strides = array<i32>} : memref<32x32xi32, #tpu.memory_space<vmem>>, vector<16xi32>,
      %gt3A_943 = arith.constant 0 : i32
      %gt3A_944 = vector.broadcast %gt3A_943 : i32 to vector<16xi32>
      %gt3A_945 = arith.cmpi sgt, %get3A_942, %gt3A_944 : vector<16xi32>
      %broadcast_in_dim3A_946 = arith.constant true
      %broadcast_in_dim3A_947 = vector.broadcast %broadcast_in_dim3A_946 : i1 to vector<16xi1>
      %masked_cumsum3A_948 = tpu.scan <sum>, %get3A_942 masked %broadcast_in_dim3A_947 : vector<16xi32>, vector<16xi1> -> vector<16xi32>
      %reduce_sum3A_949 = arith.constant true
      %reduce_sum3A_950 = vector.broadcast %reduce_sum3A_949 : i1 to vector<16xi1>
      %reduce_sum3A_951 = tpu.scan <sum>, %get3A_942 masked %reduce_sum3A_950 : vector<16xi32>, vector<16xi1> -> vector<16xi32>
      %reduce_sum3A_952 = vector.extract %reduce_sum3A_951[15] : i32 from vector<16xi32>
      %get3A_953 = arith.constant 23 : i32
      %get3A_954 = arith.index_cast %get3A_953 : i32 to index
      %get3A_955 = arith.constant 0 : index
      %get3A_956 = tpu.vector_load %arg4[%get3A_954, %get3A_955] {strides = array<i32>} : memref<32x32xi32, #tpu.memory_space<vmem>>, vector<16xi32>,
      %gt3A_957 = arith.constant 0 : i32
      %gt3A_958 = vector.broadcast %gt3A_957 : i32 to vector<16xi32>
      %gt3A_959 = arith.cmpi sgt, %get3A_956, %gt3A_958 : vector<16xi32>
      %broadcast_in_dim3A_960 = arith.constant true
      %broadcast_in_dim3A_961 = vector.broadcast %broadcast_in_dim3A_960 : i1 to vector<16xi1>
      %masked_cumsum3A_962 = tpu.scan <sum>, %get3A_956 masked %broadcast_in_dim3A_961 : vector<16xi32>, vector<16xi1> -> vector<16xi32>
      %reduce_sum3A_963 = arith.constant true
      %reduce_sum3A_964 = vector.broadcast %reduce_sum3A_963 : i1 to vector<16xi1>
      %reduce_sum3A_965 = tpu.scan <sum>, %get3A_956 masked %reduce_sum3A_964 : vector<16xi32>, vector<16xi1> -> vector<16xi32>
      %reduce_sum3A_966 = vector.extract %reduce_sum3A_965[15] : i32 from vector<16xi32>
      %get3A_967 = arith.constant 23 : i32
      %get3A_968 = arith.index_cast %get3A_967 : i32 to index
      %get3A_969 = arith.constant 16 : index
      %get3A_970 = tpu.vector_load %arg4[%get3A_968, %get3A_969] {strides = array<i32>} : memref<32x32xi32, #tpu.memory_space<vmem>>, vector<16xi32>,
      %gt3A_971 = arith.constant 0 : i32
      %gt3A_972 = vector.broadcast %gt3A_971 : i32 to vector<16xi32>
      %gt3A_973 = arith.cmpi sgt, %get3A_970, %gt3A_972 : vector<16xi32>
      %broadcast_in_dim3A_974 = arith.constant true
      %broadcast_in_dim3A_975 = vector.broadcast %broadcast_in_dim3A_974 : i1 to vector<16xi1>
      %masked_cumsum3A_976 = tpu.scan <sum>, %get3A_970 masked %broadcast_in_dim3A_975 : vector<16xi32>, vector<16xi1> -> vector<16xi32>
      %reduce_sum3A_977 = arith.constant true
      %reduce_sum3A_978 = vector.broadcast %reduce_sum3A_977 : i1 to vector<16xi1>
      %reduce_sum3A_979 = tpu.scan <sum>, %get3A_970 masked %reduce_sum3A_978 : vector<16xi32>, vector<16xi1> -> vector<16xi32>
      %reduce_sum3A_980 = vector.extract %reduce_sum3A_979[15] : i32 from vector<16xi32>
      %get3A_981 = arith.constant 24 : i32
      %get3A_982 = arith.index_cast %get3A_981 : i32 to index
      %get3A_983 = arith.constant 0 : index
      %get3A_984 = tpu.vector_load %arg4[%get3A_982, %get3A_983] {strides = array<i32>} : memref<32x32xi32, #tpu.memory_space<vmem>>, vector<16xi32>,
      %gt3A_985 = arith.constant 0 : i32
      %gt3A_986 = vector.broadcast %gt3A_985 : i32 to vector<16xi32>
      %gt3A_987 = arith.cmpi sgt, %get3A_984, %gt3A_986 : vector<16xi32>
      %broadcast_in_dim3A_988 = arith.constant true
      %broadcast_in_dim3A_989 = vector.broadcast %broadcast_in_dim3A_988 : i1 to vector<16xi1>
      %masked_cumsum3A_990 = tpu.scan <sum>, %get3A_984 masked %broadcast_in_dim3A_989 : vector<16xi32>, vector<16xi1> -> vector<16xi32>
      %reduce_sum3A_991 = arith.constant true
      %reduce_sum3A_992 = vector.broadcast %reduce_sum3A_991 : i1 to vector<16xi1>
      %reduce_sum3A_993 = tpu.scan <sum>, %get3A_984 masked %reduce_sum3A_992 : vector<16xi32>, vector<16xi1> -> vector<16xi32>
      %reduce_sum3A_994 = vector.extract %reduce_sum3A_993[15] : i32 from vector<16xi32>
      %get3A_995 = arith.constant 24 : i32
      %get3A_996 = arith.index_cast %get3A_995 : i32 to index
      %get3A_997 = arith.constant 16 : index
      %get3A_998 = tpu.vector_load %arg4[%get3A_996, %get3A_997] {strides = array<i32>} : memref<32x32xi32, #tpu.memory_space<vmem>>, vector<16xi32>,
      %gt3A_999 = arith.constant 0 : i32
      %gt3A_1000 = vector.broadcast %gt3A_999 : i32 to vector<16xi32>
      %gt3A_1001 = arith.cmpi sgt, %get3A_998, %gt3A_1000 : vector<16xi32>
      %broadcast_in_dim3A_1002 = arith.constant true
      %broadcast_in_dim3A_1003 = vector.broadcast %broadcast_in_dim3A_1002 : i1 to vector<16xi1>
      %masked_cumsum3A_1004 = tpu.scan <sum>, %get3A_998 masked %broadcast_in_dim3A_1003 : vector<16xi32>, vector<16xi1> -> vector<16xi32>
      %reduce_sum3A_1005 = arith.constant true
      %reduce_sum3A_1006 = vector.broadcast %reduce_sum3A_1005 : i1 to vector<16xi1>
      %reduce_sum3A_1007 = tpu.scan <sum>, %get3A_998 masked %reduce_sum3A_1006 : vector<16xi32>, vector<16xi1> -> vector<16xi32>
      %reduce_sum3A_1008 = vector.extract %reduce_sum3A_1007[15] : i32 from vector<16xi32>
      %get3A_1009 = arith.constant 25 : i32
      %get3A_1010 = arith.index_cast %get3A_1009 : i32 to index
      %get3A_1011 = arith.constant 0 : index
      %get3A_1012 = tpu.vector_load %arg4[%get3A_1010, %get3A_1011] {strides = array<i32>} : memref<32x32xi32, #tpu.memory_space<vmem>>, vector<16xi32>,
      %gt3A_1013 = arith.constant 0 : i32
      %gt3A_1014 = vector.broadcast %gt3A_1013 : i32 to vector<16xi32>
      %gt3A_1015 = arith.cmpi sgt, %get3A_1012, %gt3A_1014 : vector<16xi32>
      %broadcast_in_dim3A_1016 = arith.constant true
      %broadcast_in_dim3A_1017 = vector.broadcast %broadcast_in_dim3A_1016 : i1 to vector<16xi1>
      %masked_cumsum3A_1018 = tpu.scan <sum>, %get3A_1012 masked %broadcast_in_dim3A_1017 : vector<16xi32>, vector<16xi1> -> vector<16xi32>
      %reduce_sum3A_1019 = arith.constant true
      %reduce_sum3A_1020 = vector.broadcast %reduce_sum3A_1019 : i1 to vector<16xi1>
      %reduce_sum3A_1021 = tpu.scan <sum>, %get3A_1012 masked %reduce_sum3A_1020 : vector<16xi32>, vector<16xi1> -> vector<16xi32>
      %reduce_sum3A_1022 = vector.extract %reduce_sum3A_1021[15] : i32 from vector<16xi32>
      %get3A_1023 = arith.constant 25 : i32
      %get3A_1024 = arith.index_cast %get3A_1023 : i32 to index
      %get3A_1025 = arith.constant 16 : index
      %get3A_1026 = tpu.vector_load %arg4[%get3A_1024, %get3A_1025] {strides = array<i32>} : memref<32x32xi32, #tpu.memory_space<vmem>>, vector<16xi32>,
      %gt3A_1027 = arith.constant 0 : i32
      %gt3A_1028 = vector.broadcast %gt3A_1027 : i32 to vector<16xi32>
      %gt3A_1029 = arith.cmpi sgt, %get3A_1026, %gt3A_1028 : vector<16xi32>
      %broadcast_in_dim3A_1030 = arith.constant true
      %broadcast_in_dim3A_1031 = vector.broadcast %broadcast_in_dim3A_1030 : i1 to vector<16xi1>
      %masked_cumsum3A_1032 = tpu.scan <sum>, %get3A_1026 masked %broadcast_in_dim3A_1031 : vector<16xi32>, vector<16xi1> -> vector<16xi32>
      %reduce_sum3A_1033 = arith.constant true
      %reduce_sum3A_1034 = vector.broadcast %reduce_sum3A_1033 : i1 to vector<16xi1>
      %reduce_sum3A_1035 = tpu.scan <sum>, %get3A_1026 masked %reduce_sum3A_1034 : vector<16xi32>, vector<16xi1> -> vector<16xi32>
      %reduce_sum3A_1036 = vector.extract %reduce_sum3A_1035[15] : i32 from vector<16xi32>
      %get3A_1037 = arith.constant 26 : i32
      %get3A_1038 = arith.index_cast %get3A_1037 : i32 to index
      %get3A_1039 = arith.constant 0 : index
      %get3A_1040 = tpu.vector_load %arg4[%get3A_1038, %get3A_1039] {strides = array<i32>} : memref<32x32xi32, #tpu.memory_space<vmem>>, vector<16xi32>,
      %gt3A_1041 = arith.constant 0 : i32
      %gt3A_1042 = vector.broadcast %gt3A_1041 : i32 to vector<16xi32>
      %gt3A_1043 = arith.cmpi sgt, %get3A_1040, %gt3A_1042 : vector<16xi32>
      %broadcast_in_dim3A_1044 = arith.constant true
      %broadcast_in_dim3A_1045 = vector.broadcast %broadcast_in_dim3A_1044 : i1 to vector<16xi1>
      %masked_cumsum3A_1046 = tpu.scan <sum>, %get3A_1040 masked %broadcast_in_dim3A_1045 : vector<16xi32>, vector<16xi1> -> vector<16xi32>
      %reduce_sum3A_1047 = arith.constant true
      %reduce_sum3A_1048 = vector.broadcast %reduce_sum3A_1047 : i1 to vector<16xi1>
      %reduce_sum3A_1049 = tpu.scan <sum>, %get3A_1040 masked %reduce_sum3A_1048 : vector<16xi32>, vector<16xi1> -> vector<16xi32>
      %reduce_sum3A_1050 = vector.extract %reduce_sum3A_1049[15] : i32 from vector<16xi32>
      %get3A_1051 = arith.constant 26 : i32
      %get3A_1052 = arith.index_cast %get3A_1051 : i32 to index
      %get3A_1053 = arith.constant 16 : index
      %get3A_1054 = tpu.vector_load %arg4[%get3A_1052, %get3A_1053] {strides = array<i32>} : memref<32x32xi32, #tpu.memory_space<vmem>>, vector<16xi32>,
      %gt3A_1055 = arith.constant 0 : i32
      %gt3A_1056 = vector.broadcast %gt3A_1055 : i32 to vector<16xi32>
      %gt3A_1057 = arith.cmpi sgt, %get3A_1054, %gt3A_1056 : vector<16xi32>
      %broadcast_in_dim3A_1058 = arith.constant true
      %broadcast_in_dim3A_1059 = vector.broadcast %broadcast_in_dim3A_1058 : i1 to vector<16xi1>
      %masked_cumsum3A_1060 = tpu.scan <sum>, %get3A_1054 masked %broadcast_in_dim3A_1059 : vector<16xi32>, vector<16xi1> -> vector<16xi32>
      %reduce_sum3A_1061 = arith.constant true
      %reduce_sum3A_1062 = vector.broadcast %reduce_sum3A_1061 : i1 to vector<16xi1>
      %reduce_sum3A_1063 = tpu.scan <sum>, %get3A_1054 masked %reduce_sum3A_1062 : vector<16xi32>, vector<16xi1> -> vector<16xi32>
      %reduce_sum3A_1064 = vector.extract %reduce_sum3A_1063[15] : i32 from vector<16xi32>
      %get3A_1065 = arith.constant 27 : i32
      %get3A_1066 = arith.index_cast %get3A_1065 : i32 to index
      %get3A_1067 = arith.constant 0 : index
      %get3A_1068 = tpu.vector_load %arg4[%get3A_1066, %get3A_1067] {strides = array<i32>} : memref<32x32xi32, #tpu.memory_space<vmem>>, vector<16xi32>,
      %gt3A_1069 = arith.constant 0 : i32
      %gt3A_1070 = vector.broadcast %gt3A_1069 : i32 to vector<16xi32>
      %gt3A_1071 = arith.cmpi sgt, %get3A_1068, %gt3A_1070 : vector<16xi32>
      %broadcast_in_dim3A_1072 = arith.constant true
      %broadcast_in_dim3A_1073 = vector.broadcast %broadcast_in_dim3A_1072 : i1 to vector<16xi1>
      %masked_cumsum3A_1074 = tpu.scan <sum>, %get3A_1068 masked %broadcast_in_dim3A_1073 : vector<16xi32>, vector<16xi1> -> vector<16xi32>
      %reduce_sum3A_1075 = arith.constant true
      %reduce_sum3A_1076 = vector.broadcast %reduce_sum3A_1075 : i1 to vector<16xi1>
      %reduce_sum3A_1077 = tpu.scan <sum>, %get3A_1068 masked %reduce_sum3A_1076 : vector<16xi32>, vector<16xi1> -> vector<16xi32>
      %reduce_sum3A_1078 = vector.extract %reduce_sum3A_1077[15] : i32 from vector<16xi32>
      %get3A_1079 = arith.constant 27 : i32
      %get3A_1080 = arith.index_cast %get3A_1079 : i32 to index
      %get3A_1081 = arith.constant 16 : index
      %get3A_1082 = tpu.vector_load %arg4[%get3A_1080, %get3A_1081] {strides = array<i32>} : memref<32x32xi32, #tpu.memory_space<vmem>>, vector<16xi32>,
      %gt3A_1083 = arith.constant 0 : i32
      %gt3A_1084 = vector.broadcast %gt3A_1083 : i32 to vector<16xi32>
      %gt3A_1085 = arith.cmpi sgt, %get3A_1082, %gt3A_1084 : vector<16xi32>
      %broadcast_in_dim3A_1086 = arith.constant true
      %broadcast_in_dim3A_1087 = vector.broadcast %broadcast_in_dim3A_1086 : i1 to vector<16xi1>
      %masked_cumsum3A_1088 = tpu.scan <sum>, %get3A_1082 masked %broadcast_in_dim3A_1087 : vector<16xi32>, vector<16xi1> -> vector<16xi32>
      %reduce_sum3A_1089 = arith.constant true
      %reduce_sum3A_1090 = vector.broadcast %reduce_sum3A_1089 : i1 to vector<16xi1>
      %reduce_sum3A_1091 = tpu.scan <sum>, %get3A_1082 masked %reduce_sum3A_1090 : vector<16xi32>, vector<16xi1> -> vector<16xi32>
      %reduce_sum3A_1092 = vector.extract %reduce_sum3A_1091[15] : i32 from vector<16xi32>
      %get3A_1093 = arith.constant 28 : i32
      %get3A_1094 = arith.index_cast %get3A_1093 : i32 to index
      %get3A_1095 = arith.constant 0 : index
      %get3A_1096 = tpu.vector_load %arg4[%get3A_1094, %get3A_1095] {strides = array<i32>} : memref<32x32xi32, #tpu.memory_space<vmem>>, vector<16xi32>,
      %gt3A_1097 = arith.constant 0 : i32
      %gt3A_1098 = vector.broadcast %gt3A_1097 : i32 to vector<16xi32>
      %gt3A_1099 = arith.cmpi sgt, %get3A_1096, %gt3A_1098 : vector<16xi32>
      %broadcast_in_dim3A_1100 = arith.constant true
      %broadcast_in_dim3A_1101 = vector.broadcast %broadcast_in_dim3A_1100 : i1 to vector<16xi1>
      %masked_cumsum3A_1102 = tpu.scan <sum>, %get3A_1096 masked %broadcast_in_dim3A_1101 : vector<16xi32>, vector<16xi1> -> vector<16xi32>
      %reduce_sum3A_1103 = arith.constant true
      %reduce_sum3A_1104 = vector.broadcast %reduce_sum3A_1103 : i1 to vector<16xi1>
      %reduce_sum3A_1105 = tpu.scan <sum>, %get3A_1096 masked %reduce_sum3A_1104 : vector<16xi32>, vector<16xi1> -> vector<16xi32>
      %reduce_sum3A_1106 = vector.extract %reduce_sum3A_1105[15] : i32 from vector<16xi32>
      %get3A_1107 = arith.constant 28 : i32
      %get3A_1108 = arith.index_cast %get3A_1107 : i32 to index
      %get3A_1109 = arith.constant 16 : index
      %get3A_1110 = tpu.vector_load %arg4[%get3A_1108, %get3A_1109] {strides = array<i32>} : memref<32x32xi32, #tpu.memory_space<vmem>>, vector<16xi32>,
      %gt3A_1111 = arith.constant 0 : i32
      %gt3A_1112 = vector.broadcast %gt3A_1111 : i32 to vector<16xi32>
      %gt3A_1113 = arith.cmpi sgt, %get3A_1110, %gt3A_1112 : vector<16xi32>
      %broadcast_in_dim3A_1114 = arith.constant true
      %broadcast_in_dim3A_1115 = vector.broadcast %broadcast_in_dim3A_1114 : i1 to vector<16xi1>
      %masked_cumsum3A_1116 = tpu.scan <sum>, %get3A_1110 masked %broadcast_in_dim3A_1115 : vector<16xi32>, vector<16xi1> -> vector<16xi32>
      %reduce_sum3A_1117 = arith.constant true
      %reduce_sum3A_1118 = vector.broadcast %reduce_sum3A_1117 : i1 to vector<16xi1>
      %reduce_sum3A_1119 = tpu.scan <sum>, %get3A_1110 masked %reduce_sum3A_1118 : vector<16xi32>, vector<16xi1> -> vector<16xi32>
      %reduce_sum3A_1120 = vector.extract %reduce_sum3A_1119[15] : i32 from vector<16xi32>
      %get3A_1121 = arith.constant 29 : i32
      %get3A_1122 = arith.index_cast %get3A_1121 : i32 to index
      %get3A_1123 = arith.constant 0 : index
      %get3A_1124 = tpu.vector_load %arg4[%get3A_1122, %get3A_1123] {strides = array<i32>} : memref<32x32xi32, #tpu.memory_space<vmem>>, vector<16xi32>,
      %gt3A_1125 = arith.constant 0 : i32
      %gt3A_1126 = vector.broadcast %gt3A_1125 : i32 to vector<16xi32>
      %gt3A_1127 = arith.cmpi sgt, %get3A_1124, %gt3A_1126 : vector<16xi32>
      %broadcast_in_dim3A_1128 = arith.constant true
      %broadcast_in_dim3A_1129 = vector.broadcast %broadcast_in_dim3A_1128 : i1 to vector<16xi1>
      %masked_cumsum3A_1130 = tpu.scan <sum>, %get3A_1124 masked %broadcast_in_dim3A_1129 : vector<16xi32>, vector<16xi1> -> vector<16xi32>
      %reduce_sum3A_1131 = arith.constant true
      %reduce_sum3A_1132 = vector.broadcast %reduce_sum3A_1131 : i1 to vector<16xi1>
      %reduce_sum3A_1133 = tpu.scan <sum>, %get3A_1124 masked %reduce_sum3A_1132 : vector<16xi32>, vector<16xi1> -> vector<16xi32>
      %reduce_sum3A_1134 = vector.extract %reduce_sum3A_1133[15] : i32 from vector<16xi32>
      %get3A_1135 = arith.constant 29 : i32
      %get3A_1136 = arith.index_cast %get3A_1135 : i32 to index
      %get3A_1137 = arith.constant 16 : index
      %get3A_1138 = tpu.vector_load %arg4[%get3A_1136, %get3A_1137] {strides = array<i32>} : memref<32x32xi32, #tpu.memory_space<vmem>>, vector<16xi32>,
      %gt3A_1139 = arith.constant 0 : i32
      %gt3A_1140 = vector.broadcast %gt3A_1139 : i32 to vector<16xi32>
      %gt3A_1141 = arith.cmpi sgt, %get3A_1138, %gt3A_1140 : vector<16xi32>
      %broadcast_in_dim3A_1142 = arith.constant true
      %broadcast_in_dim3A_1143 = vector.broadcast %broadcast_in_dim3A_1142 : i1 to vector<16xi1>
      %masked_cumsum3A_1144 = tpu.scan <sum>, %get3A_1138 masked %broadcast_in_dim3A_1143 : vector<16xi32>, vector<16xi1> -> vector<16xi32>
      %reduce_sum3A_1145 = arith.constant true
      %reduce_sum3A_1146 = vector.broadcast %reduce_sum3A_1145 : i1 to vector<16xi1>
      %reduce_sum3A_1147 = tpu.scan <sum>, %get3A_1138 masked %reduce_sum3A_1146 : vector<16xi32>, vector<16xi1> -> vector<16xi32>
      %reduce_sum3A_1148 = vector.extract %reduce_sum3A_1147[15] : i32 from vector<16xi32>
      %get3A_1149 = arith.constant 30 : i32
      %get3A_1150 = arith.index_cast %get3A_1149 : i32 to index
      %get3A_1151 = arith.constant 0 : index
      %get3A_1152 = tpu.vector_load %arg4[%get3A_1150, %get3A_1151] {strides = array<i32>} : memref<32x32xi32, #tpu.memory_space<vmem>>, vector<16xi32>,
      %gt3A_1153 = arith.constant 0 : i32
      %gt3A_1154 = vector.broadcast %gt3A_1153 : i32 to vector<16xi32>
      %gt3A_1155 = arith.cmpi sgt, %get3A_1152, %gt3A_1154 : vector<16xi32>
      %broadcast_in_dim3A_1156 = arith.constant true
      %broadcast_in_dim3A_1157 = vector.broadcast %broadcast_in_dim3A_1156 : i1 to vector<16xi1>
      %masked_cumsum3A_1158 = tpu.scan <sum>, %get3A_1152 masked %broadcast_in_dim3A_1157 : vector<16xi32>, vector<16xi1> -> vector<16xi32>
      %reduce_sum3A_1159 = arith.constant true
      %reduce_sum3A_1160 = vector.broadcast %reduce_sum3A_1159 : i1 to vector<16xi1>
      %reduce_sum3A_1161 = tpu.scan <sum>, %get3A_1152 masked %reduce_sum3A_1160 : vector<16xi32>, vector<16xi1> -> vector<16xi32>
      %reduce_sum3A_1162 = vector.extract %reduce_sum3A_1161[15] : i32 from vector<16xi32>
      %get3A_1163 = arith.constant 30 : i32
      %get3A_1164 = arith.index_cast %get3A_1163 : i32 to index
      %get3A_1165 = arith.constant 16 : index
      %get3A_1166 = tpu.vector_load %arg4[%get3A_1164, %get3A_1165] {strides = array<i32>} : memref<32x32xi32, #tpu.memory_space<vmem>>, vector<16xi32>,
      %gt3A_1167 = arith.constant 0 : i32
      %gt3A_1168 = vector.broadcast %gt3A_1167 : i32 to vector<16xi32>
      %gt3A_1169 = arith.cmpi sgt, %get3A_1166, %gt3A_1168 : vector<16xi32>
      %broadcast_in_dim3A_1170 = arith.constant true
      %broadcast_in_dim3A_1171 = vector.broadcast %broadcast_in_dim3A_1170 : i1 to vector<16xi1>
      %masked_cumsum3A_1172 = tpu.scan <sum>, %get3A_1166 masked %broadcast_in_dim3A_1171 : vector<16xi32>, vector<16xi1> -> vector<16xi32>
      %reduce_sum3A_1173 = arith.constant true
      %reduce_sum3A_1174 = vector.broadcast %reduce_sum3A_1173 : i1 to vector<16xi1>
      %reduce_sum3A_1175 = tpu.scan <sum>, %get3A_1166 masked %reduce_sum3A_1174 : vector<16xi32>, vector<16xi1> -> vector<16xi32>
      %reduce_sum3A_1176 = vector.extract %reduce_sum3A_1175[15] : i32 from vector<16xi32>
      %get3A_1177 = arith.constant 31 : i32
      %get3A_1178 = arith.index_cast %get3A_1177 : i32 to index
      %get3A_1179 = arith.constant 0 : index
      %get3A_1180 = tpu.vector_load %arg4[%get3A_1178, %get3A_1179] {strides = array<i32>} : memref<32x32xi32, #tpu.memory_space<vmem>>, vector<16xi32>,
      %gt3A_1181 = arith.constant 0 : i32
      %gt3A_1182 = vector.broadcast %gt3A_1181 : i32 to vector<16xi32>
      %gt3A_1183 = arith.cmpi sgt, %get3A_1180, %gt3A_1182 : vector<16xi32>
      %broadcast_in_dim3A_1184 = arith.constant true
      %broadcast_in_dim3A_1185 = vector.broadcast %broadcast_in_dim3A_1184 : i1 to vector<16xi1>
      %masked_cumsum3A_1186 = tpu.scan <sum>, %get3A_1180 masked %broadcast_in_dim3A_1185 : vector<16xi32>, vector<16xi1> -> vector<16xi32>
      %reduce_sum3A_1187 = arith.constant true
      %reduce_sum3A_1188 = vector.broadcast %reduce_sum3A_1187 : i1 to vector<16xi1>
      %reduce_sum3A_1189 = tpu.scan <sum>, %get3A_1180 masked %reduce_sum3A_1188 : vector<16xi32>, vector<16xi1> -> vector<16xi32>
      %reduce_sum3A_1190 = vector.extract %reduce_sum3A_1189[15] : i32 from vector<16xi32>
      %get3A_1191 = arith.constant 31 : i32
      %get3A_1192 = arith.index_cast %get3A_1191 : i32 to index
      %get3A_1193 = arith.constant 16 : index
      %get3A_1194 = tpu.vector_load %arg4[%get3A_1192, %get3A_1193] {strides = array<i32>} : memref<32x32xi32, #tpu.memory_space<vmem>>, vector<16xi32>,
      %gt3A_1195 = arith.constant 0 : i32
      %gt3A_1196 = vector.broadcast %gt3A_1195 : i32 to vector<16xi32>
      %gt3A_1197 = arith.cmpi sgt, %get3A_1194, %gt3A_1196 : vector<16xi32>
      %broadcast_in_dim3A_1198 = arith.constant true
      %broadcast_in_dim3A_1199 = vector.broadcast %broadcast_in_dim3A_1198 : i1 to vector<16xi1>
      %masked_cumsum3A_1200 = tpu.scan <sum>, %get3A_1194 masked %broadcast_in_dim3A_1199 : vector<16xi32>, vector<16xi1> -> vector<16xi32>
      %reduce_sum3A_1201 = arith.constant true
      %reduce_sum3A_1202 = vector.broadcast %reduce_sum3A_1201 : i1 to vector<16xi1>
      %reduce_sum3A_1203 = tpu.scan <sum>, %get3A_1194 masked %reduce_sum3A_1202 : vector<16xi32>, vector<16xi1> -> vector<16xi32>
      %reduce_sum3A_1204 = vector.extract %reduce_sum3A_1203[15] : i32 from vector<16xi32>
      %add3A_1205 = arith.constant 0 : i32
      %add3A_1206 = vector.broadcast %add3A_1205 : i32 to vector<16xi32>
      %add3A_1207 = arith.addi %masked_cumsum3A, %add3A_1206 : vector<16xi32>
      %add3A_1208 = arith.constant 1 : i32
      %add3A_1209 = vector.broadcast %add3A_1208 : i32 to vector<16xi32>
      %add3A_1210 = arith.addi %iota3A, %add3A_1209 : vector<16xi32>
      tpu.vector_store_idx %arg5[%add3A_1207], %add3A_1210 masked %gt3A_317 : memref<1040xi32, #tpu.memory_space<vmem>>[vector<16xi32>], vector<16xi32>, vector<16xi1>
      %add3A_1211 = arith.constant 0 : i32
      %add3A_1212 = arith.addi %add3A_1211, %reduce_sum3A_322 : i32
      %add3A_1213 = vector.broadcast %add3A_1212 : i32 to vector<16xi32>
      %add3A_1214 = arith.addi %masked_cumsum3A_332, %add3A_1213 : vector<16xi32>
      %add3A_1215 = arith.constant 17 : i32
      %add3A_1216 = vector.broadcast %add3A_1215 : i32 to vector<16xi32>
      %add3A_1217 = arith.addi %iota3A, %add3A_1216 : vector<16xi32>
      tpu.vector_store_idx %arg5[%add3A_1214], %add3A_1217 masked %gt3A_329 : memref<1040xi32, #tpu.memory_space<vmem>>[vector<16xi32>], vector<16xi32>, vector<16xi1>
      %add3A_1218 = arith.addi %add3A_1212, %reduce_sum3A_336 : i32
      %add3A_1219 = vector.broadcast %add3A_1218 : i32 to vector<16xi32>
      %add3A_1220 = arith.addi %masked_cumsum3A_346, %add3A_1219 : vector<16xi32>
      %add3A_1221 = arith.constant 33 : i32
      %add3A_1222 = vector.broadcast %add3A_1221 : i32 to vector<16xi32>
      %add3A_1223 = arith.addi %iota3A, %add3A_1222 : vector<16xi32>
      tpu.vector_store_idx %arg5[%add3A_1220], %add3A_1223 masked %gt3A_343 : memref<1040xi32, #tpu.memory_space<vmem>>[vector<16xi32>], vector<16xi32>, vector<16xi1>
      %add3A_1224 = arith.addi %add3A_1218, %reduce_sum3A_350 : i32
      %add3A_1225 = vector.broadcast %add3A_1224 : i32 to vector<16xi32>
      %add3A_1226 = arith.addi %masked_cumsum3A_360, %add3A_1225 : vector<16xi32>
      %add3A_1227 = arith.constant 49 : i32
      %add3A_1228 = vector.broadcast %add3A_1227 : i32 to vector<16xi32>
      %add3A_1229 = arith.addi %iota3A, %add3A_1228 : vector<16xi32>
      tpu.vector_store_idx %arg5[%add3A_1226], %add3A_1229 masked %gt3A_357 : memref<1040xi32, #tpu.memory_space<vmem>>[vector<16xi32>], vector<16xi32>, vector<16xi1>
      %add3A_1230 = arith.addi %add3A_1224, %reduce_sum3A_364 : i32
      %add3A_1231 = vector.broadcast %add3A_1230 : i32 to vector<16xi32>
      %add3A_1232 = arith.addi %masked_cumsum3A_374, %add3A_1231 : vector<16xi32>
      %add3A_1233 = arith.constant 65 : i32
      %add3A_1234 = vector.broadcast %add3A_1233 : i32 to vector<16xi32>
      %add3A_1235 = arith.addi %iota3A, %add3A_1234 : vector<16xi32>
      tpu.vector_store_idx %arg5[%add3A_1232], %add3A_1235 masked %gt3A_371 : memref<1040xi32, #tpu.memory_space<vmem>>[vector<16xi32>], vector<16xi32>, vector<16xi1>
      %add3A_1236 = arith.addi %add3A_1230, %reduce_sum3A_378 : i32
      %add3A_1237 = vector.broadcast %add3A_1236 : i32 to vector<16xi32>
      %add3A_1238 = arith.addi %masked_cumsum3A_388, %add3A_1237 : vector<16xi32>
      %add3A_1239 = arith.constant 81 : i32
      %add3A_1240 = vector.broadcast %add3A_1239 : i32 to vector<16xi32>
      %add3A_1241 = arith.addi %iota3A, %add3A_1240 : vector<16xi32>
      tpu.vector_store_idx %arg5[%add3A_1238], %add3A_1241 masked %gt3A_385 : memref<1040xi32, #tpu.memory_space<vmem>>[vector<16xi32>], vector<16xi32>, vector<16xi1>
      %add3A_1242 = arith.addi %add3A_1236, %reduce_sum3A_392 : i32
      %add3A_1243 = vector.broadcast %add3A_1242 : i32 to vector<16xi32>
      %add3A_1244 = arith.addi %masked_cumsum3A_402, %add3A_1243 : vector<16xi32>
      %add3A_1245 = arith.constant 97 : i32
      %add3A_1246 = vector.broadcast %add3A_1245 : i32 to vector<16xi32>
      %add3A_1247 = arith.addi %iota3A, %add3A_1246 : vector<16xi32>
      tpu.vector_store_idx %arg5[%add3A_1244], %add3A_1247 masked %gt3A_399 : memref<1040xi32, #tpu.memory_space<vmem>>[vector<16xi32>], vector<16xi32>, vector<16xi1>
      %add3A_1248 = arith.addi %add3A_1242, %reduce_sum3A_406 : i32
      %add3A_1249 = vector.broadcast %add3A_1248 : i32 to vector<16xi32>
      %add3A_1250 = arith.addi %masked_cumsum3A_416, %add3A_1249 : vector<16xi32>
      %add3A_1251 = arith.constant 113 : i32
      %add3A_1252 = vector.broadcast %add3A_1251 : i32 to vector<16xi32>
      %add3A_1253 = arith.addi %iota3A, %add3A_1252 : vector<16xi32>
      tpu.vector_store_idx %arg5[%add3A_1250], %add3A_1253 masked %gt3A_413 : memref<1040xi32, #tpu.memory_space<vmem>>[vector<16xi32>], vector<16xi32>, vector<16xi1>
      %add3A_1254 = arith.addi %add3A_1248, %reduce_sum3A_420 : i32
      %add3A_1255 = vector.broadcast %add3A_1254 : i32 to vector<16xi32>
      %add3A_1256 = arith.addi %masked_cumsum3A_430, %add3A_1255 : vector<16xi32>
      %add3A_1257 = arith.constant 129 : i32
      %add3A_1258 = vector.broadcast %add3A_1257 : i32 to vector<16xi32>
      %add3A_1259 = arith.addi %iota3A, %add3A_1258 : vector<16xi32>
      tpu.vector_store_idx %arg5[%add3A_1256], %add3A_1259 masked %gt3A_427 : memref<1040xi32, #tpu.memory_space<vmem>>[vector<16xi32>], vector<16xi32>, vector<16xi1>
      %add3A_1260 = arith.addi %add3A_1254, %reduce_sum3A_434 : i32
      %add3A_1261 = vector.broadcast %add3A_1260 : i32 to vector<16xi32>
      %add3A_1262 = arith.addi %masked_cumsum3A_444, %add3A_1261 : vector<16xi32>
      %add3A_1263 = arith.constant 145 : i32
      %add3A_1264 = vector.broadcast %add3A_1263 : i32 to vector<16xi32>
      %add3A_1265 = arith.addi %iota3A, %add3A_1264 : vector<16xi32>
      tpu.vector_store_idx %arg5[%add3A_1262], %add3A_1265 masked %gt3A_441 : memref<1040xi32, #tpu.memory_space<vmem>>[vector<16xi32>], vector<16xi32>, vector<16xi1>
      %add3A_1266 = arith.addi %add3A_1260, %reduce_sum3A_448 : i32
      %add3A_1267 = vector.broadcast %add3A_1266 : i32 to vector<16xi32>
      %add3A_1268 = arith.addi %masked_cumsum3A_458, %add3A_1267 : vector<16xi32>
      %add3A_1269 = arith.constant 161 : i32
      %add3A_1270 = vector.broadcast %add3A_1269 : i32 to vector<16xi32>
      %add3A_1271 = arith.addi %iota3A, %add3A_1270 : vector<16xi32>
      tpu.vector_store_idx %arg5[%add3A_1268], %add3A_1271 masked %gt3A_455 : memref<1040xi32, #tpu.memory_space<vmem>>[vector<16xi32>], vector<16xi32>, vector<16xi1>
      %add3A_1272 = arith.addi %add3A_1266, %reduce_sum3A_462 : i32
      %add3A_1273 = vector.broadcast %add3A_1272 : i32 to vector<16xi32>
      %add3A_1274 = arith.addi %masked_cumsum3A_472, %add3A_1273 : vector<16xi32>
      %add3A_1275 = arith.constant 177 : i32
      %add3A_1276 = vector.broadcast %add3A_1275 : i32 to vector<16xi32>
      %add3A_1277 = arith.addi %iota3A, %add3A_1276 : vector<16xi32>
      tpu.vector_store_idx %arg5[%add3A_1274], %add3A_1277 masked %gt3A_469 : memref<1040xi32, #tpu.memory_space<vmem>>[vector<16xi32>], vector<16xi32>, vector<16xi1>
      %add3A_1278 = arith.addi %add3A_1272, %reduce_sum3A_476 : i32
      %add3A_1279 = vector.broadcast %add3A_1278 : i32 to vector<16xi32>
      %add3A_1280 = arith.addi %masked_cumsum3A_486, %add3A_1279 : vector<16xi32>
      %add3A_1281 = arith.constant 193 : i32
      %add3A_1282 = vector.broadcast %add3A_1281 : i32 to vector<16xi32>
      %add3A_1283 = arith.addi %iota3A, %add3A_1282 : vector<16xi32>
      tpu.vector_store_idx %arg5[%add3A_1280], %add3A_1283 masked %gt3A_483 : memref<1040xi32, #tpu.memory_space<vmem>>[vector<16xi32>], vector<16xi32>, vector<16xi1>
      %add3A_1284 = arith.addi %add3A_1278, %reduce_sum3A_490 : i32
      %add3A_1285 = vector.broadcast %add3A_1284 : i32 to vector<16xi32>
      %add3A_1286 = arith.addi %masked_cumsum3A_500, %add3A_1285 : vector<16xi32>
      %add3A_1287 = arith.constant 209 : i32
      %add3A_1288 = vector.broadcast %add3A_1287 : i32 to vector<16xi32>
      %add3A_1289 = arith.addi %iota3A, %add3A_1288 : vector<16xi32>
      tpu.vector_store_idx %arg5[%add3A_1286], %add3A_1289 masked %gt3A_497 : memref<1040xi32, #tpu.memory_space<vmem>>[vector<16xi32>], vector<16xi32>, vector<16xi1>
      %add3A_1290 = arith.addi %add3A_1284, %reduce_sum3A_504 : i32
      %add3A_1291 = vector.broadcast %add3A_1290 : i32 to vector<16xi32>
      %add3A_1292 = arith.addi %masked_cumsum3A_514, %add3A_1291 : vector<16xi32>
      %add3A_1293 = arith.constant 225 : i32
      %add3A_1294 = vector.broadcast %add3A_1293 : i32 to vector<16xi32>
      %add3A_1295 = arith.addi %iota3A, %add3A_1294 : vector<16xi32>
      tpu.vector_store_idx %arg5[%add3A_1292], %add3A_1295 masked %gt3A_511 : memref<1040xi32, #tpu.memory_space<vmem>>[vector<16xi32>], vector<16xi32>, vector<16xi1>
      %add3A_1296 = arith.addi %add3A_1290, %reduce_sum3A_518 : i32
      %add3A_1297 = vector.broadcast %add3A_1296 : i32 to vector<16xi32>
      %add3A_1298 = arith.addi %masked_cumsum3A_528, %add3A_1297 : vector<16xi32>
      %add3A_1299 = arith.constant 241 : i32
      %add3A_1300 = vector.broadcast %add3A_1299 : i32 to vector<16xi32>
      %add3A_1301 = arith.addi %iota3A, %add3A_1300 : vector<16xi32>
      tpu.vector_store_idx %arg5[%add3A_1298], %add3A_1301 masked %gt3A_525 : memref<1040xi32, #tpu.memory_space<vmem>>[vector<16xi32>], vector<16xi32>, vector<16xi1>
      %add3A_1302 = arith.addi %add3A_1296, %reduce_sum3A_532 : i32
      %add3A_1303 = vector.broadcast %add3A_1302 : i32 to vector<16xi32>
      %add3A_1304 = arith.addi %masked_cumsum3A_542, %add3A_1303 : vector<16xi32>
      %add3A_1305 = arith.constant 257 : i32
      %add3A_1306 = vector.broadcast %add3A_1305 : i32 to vector<16xi32>
      %add3A_1307 = arith.addi %iota3A, %add3A_1306 : vector<16xi32>
      tpu.vector_store_idx %arg5[%add3A_1304], %add3A_1307 masked %gt3A_539 : memref<1040xi32, #tpu.memory_space<vmem>>[vector<16xi32>], vector<16xi32>, vector<16xi1>
      %add3A_1308 = arith.addi %add3A_1302, %reduce_sum3A_546 : i32
      %add3A_1309 = vector.broadcast %add3A_1308 : i32 to vector<16xi32>
      %add3A_1310 = arith.addi %masked_cumsum3A_556, %add3A_1309 : vector<16xi32>
      %add3A_1311 = arith.constant 273 : i32
      %add3A_1312 = vector.broadcast %add3A_1311 : i32 to vector<16xi32>
      %add3A_1313 = arith.addi %iota3A, %add3A_1312 : vector<16xi32>
      tpu.vector_store_idx %arg5[%add3A_1310], %add3A_1313 masked %gt3A_553 : memref<1040xi32, #tpu.memory_space<vmem>>[vector<16xi32>], vector<16xi32>, vector<16xi1>
      %add3A_1314 = arith.addi %add3A_1308, %reduce_sum3A_560 : i32
      %add3A_1315 = vector.broadcast %add3A_1314 : i32 to vector<16xi32>
      %add3A_1316 = arith.addi %masked_cumsum3A_570, %add3A_1315 : vector<16xi32>
      %add3A_1317 = arith.constant 289 : i32
      %add3A_1318 = vector.broadcast %add3A_1317 : i32 to vector<16xi32>
      %add3A_1319 = arith.addi %iota3A, %add3A_1318 : vector<16xi32>
      tpu.vector_store_idx %arg5[%add3A_1316], %add3A_1319 masked %gt3A_567 : memref<1040xi32, #tpu.memory_space<vmem>>[vector<16xi32>], vector<16xi32>, vector<16xi1>
      %add3A_1320 = arith.addi %add3A_1314, %reduce_sum3A_574 : i32
      %add3A_1321 = vector.broadcast %add3A_1320 : i32 to vector<16xi32>
      %add3A_1322 = arith.addi %masked_cumsum3A_584, %add3A_1321 : vector<16xi32>
      %add3A_1323 = arith.constant 305 : i32
      %add3A_1324 = vector.broadcast %add3A_1323 : i32 to vector<16xi32>
      %add3A_1325 = arith.addi %iota3A, %add3A_1324 : vector<16xi32>
      tpu.vector_store_idx %arg5[%add3A_1322], %add3A_1325 masked %gt3A_581 : memref<1040xi32, #tpu.memory_space<vmem>>[vector<16xi32>], vector<16xi32>, vector<16xi1>
      %add3A_1326 = arith.addi %add3A_1320, %reduce_sum3A_588 : i32
      %add3A_1327 = vector.broadcast %add3A_1326 : i32 to vector<16xi32>
      %add3A_1328 = arith.addi %masked_cumsum3A_598, %add3A_1327 : vector<16xi32>
      %add3A_1329 = arith.constant 321 : i32
      %add3A_1330 = vector.broadcast %add3A_1329 : i32 to vector<16xi32>
      %add3A_1331 = arith.addi %iota3A, %add3A_1330 : vector<16xi32>
      tpu.vector_store_idx %arg5[%add3A_1328], %add3A_1331 masked %gt3A_595 : memref<1040xi32, #tpu.memory_space<vmem>>[vector<16xi32>], vector<16xi32>, vector<16xi1>
      %add3A_1332 = arith.addi %add3A_1326, %reduce_sum3A_602 : i32
      %add3A_1333 = vector.broadcast %add3A_1332 : i32 to vector<16xi32>
      %add3A_1334 = arith.addi %masked_cumsum3A_612, %add3A_1333 : vector<16xi32>
      %add3A_1335 = arith.constant 337 : i32
      %add3A_1336 = vector.broadcast %add3A_1335 : i32 to vector<16xi32>
      %add3A_1337 = arith.addi %iota3A, %add3A_1336 : vector<16xi32>
      tpu.vector_store_idx %arg5[%add3A_1334], %add3A_1337 masked %gt3A_609 : memref<1040xi32, #tpu.memory_space<vmem>>[vector<16xi32>], vector<16xi32>, vector<16xi1>
      %add3A_1338 = arith.addi %add3A_1332, %reduce_sum3A_616 : i32
      %add3A_1339 = vector.broadcast %add3A_1338 : i32 to vector<16xi32>
      %add3A_1340 = arith.addi %masked_cumsum3A_626, %add3A_1339 : vector<16xi32>
      %add3A_1341 = arith.constant 353 : i32
      %add3A_1342 = vector.broadcast %add3A_1341 : i32 to vector<16xi32>
      %add3A_1343 = arith.addi %iota3A, %add3A_1342 : vector<16xi32>
      tpu.vector_store_idx %arg5[%add3A_1340], %add3A_1343 masked %gt3A_623 : memref<1040xi32, #tpu.memory_space<vmem>>[vector<16xi32>], vector<16xi32>, vector<16xi1>
      %add3A_1344 = arith.addi %add3A_1338, %reduce_sum3A_630 : i32
      %add3A_1345 = vector.broadcast %add3A_1344 : i32 to vector<16xi32>
      %add3A_1346 = arith.addi %masked_cumsum3A_640, %add3A_1345 : vector<16xi32>
      %add3A_1347 = arith.constant 369 : i32
      %add3A_1348 = vector.broadcast %add3A_1347 : i32 to vector<16xi32>
      %add3A_1349 = arith.addi %iota3A, %add3A_1348 : vector<16xi32>
      tpu.vector_store_idx %arg5[%add3A_1346], %add3A_1349 masked %gt3A_637 : memref<1040xi32, #tpu.memory_space<vmem>>[vector<16xi32>], vector<16xi32>, vector<16xi1>
      %add3A_1350 = arith.addi %add3A_1344, %reduce_sum3A_644 : i32
      %add3A_1351 = vector.broadcast %add3A_1350 : i32 to vector<16xi32>
      %add3A_1352 = arith.addi %masked_cumsum3A_654, %add3A_1351 : vector<16xi32>
      %add3A_1353 = arith.constant 385 : i32
      %add3A_1354 = vector.broadcast %add3A_1353 : i32 to vector<16xi32>
      %add3A_1355 = arith.addi %iota3A, %add3A_1354 : vector<16xi32>
      tpu.vector_store_idx %arg5[%add3A_1352], %add3A_1355 masked %gt3A_651 : memref<1040xi32, #tpu.memory_space<vmem>>[vector<16xi32>], vector<16xi32>, vector<16xi1>
      %add3A_1356 = arith.addi %add3A_1350, %reduce_sum3A_658 : i32
      %add3A_1357 = vector.broadcast %add3A_1356 : i32 to vector<16xi32>
      %add3A_1358 = arith.addi %masked_cumsum3A_668, %add3A_1357 : vector<16xi32>
      %add3A_1359 = arith.constant 401 : i32
      %add3A_1360 = vector.broadcast %add3A_1359 : i32 to vector<16xi32>
      %add3A_1361 = arith.addi %iota3A, %add3A_1360 : vector<16xi32>
      tpu.vector_store_idx %arg5[%add3A_1358], %add3A_1361 masked %gt3A_665 : memref<1040xi32, #tpu.memory_space<vmem>>[vector<16xi32>], vector<16xi32>, vector<16xi1>
      %add3A_1362 = arith.addi %add3A_1356, %reduce_sum3A_672 : i32
      %add3A_1363 = vector.broadcast %add3A_1362 : i32 to vector<16xi32>
      %add3A_1364 = arith.addi %masked_cumsum3A_682, %add3A_1363 : vector<16xi32>
      %add3A_1365 = arith.constant 417 : i32
      %add3A_1366 = vector.broadcast %add3A_1365 : i32 to vector<16xi32>
      %add3A_1367 = arith.addi %iota3A, %add3A_1366 : vector<16xi32>
      tpu.vector_store_idx %arg5[%add3A_1364], %add3A_1367 masked %gt3A_679 : memref<1040xi32, #tpu.memory_space<vmem>>[vector<16xi32>], vector<16xi32>, vector<16xi1>
      %add3A_1368 = arith.addi %add3A_1362, %reduce_sum3A_686 : i32
      %add3A_1369 = vector.broadcast %add3A_1368 : i32 to vector<16xi32>
      %add3A_1370 = arith.addi %masked_cumsum3A_696, %add3A_1369 : vector<16xi32>
      %add3A_1371 = arith.constant 433 : i32
      %add3A_1372 = vector.broadcast %add3A_1371 : i32 to vector<16xi32>
      %add3A_1373 = arith.addi %iota3A, %add3A_1372 : vector<16xi32>
      tpu.vector_store_idx %arg5[%add3A_1370], %add3A_1373 masked %gt3A_693 : memref<1040xi32, #tpu.memory_space<vmem>>[vector<16xi32>], vector<16xi32>, vector<16xi1>
      %add3A_1374 = arith.addi %add3A_1368, %reduce_sum3A_700 : i32
      %add3A_1375 = vector.broadcast %add3A_1374 : i32 to vector<16xi32>
      %add3A_1376 = arith.addi %masked_cumsum3A_710, %add3A_1375 : vector<16xi32>
      %add3A_1377 = arith.constant 449 : i32
      %add3A_1378 = vector.broadcast %add3A_1377 : i32 to vector<16xi32>
      %add3A_1379 = arith.addi %iota3A, %add3A_1378 : vector<16xi32>
      tpu.vector_store_idx %arg5[%add3A_1376], %add3A_1379 masked %gt3A_707 : memref<1040xi32, #tpu.memory_space<vmem>>[vector<16xi32>], vector<16xi32>, vector<16xi1>
      %add3A_1380 = arith.addi %add3A_1374, %reduce_sum3A_714 : i32
      %add3A_1381 = vector.broadcast %add3A_1380 : i32 to vector<16xi32>
      %add3A_1382 = arith.addi %masked_cumsum3A_724, %add3A_1381 : vector<16xi32>
      %add3A_1383 = arith.constant 465 : i32
      %add3A_1384 = vector.broadcast %add3A_1383 : i32 to vector<16xi32>
      %add3A_1385 = arith.addi %iota3A, %add3A_1384 : vector<16xi32>
      tpu.vector_store_idx %arg5[%add3A_1382], %add3A_1385 masked %gt3A_721 : memref<1040xi32, #tpu.memory_space<vmem>>[vector<16xi32>], vector<16xi32>, vector<16xi1>
      %add3A_1386 = arith.addi %add3A_1380, %reduce_sum3A_728 : i32
      %add3A_1387 = vector.broadcast %add3A_1386 : i32 to vector<16xi32>
      %add3A_1388 = arith.addi %masked_cumsum3A_738, %add3A_1387 : vector<16xi32>
      %add3A_1389 = arith.constant 481 : i32
      %add3A_1390 = vector.broadcast %add3A_1389 : i32 to vector<16xi32>
      %add3A_1391 = arith.addi %iota3A, %add3A_1390 : vector<16xi32>
      tpu.vector_store_idx %arg5[%add3A_1388], %add3A_1391 masked %gt3A_735 : memref<1040xi32, #tpu.memory_space<vmem>>[vector<16xi32>], vector<16xi32>, vector<16xi1>
      %add3A_1392 = arith.addi %add3A_1386, %reduce_sum3A_742 : i32
      %add3A_1393 = vector.broadcast %add3A_1392 : i32 to vector<16xi32>
      %add3A_1394 = arith.addi %masked_cumsum3A_752, %add3A_1393 : vector<16xi32>
      %add3A_1395 = arith.constant 497 : i32
      %add3A_1396 = vector.broadcast %add3A_1395 : i32 to vector<16xi32>
      %add3A_1397 = arith.addi %iota3A, %add3A_1396 : vector<16xi32>
      tpu.vector_store_idx %arg5[%add3A_1394], %add3A_1397 masked %gt3A_749 : memref<1040xi32, #tpu.memory_space<vmem>>[vector<16xi32>], vector<16xi32>, vector<16xi1>
      %add3A_1398 = arith.addi %add3A_1392, %reduce_sum3A_756 : i32
      %add3A_1399 = vector.broadcast %add3A_1398 : i32 to vector<16xi32>
      %add3A_1400 = arith.addi %masked_cumsum3A_766, %add3A_1399 : vector<16xi32>
      %add3A_1401 = arith.constant 513 : i32
      %add3A_1402 = vector.broadcast %add3A_1401 : i32 to vector<16xi32>
      %add3A_1403 = arith.addi %iota3A, %add3A_1402 : vector<16xi32>
      tpu.vector_store_idx %arg5[%add3A_1400], %add3A_1403 masked %gt3A_763 : memref<1040xi32, #tpu.memory_space<vmem>>[vector<16xi32>], vector<16xi32>, vector<16xi1>
      %add3A_1404 = arith.addi %add3A_1398, %reduce_sum3A_770 : i32
      %add3A_1405 = vector.broadcast %add3A_1404 : i32 to vector<16xi32>
      %add3A_1406 = arith.addi %masked_cumsum3A_780, %add3A_1405 : vector<16xi32>
      %add3A_1407 = arith.constant 529 : i32
      %add3A_1408 = vector.broadcast %add3A_1407 : i32 to vector<16xi32>
      %add3A_1409 = arith.addi %iota3A, %add3A_1408 : vector<16xi32>
      tpu.vector_store_idx %arg5[%add3A_1406], %add3A_1409 masked %gt3A_777 : memref<1040xi32, #tpu.memory_space<vmem>>[vector<16xi32>], vector<16xi32>, vector<16xi1>
      %add3A_1410 = arith.addi %add3A_1404, %reduce_sum3A_784 : i32
      %add3A_1411 = vector.broadcast %add3A_1410 : i32 to vector<16xi32>
      %add3A_1412 = arith.addi %masked_cumsum3A_794, %add3A_1411 : vector<16xi32>
      %add3A_1413 = arith.constant 545 : i32
      %add3A_1414 = vector.broadcast %add3A_1413 : i32 to vector<16xi32>
      %add3A_1415 = arith.addi %iota3A, %add3A_1414 : vector<16xi32>
      tpu.vector_store_idx %arg5[%add3A_1412], %add3A_1415 masked %gt3A_791 : memref<1040xi32, #tpu.memory_space<vmem>>[vector<16xi32>], vector<16xi32>, vector<16xi1>
      %add3A_1416 = arith.addi %add3A_1410, %reduce_sum3A_798 : i32
      %add3A_1417 = vector.broadcast %add3A_1416 : i32 to vector<16xi32>
      %add3A_1418 = arith.addi %masked_cumsum3A_808, %add3A_1417 : vector<16xi32>
      %add3A_1419 = arith.constant 561 : i32
      %add3A_1420 = vector.broadcast %add3A_1419 : i32 to vector<16xi32>
      %add3A_1421 = arith.addi %iota3A, %add3A_1420 : vector<16xi32>
      tpu.vector_store_idx %arg5[%add3A_1418], %add3A_1421 masked %gt3A_805 : memref<1040xi32, #tpu.memory_space<vmem>>[vector<16xi32>], vector<16xi32>, vector<16xi1>
      %add3A_1422 = arith.addi %add3A_1416, %reduce_sum3A_812 : i32
      %add3A_1423 = vector.broadcast %add3A_1422 : i32 to vector<16xi32>
      %add3A_1424 = arith.addi %masked_cumsum3A_822, %add3A_1423 : vector<16xi32>
      %add3A_1425 = arith.constant 577 : i32
      %add3A_1426 = vector.broadcast %add3A_1425 : i32 to vector<16xi32>
      %add3A_1427 = arith.addi %iota3A, %add3A_1426 : vector<16xi32>
      tpu.vector_store_idx %arg5[%add3A_1424], %add3A_1427 masked %gt3A_819 : memref<1040xi32, #tpu.memory_space<vmem>>[vector<16xi32>], vector<16xi32>, vector<16xi1>
      %add3A_1428 = arith.addi %add3A_1422, %reduce_sum3A_826 : i32
      %add3A_1429 = vector.broadcast %add3A_1428 : i32 to vector<16xi32>
      %add3A_1430 = arith.addi %masked_cumsum3A_836, %add3A_1429 : vector<16xi32>
      %add3A_1431 = arith.constant 593 : i32
      %add3A_1432 = vector.broadcast %add3A_1431 : i32 to vector<16xi32>
      %add3A_1433 = arith.addi %iota3A, %add3A_1432 : vector<16xi32>
      tpu.vector_store_idx %arg5[%add3A_1430], %add3A_1433 masked %gt3A_833 : memref<1040xi32, #tpu.memory_space<vmem>>[vector<16xi32>], vector<16xi32>, vector<16xi1>
      %add3A_1434 = arith.addi %add3A_1428, %reduce_sum3A_840 : i32
      %add3A_1435 = vector.broadcast %add3A_1434 : i32 to vector<16xi32>
      %add3A_1436 = arith.addi %masked_cumsum3A_850, %add3A_1435 : vector<16xi32>
      %add3A_1437 = arith.constant 609 : i32
      %add3A_1438 = vector.broadcast %add3A_1437 : i32 to vector<16xi32>
      %add3A_1439 = arith.addi %iota3A, %add3A_1438 : vector<16xi32>
      tpu.vector_store_idx %arg5[%add3A_1436], %add3A_1439 masked %gt3A_847 : memref<1040xi32, #tpu.memory_space<vmem>>[vector<16xi32>], vector<16xi32>, vector<16xi1>
      %add3A_1440 = arith.addi %add3A_1434, %reduce_sum3A_854 : i32
      %add3A_1441 = vector.broadcast %add3A_1440 : i32 to vector<16xi32>
      %add3A_1442 = arith.addi %masked_cumsum3A_864, %add3A_1441 : vector<16xi32>
      %add3A_1443 = arith.constant 625 : i32
      %add3A_1444 = vector.broadcast %add3A_1443 : i32 to vector<16xi32>
      %add3A_1445 = arith.addi %iota3A, %add3A_1444 : vector<16xi32>
      tpu.vector_store_idx %arg5[%add3A_1442], %add3A_1445 masked %gt3A_861 : memref<1040xi32, #tpu.memory_space<vmem>>[vector<16xi32>], vector<16xi32>, vector<16xi1>
      %add3A_1446 = arith.addi %add3A_1440, %reduce_sum3A_868 : i32
      %add3A_1447 = vector.broadcast %add3A_1446 : i32 to vector<16xi32>
      %add3A_1448 = arith.addi %masked_cumsum3A_878, %add3A_1447 : vector<16xi32>
      %add3A_1449 = arith.constant 641 : i32
      %add3A_1450 = vector.broadcast %add3A_1449 : i32 to vector<16xi32>
      %add3A_1451 = arith.addi %iota3A, %add3A_1450 : vector<16xi32>
      tpu.vector_store_idx %arg5[%add3A_1448], %add3A_1451 masked %gt3A_875 : memref<1040xi32, #tpu.memory_space<vmem>>[vector<16xi32>], vector<16xi32>, vector<16xi1>
      %add3A_1452 = arith.addi %add3A_1446, %reduce_sum3A_882 : i32
      %add3A_1453 = vector.broadcast %add3A_1452 : i32 to vector<16xi32>
      %add3A_1454 = arith.addi %masked_cumsum3A_892, %add3A_1453 : vector<16xi32>
      %add3A_1455 = arith.constant 657 : i32
      %add3A_1456 = vector.broadcast %add3A_1455 : i32 to vector<16xi32>
      %add3A_1457 = arith.addi %iota3A, %add3A_1456 : vector<16xi32>
      tpu.vector_store_idx %arg5[%add3A_1454], %add3A_1457 masked %gt3A_889 : memref<1040xi32, #tpu.memory_space<vmem>>[vector<16xi32>], vector<16xi32>, vector<16xi1>
      %add3A_1458 = arith.addi %add3A_1452, %reduce_sum3A_896 : i32
      %add3A_1459 = vector.broadcast %add3A_1458 : i32 to vector<16xi32>
      %add3A_1460 = arith.addi %masked_cumsum3A_906, %add3A_1459 : vector<16xi32>
      %add3A_1461 = arith.constant 673 : i32
      %add3A_1462 = vector.broadcast %add3A_1461 : i32 to vector<16xi32>
      %add3A_1463 = arith.addi %iota3A, %add3A_1462 : vector<16xi32>
      tpu.vector_store_idx %arg5[%add3A_1460], %add3A_1463 masked %gt3A_903 : memref<1040xi32, #tpu.memory_space<vmem>>[vector<16xi32>], vector<16xi32>, vector<16xi1>
      %add3A_1464 = arith.addi %add3A_1458, %reduce_sum3A_910 : i32
      %add3A_1465 = vector.broadcast %add3A_1464 : i32 to vector<16xi32>
      %add3A_1466 = arith.addi %masked_cumsum3A_920, %add3A_1465 : vector<16xi32>
      %add3A_1467 = arith.constant 689 : i32
      %add3A_1468 = vector.broadcast %add3A_1467 : i32 to vector<16xi32>
      %add3A_1469 = arith.addi %iota3A, %add3A_1468 : vector<16xi32>
      tpu.vector_store_idx %arg5[%add3A_1466], %add3A_1469 masked %gt3A_917 : memref<1040xi32, #tpu.memory_space<vmem>>[vector<16xi32>], vector<16xi32>, vector<16xi1>
      %add3A_1470 = arith.addi %add3A_1464, %reduce_sum3A_924 : i32
      %add3A_1471 = vector.broadcast %add3A_1470 : i32 to vector<16xi32>
      %add3A_1472 = arith.addi %masked_cumsum3A_934, %add3A_1471 : vector<16xi32>
      %add3A_1473 = arith.constant 705 : i32
      %add3A_1474 = vector.broadcast %add3A_1473 : i32 to vector<16xi32>
      %add3A_1475 = arith.addi %iota3A, %add3A_1474 : vector<16xi32>
      tpu.vector_store_idx %arg5[%add3A_1472], %add3A_1475 masked %gt3A_931 : memref<1040xi32, #tpu.memory_space<vmem>>[vector<16xi32>], vector<16xi32>, vector<16xi1>
      %add3A_1476 = arith.addi %add3A_1470, %reduce_sum3A_938 : i32
      %add3A_1477 = vector.broadcast %add3A_1476 : i32 to vector<16xi32>
      %add3A_1478 = arith.addi %masked_cumsum3A_948, %add3A_1477 : vector<16xi32>
      %add3A_1479 = arith.constant 721 : i32
      %add3A_1480 = vector.broadcast %add3A_1479 : i32 to vector<16xi32>
      %add3A_1481 = arith.addi %iota3A, %add3A_1480 : vector<16xi32>
      tpu.vector_store_idx %arg5[%add3A_1478], %add3A_1481 masked %gt3A_945 : memref<1040xi32, #tpu.memory_space<vmem>>[vector<16xi32>], vector<16xi32>, vector<16xi1>
      %add3A_1482 = arith.addi %add3A_1476, %reduce_sum3A_952 : i32
      %add3A_1483 = vector.broadcast %add3A_1482 : i32 to vector<16xi32>
      %add3A_1484 = arith.addi %masked_cumsum3A_962, %add3A_1483 : vector<16xi32>
      %add3A_1485 = arith.constant 737 : i32
      %add3A_1486 = vector.broadcast %add3A_1485 : i32 to vector<16xi32>
      %add3A_1487 = arith.addi %iota3A, %add3A_1486 : vector<16xi32>
      tpu.vector_store_idx %arg5[%add3A_1484], %add3A_1487 masked %gt3A_959 : memref<1040xi32, #tpu.memory_space<vmem>>[vector<16xi32>], vector<16xi32>, vector<16xi1>
      %add3A_1488 = arith.addi %add3A_1482, %reduce_sum3A_966 : i32
      %add3A_1489 = vector.broadcast %add3A_1488 : i32 to vector<16xi32>
      %add3A_1490 = arith.addi %masked_cumsum3A_976, %add3A_1489 : vector<16xi32>
      %add3A_1491 = arith.constant 753 : i32
      %add3A_1492 = vector.broadcast %add3A_1491 : i32 to vector<16xi32>
      %add3A_1493 = arith.addi %iota3A, %add3A_1492 : vector<16xi32>
      tpu.vector_store_idx %arg5[%add3A_1490], %add3A_1493 masked %gt3A_973 : memref<1040xi32, #tpu.memory_space<vmem>>[vector<16xi32>], vector<16xi32>, vector<16xi1>
      %add3A_1494 = arith.addi %add3A_1488, %reduce_sum3A_980 : i32
      %add3A_1495 = vector.broadcast %add3A_1494 : i32 to vector<16xi32>
      %add3A_1496 = arith.addi %masked_cumsum3A_990, %add3A_1495 : vector<16xi32>
      %add3A_1497 = arith.constant 769 : i32
      %add3A_1498 = vector.broadcast %add3A_1497 : i32 to vector<16xi32>
      %add3A_1499 = arith.addi %iota3A, %add3A_1498 : vector<16xi32>
      tpu.vector_store_idx %arg5[%add3A_1496], %add3A_1499 masked %gt3A_987 : memref<1040xi32, #tpu.memory_space<vmem>>[vector<16xi32>], vector<16xi32>, vector<16xi1>
      %add3A_1500 = arith.addi %add3A_1494, %reduce_sum3A_994 : i32
      %add3A_1501 = vector.broadcast %add3A_1500 : i32 to vector<16xi32>
      %add3A_1502 = arith.addi %masked_cumsum3A_1004, %add3A_1501 : vector<16xi32>
      %add3A_1503 = arith.constant 785 : i32
      %add3A_1504 = vector.broadcast %add3A_1503 : i32 to vector<16xi32>
      %add3A_1505 = arith.addi %iota3A, %add3A_1504 : vector<16xi32>
      tpu.vector_store_idx %arg5[%add3A_1502], %add3A_1505 masked %gt3A_1001 : memref<1040xi32, #tpu.memory_space<vmem>>[vector<16xi32>], vector<16xi32>, vector<16xi1>
      %add3A_1506 = arith.addi %add3A_1500, %reduce_sum3A_1008 : i32
      %add3A_1507 = vector.broadcast %add3A_1506 : i32 to vector<16xi32>
      %add3A_1508 = arith.addi %masked_cumsum3A_1018, %add3A_1507 : vector<16xi32>
      %add3A_1509 = arith.constant 801 : i32
      %add3A_1510 = vector.broadcast %add3A_1509 : i32 to vector<16xi32>
      %add3A_1511 = arith.addi %iota3A, %add3A_1510 : vector<16xi32>
      tpu.vector_store_idx %arg5[%add3A_1508], %add3A_1511 masked %gt3A_1015 : memref<1040xi32, #tpu.memory_space<vmem>>[vector<16xi32>], vector<16xi32>, vector<16xi1>
      %add3A_1512 = arith.addi %add3A_1506, %reduce_sum3A_1022 : i32
      %add3A_1513 = vector.broadcast %add3A_1512 : i32 to vector<16xi32>
      %add3A_1514 = arith.addi %masked_cumsum3A_1032, %add3A_1513 : vector<16xi32>
      %add3A_1515 = arith.constant 817 : i32
      %add3A_1516 = vector.broadcast %add3A_1515 : i32 to vector<16xi32>
      %add3A_1517 = arith.addi %iota3A, %add3A_1516 : vector<16xi32>
      tpu.vector_store_idx %arg5[%add3A_1514], %add3A_1517 masked %gt3A_1029 : memref<1040xi32, #tpu.memory_space<vmem>>[vector<16xi32>], vector<16xi32>, vector<16xi1>
      %add3A_1518 = arith.addi %add3A_1512, %reduce_sum3A_1036 : i32
      %add3A_1519 = vector.broadcast %add3A_1518 : i32 to vector<16xi32>
      %add3A_1520 = arith.addi %masked_cumsum3A_1046, %add3A_1519 : vector<16xi32>
      %add3A_1521 = arith.constant 833 : i32
      %add3A_1522 = vector.broadcast %add3A_1521 : i32 to vector<16xi32>
      %add3A_1523 = arith.addi %iota3A, %add3A_1522 : vector<16xi32>
      tpu.vector_store_idx %arg5[%add3A_1520], %add3A_1523 masked %gt3A_1043 : memref<1040xi32, #tpu.memory_space<vmem>>[vector<16xi32>], vector<16xi32>, vector<16xi1>
      %add3A_1524 = arith.addi %add3A_1518, %reduce_sum3A_1050 : i32
      %add3A_1525 = vector.broadcast %add3A_1524 : i32 to vector<16xi32>
      %add3A_1526 = arith.addi %masked_cumsum3A_1060, %add3A_1525 : vector<16xi32>
      %add3A_1527 = arith.constant 849 : i32
      %add3A_1528 = vector.broadcast %add3A_1527 : i32 to vector<16xi32>
      %add3A_1529 = arith.addi %iota3A, %add3A_1528 : vector<16xi32>
      tpu.vector_store_idx %arg5[%add3A_1526], %add3A_1529 masked %gt3A_1057 : memref<1040xi32, #tpu.memory_space<vmem>>[vector<16xi32>], vector<16xi32>, vector<16xi1>
      %add3A_1530 = arith.addi %add3A_1524, %reduce_sum3A_1064 : i32
      %add3A_1531 = vector.broadcast %add3A_1530 : i32 to vector<16xi32>
      %add3A_1532 = arith.addi %masked_cumsum3A_1074, %add3A_1531 : vector<16xi32>
      %add3A_1533 = arith.constant 865 : i32
      %add3A_1534 = vector.broadcast %add3A_1533 : i32 to vector<16xi32>
      %add3A_1535 = arith.addi %iota3A, %add3A_1534 : vector<16xi32>
      tpu.vector_store_idx %arg5[%add3A_1532], %add3A_1535 masked %gt3A_1071 : memref<1040xi32, #tpu.memory_space<vmem>>[vector<16xi32>], vector<16xi32>, vector<16xi1>
      %add3A_1536 = arith.addi %add3A_1530, %reduce_sum3A_1078 : i32
      %add3A_1537 = vector.broadcast %add3A_1536 : i32 to vector<16xi32>
      %add3A_1538 = arith.addi %masked_cumsum3A_1088, %add3A_1537 : vector<16xi32>
      %add3A_1539 = arith.constant 881 : i32
      %add3A_1540 = vector.broadcast %add3A_1539 : i32 to vector<16xi32>
      %add3A_1541 = arith.addi %iota3A, %add3A_1540 : vector<16xi32>
      tpu.vector_store_idx %arg5[%add3A_1538], %add3A_1541 masked %gt3A_1085 : memref<1040xi32, #tpu.memory_space<vmem>>[vector<16xi32>], vector<16xi32>, vector<16xi1>
      %add3A_1542 = arith.addi %add3A_1536, %reduce_sum3A_1092 : i32
      %add3A_1543 = vector.broadcast %add3A_1542 : i32 to vector<16xi32>
      %add3A_1544 = arith.addi %masked_cumsum3A_1102, %add3A_1543 : vector<16xi32>
      %add3A_1545 = arith.constant 897 : i32
      %add3A_1546 = vector.broadcast %add3A_1545 : i32 to vector<16xi32>
      %add3A_1547 = arith.addi %iota3A, %add3A_1546 : vector<16xi32>
      tpu.vector_store_idx %arg5[%add3A_1544], %add3A_1547 masked %gt3A_1099 : memref<1040xi32, #tpu.memory_space<vmem>>[vector<16xi32>], vector<16xi32>, vector<16xi1>
      %add3A_1548 = arith.addi %add3A_1542, %reduce_sum3A_1106 : i32
      %add3A_1549 = vector.broadcast %add3A_1548 : i32 to vector<16xi32>
      %add3A_1550 = arith.addi %masked_cumsum3A_1116, %add3A_1549 : vector<16xi32>
      %add3A_1551 = arith.constant 913 : i32
      %add3A_1552 = vector.broadcast %add3A_1551 : i32 to vector<16xi32>
      %add3A_1553 = arith.addi %iota3A, %add3A_1552 : vector<16xi32>
      tpu.vector_store_idx %arg5[%add3A_1550], %add3A_1553 masked %gt3A_1113 : memref<1040xi32, #tpu.memory_space<vmem>>[vector<16xi32>], vector<16xi32>, vector<16xi1>
      %add3A_1554 = arith.addi %add3A_1548, %reduce_sum3A_1120 : i32
      %add3A_1555 = vector.broadcast %add3A_1554 : i32 to vector<16xi32>
      %add3A_1556 = arith.addi %masked_cumsum3A_1130, %add3A_1555 : vector<16xi32>
      %add3A_1557 = arith.constant 929 : i32
      %add3A_1558 = vector.broadcast %add3A_1557 : i32 to vector<16xi32>
      %add3A_1559 = arith.addi %iota3A, %add3A_1558 : vector<16xi32>
      tpu.vector_store_idx %arg5[%add3A_1556], %add3A_1559 masked %gt3A_1127 : memref<1040xi32, #tpu.memory_space<vmem>>[vector<16xi32>], vector<16xi32>, vector<16xi1>
      %add3A_1560 = arith.addi %add3A_1554, %reduce_sum3A_1134 : i32
      %add3A_1561 = vector.broadcast %add3A_1560 : i32 to vector<16xi32>
      %add3A_1562 = arith.addi %masked_cumsum3A_1144, %add3A_1561 : vector<16xi32>
      %add3A_1563 = arith.constant 945 : i32
      %add3A_1564 = vector.broadcast %add3A_1563 : i32 to vector<16xi32>
      %add3A_1565 = arith.addi %iota3A, %add3A_1564 : vector<16xi32>
      tpu.vector_store_idx %arg5[%add3A_1562], %add3A_1565 masked %gt3A_1141 : memref<1040xi32, #tpu.memory_space<vmem>>[vector<16xi32>], vector<16xi32>, vector<16xi1>
      %add3A_1566 = arith.addi %add3A_1560, %reduce_sum3A_1148 : i32
      %add3A_1567 = vector.broadcast %add3A_1566 : i32 to vector<16xi32>
      %add3A_1568 = arith.addi %masked_cumsum3A_1158, %add3A_1567 : vector<16xi32>
      %add3A_1569 = arith.constant 961 : i32
      %add3A_1570 = vector.broadcast %add3A_1569 : i32 to vector<16xi32>
      %add3A_1571 = arith.addi %iota3A, %add3A_1570 : vector<16xi32>
      tpu.vector_store_idx %arg5[%add3A_1568], %add3A_1571 masked %gt3A_1155 : memref<1040xi32, #tpu.memory_space<vmem>>[vector<16xi32>], vector<16xi32>, vector<16xi1>
      %add3A_1572 = arith.addi %add3A_1566, %reduce_sum3A_1162 : i32
      %add3A_1573 = vector.broadcast %add3A_1572 : i32 to vector<16xi32>
      %add3A_1574 = arith.addi %masked_cumsum3A_1172, %add3A_1573 : vector<16xi32>
      %add3A_1575 = arith.constant 977 : i32
      %add3A_1576 = vector.broadcast %add3A_1575 : i32 to vector<16xi32>
      %add3A_1577 = arith.addi %iota3A, %add3A_1576 : vector<16xi32>
      tpu.vector_store_idx %arg5[%add3A_1574], %add3A_1577 masked %gt3A_1169 : memref<1040xi32, #tpu.memory_space<vmem>>[vector<16xi32>], vector<16xi32>, vector<16xi1>
      %add3A_1578 = arith.addi %add3A_1572, %reduce_sum3A_1176 : i32
      %add3A_1579 = vector.broadcast %add3A_1578 : i32 to vector<16xi32>
      %add3A_1580 = arith.addi %masked_cumsum3A_1186, %add3A_1579 : vector<16xi32>
      %add3A_1581 = arith.constant 993 : i32
      %add3A_1582 = vector.broadcast %add3A_1581 : i32 to vector<16xi32>
      %add3A_1583 = arith.addi %iota3A, %add3A_1582 : vector<16xi32>
      tpu.vector_store_idx %arg5[%add3A_1580], %add3A_1583 masked %gt3A_1183 : memref<1040xi32, #tpu.memory_space<vmem>>[vector<16xi32>], vector<16xi32>, vector<16xi1>
      %add3A_1584 = arith.addi %add3A_1578, %reduce_sum3A_1190 : i32
      %add3A_1585 = vector.broadcast %add3A_1584 : i32 to vector<16xi32>
      %add3A_1586 = arith.addi %masked_cumsum3A_1200, %add3A_1585 : vector<16xi32>
      %add3A_1587 = arith.constant 1009 : i32
      %add3A_1588 = vector.broadcast %add3A_1587 : i32 to vector<16xi32>
      %add3A_1589 = arith.addi %iota3A, %add3A_1588 : vector<16xi32>
      tpu.vector_store_idx %arg5[%add3A_1586], %add3A_1589 masked %gt3A_1197 : memref<1040xi32, #tpu.memory_space<vmem>>[vector<16xi32>], vector<16xi32>, vector<16xi1>
      %add3A_1590 = arith.addi %add3A_1584, %reduce_sum3A_1204 : i32
      "tpu.region"() ({
        %run_scoped3A = tpu.sem_alloc : memref<!tpu.dma_semaphore, #tpu.memory_space<semaphore_mem>>
        tpu.enqueue_dma source(%arg5 : memref<1040xi32, #tpu.memory_space<vmem>>) target(%arg7 : memref<1040xi32, #tpu.memory_space<vmem_shared>>) target_semaphore(%run_scoped3A : memref<!tpu.dma_semaphore, #tpu.memory_space<semaphore_mem>>)
        tpu.wait_dma2 semaphore(%run_scoped3A : memref<!tpu.dma_semaphore, #tpu.memory_space<semaphore_mem>>) src(%arg5 : memref<1040xi32, #tpu.memory_space<vmem>>) dst(%arg7 : memref<1040xi32, #tpu.memory_space<vmem_shared>>)
        tpu.yield
      }) : () -> ()
    } else {
    }
    %barrier3A = arith.constant 0 : index
    tpu.barrier barrier_id(%barrier3A)
    %dma_start3A = arith.constant 0 : i32
    %dma_start3A_2 = arith.constant 0 : i32
    %dma_start3A_3 = tpu.memref_slice %arg6[%dma_start3A, %dma_start3A_2] : memref<8x1025xi32, #tpu.memory_space<vmem>> -> memref<1x1025xi32, #tpu.memory_space<vmem>>
    %dma_start3A_4 = tpu.memref_squeeze %dma_start3A_3 : memref<1x1025xi32, #tpu.memory_space<vmem>> -> memref<1025xi32, #tpu.memory_space<vmem>>
    %dma_start3A_5 = arith.constant 0 : i32
    %dma_start3A_6 = tpu.memref_slice %arg7[%dma_start3A_5] : memref<1040xi32, #tpu.memory_space<vmem_shared>> -> memref<1025xi32, #tpu.memory_space<vmem_shared>>
    %dma_start3A_7 = arith.constant 0 : i32
    %dma_start3A_8 = tpu.memref_slice %arg6[%dma_start3A, %dma_start3A_7] : memref<8x1025xi32, #tpu.memory_space<vmem>> -> memref<1x1025xi32, #tpu.memory_space<vmem>>
    %dma_start3A_9 = tpu.memref_squeeze %dma_start3A_8 : memref<1x1025xi32, #tpu.memory_space<vmem>> -> memref<1025xi32, #tpu.memory_space<vmem>>
    %dma_start3A_10 = arith.constant 0 : i32
    %dma_start3A_11 = tpu.memref_slice %arg7[%dma_start3A_10] : memref<1040xi32, #tpu.memory_space<vmem_shared>> -> memref<1025xi32, #tpu.memory_space<vmem_shared>>
    tpu.enqueue_dma source(%dma_start3A_11 : memref<1025xi32, #tpu.memory_space<vmem_shared>>) target(%dma_start3A_9 : memref<1025xi32, #tpu.memory_space<vmem>>) target_semaphore(%arg8 : memref<!tpu.dma_semaphore, #tpu.memory_space<semaphore_mem>>)
    %dma_start3A_12 = arith.constant 1 : i32
    %dma_start3A_13 = arith.constant 0 : i32
    %dma_start3A_14 = tpu.memref_slice %arg6[%dma_start3A_12, %dma_start3A_13] : memref<8x1025xi32, #tpu.memory_space<vmem>> -> memref<1x1025xi32, #tpu.memory_space<vmem>>
    %dma_start3A_15 = tpu.memref_squeeze %dma_start3A_14 : memref<1x1025xi32, #tpu.memory_space<vmem>> -> memref<1025xi32, #tpu.memory_space<vmem>>
    %dma_start3A_16 = arith.constant 0 : i32
    %dma_start3A_17 = tpu.memref_slice %arg7[%dma_start3A_16] : memref<1040xi32, #tpu.memory_space<vmem_shared>> -> memref<1025xi32, #tpu.memory_space<vmem_shared>>
    %dma_start3A_18 = arith.constant 0 : i32
    %dma_start3A_19 = tpu.memref_slice %arg6[%dma_start3A_12, %dma_start3A_18] : memref<8x1025xi32, #tpu.memory_space<vmem>> -> memref<1x1025xi32, #tpu.memory_space<vmem>>
    %dma_start3A_20 = tpu.memref_squeeze %dma_start3A_19 : memref<1x1025xi32, #tpu.memory_space<vmem>> -> memref<1025xi32, #tpu.memory_space<vmem>>
    %dma_start3A_21 = arith.constant 0 : i32
    %dma_start3A_22 = tpu.memref_slice %arg7[%dma_start3A_21] : memref<1040xi32, #tpu.memory_space<vmem_shared>> -> memref<1025xi32, #tpu.memory_space<vmem_shared>>
    tpu.enqueue_dma source(%dma_start3A_22 : memref<1025xi32, #tpu.memory_space<vmem_shared>>) target(%dma_start3A_20 : memref<1025xi32, #tpu.memory_space<vmem>>) target_semaphore(%arg8 : memref<!tpu.dma_semaphore, #tpu.memory_space<semaphore_mem>>)
    %dma_start3A_23 = arith.constant 2 : i32
    %dma_start3A_24 = arith.constant 0 : i32
    %dma_start3A_25 = tpu.memref_slice %arg6[%dma_start3A_23, %dma_start3A_24] : memref<8x1025xi32, #tpu.memory_space<vmem>> -> memref<1x1025xi32, #tpu.memory_space<vmem>>
    %dma_start3A_26 = tpu.memref_squeeze %dma_start3A_25 : memref<1x1025xi32, #tpu.memory_space<vmem>> -> memref<1025xi32, #tpu.memory_space<vmem>>
    %dma_start3A_27 = arith.constant 0 : i32
    %dma_start3A_28 = tpu.memref_slice %arg7[%dma_start3A_27] : memref<1040xi32, #tpu.memory_space<vmem_shared>> -> memref<1025xi32, #tpu.memory_space<vmem_shared>>
    %dma_start3A_29 = arith.constant 0 : i32
    %dma_start3A_30 = tpu.memref_slice %arg6[%dma_start3A_23, %dma_start3A_29] : memref<8x1025xi32, #tpu.memory_space<vmem>> -> memref<1x1025xi32, #tpu.memory_space<vmem>>
    %dma_start3A_31 = tpu.memref_squeeze %dma_start3A_30 : memref<1x1025xi32, #tpu.memory_space<vmem>> -> memref<1025xi32, #tpu.memory_space<vmem>>
    %dma_start3A_32 = arith.constant 0 : i32
    %dma_start3A_33 = tpu.memref_slice %arg7[%dma_start3A_32] : memref<1040xi32, #tpu.memory_space<vmem_shared>> -> memref<1025xi32, #tpu.memory_space<vmem_shared>>
    tpu.enqueue_dma source(%dma_start3A_33 : memref<1025xi32, #tpu.memory_space<vmem_shared>>) target(%dma_start3A_31 : memref<1025xi32, #tpu.memory_space<vmem>>) target_semaphore(%arg8 : memref<!tpu.dma_semaphore, #tpu.memory_space<semaphore_mem>>)
    %dma_start3A_34 = arith.constant 3 : i32
    %dma_start3A_35 = arith.constant 0 : i32
    %dma_start3A_36 = tpu.memref_slice %arg6[%dma_start3A_34, %dma_start3A_35] : memref<8x1025xi32, #tpu.memory_space<vmem>> -> memref<1x1025xi32, #tpu.memory_space<vmem>>
    %dma_start3A_37 = tpu.memref_squeeze %dma_start3A_36 : memref<1x1025xi32, #tpu.memory_space<vmem>> -> memref<1025xi32, #tpu.memory_space<vmem>>
    %dma_start3A_38 = arith.constant 0 : i32
    %dma_start3A_39 = tpu.memref_slice %arg7[%dma_start3A_38] : memref<1040xi32, #tpu.memory_space<vmem_shared>> -> memref<1025xi32, #tpu.memory_space<vmem_shared>>
    %dma_start3A_40 = arith.constant 0 : i32
    %dma_start3A_41 = tpu.memref_slice %arg6[%dma_start3A_34, %dma_start3A_40] : memref<8x1025xi32, #tpu.memory_space<vmem>> -> memref<1x1025xi32, #tpu.memory_space<vmem>>
    %dma_start3A_42 = tpu.memref_squeeze %dma_start3A_41 : memref<1x1025xi32, #tpu.memory_space<vmem>> -> memref<1025xi32, #tpu.memory_space<vmem>>
    %dma_start3A_43 = arith.constant 0 : i32
    %dma_start3A_44 = tpu.memref_slice %arg7[%dma_start3A_43] : memref<1040xi32, #tpu.memory_space<vmem_shared>> -> memref<1025xi32, #tpu.memory_space<vmem_shared>>
    tpu.enqueue_dma source(%dma_start3A_44 : memref<1025xi32, #tpu.memory_space<vmem_shared>>) target(%dma_start3A_42 : memref<1025xi32, #tpu.memory_space<vmem>>) target_semaphore(%arg8 : memref<!tpu.dma_semaphore, #tpu.memory_space<semaphore_mem>>)
    %dma_start3A_45 = arith.constant 4 : i32
    %dma_start3A_46 = arith.constant 0 : i32
    %dma_start3A_47 = tpu.memref_slice %arg6[%dma_start3A_45, %dma_start3A_46] : memref<8x1025xi32, #tpu.memory_space<vmem>> -> memref<1x1025xi32, #tpu.memory_space<vmem>>
    %dma_start3A_48 = tpu.memref_squeeze %dma_start3A_47 : memref<1x1025xi32, #tpu.memory_space<vmem>> -> memref<1025xi32, #tpu.memory_space<vmem>>
    %dma_start3A_49 = arith.constant 0 : i32
    %dma_start3A_50 = tpu.memref_slice %arg7[%dma_start3A_49] : memref<1040xi32, #tpu.memory_space<vmem_shared>> -> memref<1025xi32, #tpu.memory_space<vmem_shared>>
    %dma_start3A_51 = arith.constant 0 : i32
    %dma_start3A_52 = tpu.memref_slice %arg6[%dma_start3A_45, %dma_start3A_51] : memref<8x1025xi32, #tpu.memory_space<vmem>> -> memref<1x1025xi32, #tpu.memory_space<vmem>>
    %dma_start3A_53 = tpu.memref_squeeze %dma_start3A_52 : memref<1x1025xi32, #tpu.memory_space<vmem>> -> memref<1025xi32, #tpu.memory_space<vmem>>
    %dma_start3A_54 = arith.constant 0 : i32
    %dma_start3A_55 = tpu.memref_slice %arg7[%dma_start3A_54] : memref<1040xi32, #tpu.memory_space<vmem_shared>> -> memref<1025xi32, #tpu.memory_space<vmem_shared>>
    tpu.enqueue_dma source(%dma_start3A_55 : memref<1025xi32, #tpu.memory_space<vmem_shared>>) target(%dma_start3A_53 : memref<1025xi32, #tpu.memory_space<vmem>>) target_semaphore(%arg8 : memref<!tpu.dma_semaphore, #tpu.memory_space<semaphore_mem>>)
    %dma_start3A_56 = arith.constant 5 : i32
    %dma_start3A_57 = arith.constant 0 : i32
    %dma_start3A_58 = tpu.memref_slice %arg6[%dma_start3A_56, %dma_start3A_57] : memref<8x1025xi32, #tpu.memory_space<vmem>> -> memref<1x1025xi32, #tpu.memory_space<vmem>>
    %dma_start3A_59 = tpu.memref_squeeze %dma_start3A_58 : memref<1x1025xi32, #tpu.memory_space<vmem>> -> memref<1025xi32, #tpu.memory_space<vmem>>
    %dma_start3A_60 = arith.constant 0 : i32
    %dma_start3A_61 = tpu.memref_slice %arg7[%dma_start3A_60] : memref<1040xi32, #tpu.memory_space<vmem_shared>> -> memref<1025xi32, #tpu.memory_space<vmem_shared>>
    %dma_start3A_62 = arith.constant 0 : i32
    %dma_start3A_63 = tpu.memref_slice %arg6[%dma_start3A_56, %dma_start3A_62] : memref<8x1025xi32, #tpu.memory_space<vmem>> -> memref<1x1025xi32, #tpu.memory_space<vmem>>
    %dma_start3A_64 = tpu.memref_squeeze %dma_start3A_63 : memref<1x1025xi32, #tpu.memory_space<vmem>> -> memref<1025xi32, #tpu.memory_space<vmem>>
    %dma_start3A_65 = arith.constant 0 : i32
    %dma_start3A_66 = tpu.memref_slice %arg7[%dma_start3A_65] : memref<1040xi32, #tpu.memory_space<vmem_shared>> -> memref<1025xi32, #tpu.memory_space<vmem_shared>>
    tpu.enqueue_dma source(%dma_start3A_66 : memref<1025xi32, #tpu.memory_space<vmem_shared>>) target(%dma_start3A_64 : memref<1025xi32, #tpu.memory_space<vmem>>) target_semaphore(%arg8 : memref<!tpu.dma_semaphore, #tpu.memory_space<semaphore_mem>>)
    %dma_start3A_67 = arith.constant 6 : i32
    %dma_start3A_68 = arith.constant 0 : i32
    %dma_start3A_69 = tpu.memref_slice %arg6[%dma_start3A_67, %dma_start3A_68] : memref<8x1025xi32, #tpu.memory_space<vmem>> -> memref<1x1025xi32, #tpu.memory_space<vmem>>
    %dma_start3A_70 = tpu.memref_squeeze %dma_start3A_69 : memref<1x1025xi32, #tpu.memory_space<vmem>> -> memref<1025xi32, #tpu.memory_space<vmem>>
    %dma_start3A_71 = arith.constant 0 : i32
    %dma_start3A_72 = tpu.memref_slice %arg7[%dma_start3A_71] : memref<1040xi32, #tpu.memory_space<vmem_shared>> -> memref<1025xi32, #tpu.memory_space<vmem_shared>>
    %dma_start3A_73 = arith.constant 0 : i32
    %dma_start3A_74 = tpu.memref_slice %arg6[%dma_start3A_67, %dma_start3A_73] : memref<8x1025xi32, #tpu.memory_space<vmem>> -> memref<1x1025xi32, #tpu.memory_space<vmem>>
    %dma_start3A_75 = tpu.memref_squeeze %dma_start3A_74 : memref<1x1025xi32, #tpu.memory_space<vmem>> -> memref<1025xi32, #tpu.memory_space<vmem>>
    %dma_start3A_76 = arith.constant 0 : i32
    %dma_start3A_77 = tpu.memref_slice %arg7[%dma_start3A_76] : memref<1040xi32, #tpu.memory_space<vmem_shared>> -> memref<1025xi32, #tpu.memory_space<vmem_shared>>
    tpu.enqueue_dma source(%dma_start3A_77 : memref<1025xi32, #tpu.memory_space<vmem_shared>>) target(%dma_start3A_75 : memref<1025xi32, #tpu.memory_space<vmem>>) target_semaphore(%arg8 : memref<!tpu.dma_semaphore, #tpu.memory_space<semaphore_mem>>)
    %dma_start3A_78 = arith.constant 7 : i32
    %dma_start3A_79 = arith.constant 0 : i32
    %dma_start3A_80 = tpu.memref_slice %arg6[%dma_start3A_78, %dma_start3A_79] : memref<8x1025xi32, #tpu.memory_space<vmem>> -> memref<1x1025xi32, #tpu.memory_space<vmem>>
    %dma_start3A_81 = tpu.memref_squeeze %dma_start3A_80 : memref<1x1025xi32, #tpu.memory_space<vmem>> -> memref<1025xi32, #tpu.memory_space<vmem>>
    %dma_start3A_82 = arith.constant 0 : i32
    %dma_start3A_83 = tpu.memref_slice %arg7[%dma_start3A_82] : memref<1040xi32, #tpu.memory_space<vmem_shared>> -> memref<1025xi32, #tpu.memory_space<vmem_shared>>
    %dma_start3A_84 = arith.constant 0 : i32
    %dma_start3A_85 = tpu.memref_slice %arg6[%dma_start3A_78, %dma_start3A_84] : memref<8x1025xi32, #tpu.memory_space<vmem>> -> memref<1x1025xi32, #tpu.memory_space<vmem>>
    %dma_start3A_86 = tpu.memref_squeeze %dma_start3A_85 : memref<1x1025xi32, #tpu.memory_space<vmem>> -> memref<1025xi32, #tpu.memory_space<vmem>>
    %dma_start3A_87 = arith.constant 0 : i32
    %dma_start3A_88 = tpu.memref_slice %arg7[%dma_start3A_87] : memref<1040xi32, #tpu.memory_space<vmem_shared>> -> memref<1025xi32, #tpu.memory_space<vmem_shared>>
    tpu.enqueue_dma source(%dma_start3A_88 : memref<1025xi32, #tpu.memory_space<vmem_shared>>) target(%dma_start3A_86 : memref<1025xi32, #tpu.memory_space<vmem>>) target_semaphore(%arg8 : memref<!tpu.dma_semaphore, #tpu.memory_space<semaphore_mem>>)
    %dma_wait3A = arith.constant 0 : i32
    %dma_wait3A_89 = arith.constant 0 : i32
    %dma_wait3A_90 = tpu.memref_slice %arg6[%dma_wait3A, %dma_wait3A_89] : memref<8x1025xi32, #tpu.memory_space<vmem>> -> memref<1x1025xi32, #tpu.memory_space<vmem>>
    %dma_wait3A_91 = tpu.memref_squeeze %dma_wait3A_90 : memref<1x1025xi32, #tpu.memory_space<vmem>> -> memref<1025xi32, #tpu.memory_space<vmem>>
    %dma_wait3A_92 = arith.constant 0 : i32
    %dma_wait3A_93 = tpu.memref_slice %arg7[%dma_wait3A_92] : memref<1040xi32, #tpu.memory_space<vmem_shared>> -> memref<1025xi32, #tpu.memory_space<vmem_shared>>
    %dma_wait3A_94 = arith.constant 0 : i32
    %dma_wait3A_95 = tpu.memref_slice %arg6[%dma_wait3A, %dma_wait3A_94] : memref<8x1025xi32, #tpu.memory_space<vmem>> -> memref<1x1025xi32, #tpu.memory_space<vmem>>
    %dma_wait3A_96 = tpu.memref_squeeze %dma_wait3A_95 : memref<1x1025xi32, #tpu.memory_space<vmem>> -> memref<1025xi32, #tpu.memory_space<vmem>>
    %dma_wait3A_97 = arith.constant 0 : i32
    %dma_wait3A_98 = tpu.memref_slice %arg7[%dma_wait3A_97] : memref<1040xi32, #tpu.memory_space<vmem_shared>> -> memref<1025xi32, #tpu.memory_space<vmem_shared>>
    tpu.wait_dma2 semaphore(%arg8 : memref<!tpu.dma_semaphore, #tpu.memory_space<semaphore_mem>>) src(%dma_wait3A_98 : memref<1025xi32, #tpu.memory_space<vmem_shared>>) dst(%dma_wait3A_96 : memref<1025xi32, #tpu.memory_space<vmem>>)
    %dma_wait3A_99 = arith.constant 1 : i32
    %dma_wait3A_100 = arith.constant 0 : i32
    %dma_wait3A_101 = tpu.memref_slice %arg6[%dma_wait3A_99, %dma_wait3A_100] : memref<8x1025xi32, #tpu.memory_space<vmem>> -> memref<1x1025xi32, #tpu.memory_space<vmem>>
    %dma_wait3A_102 = tpu.memref_squeeze %dma_wait3A_101 : memref<1x1025xi32, #tpu.memory_space<vmem>> -> memref<1025xi32, #tpu.memory_space<vmem>>
    %dma_wait3A_103 = arith.constant 0 : i32
    %dma_wait3A_104 = tpu.memref_slice %arg7[%dma_wait3A_103] : memref<1040xi32, #tpu.memory_space<vmem_shared>> -> memref<1025xi32, #tpu.memory_space<vmem_shared>>
    %dma_wait3A_105 = arith.constant 0 : i32
    %dma_wait3A_106 = tpu.memref_slice %arg6[%dma_wait3A_99, %dma_wait3A_105] : memref<8x1025xi32, #tpu.memory_space<vmem>> -> memref<1x1025xi32, #tpu.memory_space<vmem>>
    %dma_wait3A_107 = tpu.memref_squeeze %dma_wait3A_106 : memref<1x1025xi32, #tpu.memory_space<vmem>> -> memref<1025xi32, #tpu.memory_space<vmem>>
    %dma_wait3A_108 = arith.constant 0 : i32
    %dma_wait3A_109 = tpu.memref_slice %arg7[%dma_wait3A_108] : memref<1040xi32, #tpu.memory_space<vmem_shared>> -> memref<1025xi32, #tpu.memory_space<vmem_shared>>
    tpu.wait_dma2 semaphore(%arg8 : memref<!tpu.dma_semaphore, #tpu.memory_space<semaphore_mem>>) src(%dma_wait3A_109 : memref<1025xi32, #tpu.memory_space<vmem_shared>>) dst(%dma_wait3A_107 : memref<1025xi32, #tpu.memory_space<vmem>>)
    %dma_wait3A_110 = arith.constant 2 : i32
    %dma_wait3A_111 = arith.constant 0 : i32
    %dma_wait3A_112 = tpu.memref_slice %arg6[%dma_wait3A_110, %dma_wait3A_111] : memref<8x1025xi32, #tpu.memory_space<vmem>> -> memref<1x1025xi32, #tpu.memory_space<vmem>>
    %dma_wait3A_113 = tpu.memref_squeeze %dma_wait3A_112 : memref<1x1025xi32, #tpu.memory_space<vmem>> -> memref<1025xi32, #tpu.memory_space<vmem>>
    %dma_wait3A_114 = arith.constant 0 : i32
    %dma_wait3A_115 = tpu.memref_slice %arg7[%dma_wait3A_114] : memref<1040xi32, #tpu.memory_space<vmem_shared>> -> memref<1025xi32, #tpu.memory_space<vmem_shared>>
    %dma_wait3A_116 = arith.constant 0 : i32
    %dma_wait3A_117 = tpu.memref_slice %arg6[%dma_wait3A_110, %dma_wait3A_116] : memref<8x1025xi32, #tpu.memory_space<vmem>> -> memref<1x1025xi32, #tpu.memory_space<vmem>>
    %dma_wait3A_118 = tpu.memref_squeeze %dma_wait3A_117 : memref<1x1025xi32, #tpu.memory_space<vmem>> -> memref<1025xi32, #tpu.memory_space<vmem>>
    %dma_wait3A_119 = arith.constant 0 : i32
    %dma_wait3A_120 = tpu.memref_slice %arg7[%dma_wait3A_119] : memref<1040xi32, #tpu.memory_space<vmem_shared>> -> memref<1025xi32, #tpu.memory_space<vmem_shared>>
    tpu.wait_dma2 semaphore(%arg8 : memref<!tpu.dma_semaphore, #tpu.memory_space<semaphore_mem>>) src(%dma_wait3A_120 : memref<1025xi32, #tpu.memory_space<vmem_shared>>) dst(%dma_wait3A_118 : memref<1025xi32, #tpu.memory_space<vmem>>)
    %dma_wait3A_121 = arith.constant 3 : i32
    %dma_wait3A_122 = arith.constant 0 : i32
    %dma_wait3A_123 = tpu.memref_slice %arg6[%dma_wait3A_121, %dma_wait3A_122] : memref<8x1025xi32, #tpu.memory_space<vmem>> -> memref<1x1025xi32, #tpu.memory_space<vmem>>
    %dma_wait3A_124 = tpu.memref_squeeze %dma_wait3A_123 : memref<1x1025xi32, #tpu.memory_space<vmem>> -> memref<1025xi32, #tpu.memory_space<vmem>>
    %dma_wait3A_125 = arith.constant 0 : i32
    %dma_wait3A_126 = tpu.memref_slice %arg7[%dma_wait3A_125] : memref<1040xi32, #tpu.memory_space<vmem_shared>> -> memref<1025xi32, #tpu.memory_space<vmem_shared>>
    %dma_wait3A_127 = arith.constant 0 : i32
    %dma_wait3A_128 = tpu.memref_slice %arg6[%dma_wait3A_121, %dma_wait3A_127] : memref<8x1025xi32, #tpu.memory_space<vmem>> -> memref<1x1025xi32, #tpu.memory_space<vmem>>
    %dma_wait3A_129 = tpu.memref_squeeze %dma_wait3A_128 : memref<1x1025xi32, #tpu.memory_space<vmem>> -> memref<1025xi32, #tpu.memory_space<vmem>>
    %dma_wait3A_130 = arith.constant 0 : i32
    %dma_wait3A_131 = tpu.memref_slice %arg7[%dma_wait3A_130] : memref<1040xi32, #tpu.memory_space<vmem_shared>> -> memref<1025xi32, #tpu.memory_space<vmem_shared>>
    tpu.wait_dma2 semaphore(%arg8 : memref<!tpu.dma_semaphore, #tpu.memory_space<semaphore_mem>>) src(%dma_wait3A_131 : memref<1025xi32, #tpu.memory_space<vmem_shared>>) dst(%dma_wait3A_129 : memref<1025xi32, #tpu.memory_space<vmem>>)
    %dma_wait3A_132 = arith.constant 4 : i32
    %dma_wait3A_133 = arith.constant 0 : i32
    %dma_wait3A_134 = tpu.memref_slice %arg6[%dma_wait3A_132, %dma_wait3A_133] : memref<8x1025xi32, #tpu.memory_space<vmem>> -> memref<1x1025xi32, #tpu.memory_space<vmem>>
    %dma_wait3A_135 = tpu.memref_squeeze %dma_wait3A_134 : memref<1x1025xi32, #tpu.memory_space<vmem>> -> memref<1025xi32, #tpu.memory_space<vmem>>
    %dma_wait3A_136 = arith.constant 0 : i32
    %dma_wait3A_137 = tpu.memref_slice %arg7[%dma_wait3A_136] : memref<1040xi32, #tpu.memory_space<vmem_shared>> -> memref<1025xi32, #tpu.memory_space<vmem_shared>>
    %dma_wait3A_138 = arith.constant 0 : i32
    %dma_wait3A_139 = tpu.memref_slice %arg6[%dma_wait3A_132, %dma_wait3A_138] : memref<8x1025xi32, #tpu.memory_space<vmem>> -> memref<1x1025xi32, #tpu.memory_space<vmem>>
    %dma_wait3A_140 = tpu.memref_squeeze %dma_wait3A_139 : memref<1x1025xi32, #tpu.memory_space<vmem>> -> memref<1025xi32, #tpu.memory_space<vmem>>
    %dma_wait3A_141 = arith.constant 0 : i32
    %dma_wait3A_142 = tpu.memref_slice %arg7[%dma_wait3A_141] : memref<1040xi32, #tpu.memory_space<vmem_shared>> -> memref<1025xi32, #tpu.memory_space<vmem_shared>>
    tpu.wait_dma2 semaphore(%arg8 : memref<!tpu.dma_semaphore, #tpu.memory_space<semaphore_mem>>) src(%dma_wait3A_142 : memref<1025xi32, #tpu.memory_space<vmem_shared>>) dst(%dma_wait3A_140 : memref<1025xi32, #tpu.memory_space<vmem>>)
    %dma_wait3A_143 = arith.constant 5 : i32
    %dma_wait3A_144 = arith.constant 0 : i32
    %dma_wait3A_145 = tpu.memref_slice %arg6[%dma_wait3A_143, %dma_wait3A_144] : memref<8x1025xi32, #tpu.memory_space<vmem>> -> memref<1x1025xi32, #tpu.memory_space<vmem>>
    %dma_wait3A_146 = tpu.memref_squeeze %dma_wait3A_145 : memref<1x1025xi32, #tpu.memory_space<vmem>> -> memref<1025xi32, #tpu.memory_space<vmem>>
    %dma_wait3A_147 = arith.constant 0 : i32
    %dma_wait3A_148 = tpu.memref_slice %arg7[%dma_wait3A_147] : memref<1040xi32, #tpu.memory_space<vmem_shared>> -> memref<1025xi32, #tpu.memory_space<vmem_shared>>
    %dma_wait3A_149 = arith.constant 0 : i32
    %dma_wait3A_150 = tpu.memref_slice %arg6[%dma_wait3A_143, %dma_wait3A_149] : memref<8x1025xi32, #tpu.memory_space<vmem>> -> memref<1x1025xi32, #tpu.memory_space<vmem>>
    %dma_wait3A_151 = tpu.memref_squeeze %dma_wait3A_150 : memref<1x1025xi32, #tpu.memory_space<vmem>> -> memref<1025xi32, #tpu.memory_space<vmem>>
    %dma_wait3A_152 = arith.constant 0 : i32
    %dma_wait3A_153 = tpu.memref_slice %arg7[%dma_wait3A_152] : memref<1040xi32, #tpu.memory_space<vmem_shared>> -> memref<1025xi32, #tpu.memory_space<vmem_shared>>
    tpu.wait_dma2 semaphore(%arg8 : memref<!tpu.dma_semaphore, #tpu.memory_space<semaphore_mem>>) src(%dma_wait3A_153 : memref<1025xi32, #tpu.memory_space<vmem_shared>>) dst(%dma_wait3A_151 : memref<1025xi32, #tpu.memory_space<vmem>>)
    %dma_wait3A_154 = arith.constant 6 : i32
    %dma_wait3A_155 = arith.constant 0 : i32
    %dma_wait3A_156 = tpu.memref_slice %arg6[%dma_wait3A_154, %dma_wait3A_155] : memref<8x1025xi32, #tpu.memory_space<vmem>> -> memref<1x1025xi32, #tpu.memory_space<vmem>>
    %dma_wait3A_157 = tpu.memref_squeeze %dma_wait3A_156 : memref<1x1025xi32, #tpu.memory_space<vmem>> -> memref<1025xi32, #tpu.memory_space<vmem>>
    %dma_wait3A_158 = arith.constant 0 : i32
    %dma_wait3A_159 = tpu.memref_slice %arg7[%dma_wait3A_158] : memref<1040xi32, #tpu.memory_space<vmem_shared>> -> memref<1025xi32, #tpu.memory_space<vmem_shared>>
    %dma_wait3A_160 = arith.constant 0 : i32
    %dma_wait3A_161 = tpu.memref_slice %arg6[%dma_wait3A_154, %dma_wait3A_160] : memref<8x1025xi32, #tpu.memory_space<vmem>> -> memref<1x1025xi32, #tpu.memory_space<vmem>>
    %dma_wait3A_162 = tpu.memref_squeeze %dma_wait3A_161 : memref<1x1025xi32, #tpu.memory_space<vmem>> -> memref<1025xi32, #tpu.memory_space<vmem>>
    %dma_wait3A_163 = arith.constant 0 : i32
    %dma_wait3A_164 = tpu.memref_slice %arg7[%dma_wait3A_163] : memref<1040xi32, #tpu.memory_space<vmem_shared>> -> memref<1025xi32, #tpu.memory_space<vmem_shared>>
    tpu.wait_dma2 semaphore(%arg8 : memref<!tpu.dma_semaphore, #tpu.memory_space<semaphore_mem>>) src(%dma_wait3A_164 : memref<1025xi32, #tpu.memory_space<vmem_shared>>) dst(%dma_wait3A_162 : memref<1025xi32, #tpu.memory_space<vmem>>)
    %dma_wait3A_165 = arith.constant 7 : i32
    %dma_wait3A_166 = arith.constant 0 : i32
    %dma_wait3A_167 = tpu.memref_slice %arg6[%dma_wait3A_165, %dma_wait3A_166] : memref<8x1025xi32, #tpu.memory_space<vmem>> -> memref<1x1025xi32, #tpu.memory_space<vmem>>
    %dma_wait3A_168 = tpu.memref_squeeze %dma_wait3A_167 : memref<1x1025xi32, #tpu.memory_space<vmem>> -> memref<1025xi32, #tpu.memory_space<vmem>>
    %dma_wait3A_169 = arith.constant 0 : i32
    %dma_wait3A_170 = tpu.memref_slice %arg7[%dma_wait3A_169] : memref<1040xi32, #tpu.memory_space<vmem_shared>> -> memref<1025xi32, #tpu.memory_space<vmem_shared>>
    %dma_wait3A_171 = arith.constant 0 : i32
    %dma_wait3A_172 = tpu.memref_slice %arg6[%dma_wait3A_165, %dma_wait3A_171] : memref<8x1025xi32, #tpu.memory_space<vmem>> -> memref<1x1025xi32, #tpu.memory_space<vmem>>
    %dma_wait3A_173 = tpu.memref_squeeze %dma_wait3A_172 : memref<1x1025xi32, #tpu.memory_space<vmem>> -> memref<1025xi32, #tpu.memory_space<vmem>>
    %dma_wait3A_174 = arith.constant 0 : i32
    %dma_wait3A_175 = tpu.memref_slice %arg7[%dma_wait3A_174] : memref<1040xi32, #tpu.memory_space<vmem_shared>> -> memref<1025xi32, #tpu.memory_space<vmem_shared>>
    tpu.wait_dma2 semaphore(%arg8 : memref<!tpu.dma_semaphore, #tpu.memory_space<semaphore_mem>>) src(%dma_wait3A_175 : memref<1025xi32, #tpu.memory_space<vmem_shared>>) dst(%dma_wait3A_173 : memref<1025xi32, #tpu.memory_space<vmem>>)
    %mul3A = arith.constant 2 : i32
    %mul3A_176 = arith.muli %arg1, %mul3A : i32
    %add3A = arith.addi %mul3A_176, %arg0 : i32
    %mul3A_177 = arith.constant 8 : i32
    %mul3A_178 = arith.muli %add3A, %mul3A_177 : i32
    "tpu.region"() ({
      %run_scoped3A = tpu.sem_alloc : memref<!tpu.dma_semaphore, #tpu.memory_space<semaphore_mem>>
      %dma_start3A_179 = arith.constant 0 : i32
      %dma_start3A_180 = tpu.memref_slice %arg3[%mul3A_178, %dma_start3A_179] : memref<256x1025xi32, #tpu.memory_space<hbm>> -> memref<8x1025xi32, #tpu.memory_space<hbm>>
      %dma_start3A_181 = arith.constant 0 : i32
      %dma_start3A_182 = tpu.memref_slice %arg3[%mul3A_178, %dma_start3A_181] : memref<256x1025xi32, #tpu.memory_space<hbm>> -> memref<8x1025xi32, #tpu.memory_space<hbm>>
      tpu.enqueue_dma source(%arg6 : memref<8x1025xi32, #tpu.memory_space<vmem>>) target(%dma_start3A_182 : memref<8x1025xi32, #tpu.memory_space<hbm>>) target_semaphore(%run_scoped3A : memref<!tpu.dma_semaphore, #tpu.memory_space<semaphore_mem>>)
      %dma_wait3A_183 = arith.constant 0 : i32
      %dma_wait3A_184 = tpu.memref_slice %arg3[%mul3A_178, %dma_wait3A_183] : memref<256x1025xi32, #tpu.memory_space<hbm>> -> memref<8x1025xi32, #tpu.memory_space<hbm>>
      %dma_wait3A_185 = arith.constant 0 : i32
      %dma_wait3A_186 = tpu.memref_slice %arg3[%mul3A_178, %dma_wait3A_185] : memref<256x1025xi32, #tpu.memory_space<hbm>> -> memref<8x1025xi32, #tpu.memory_space<hbm>>
      tpu.wait_dma2 semaphore(%run_scoped3A : memref<!tpu.dma_semaphore, #tpu.memory_space<semaphore_mem>>) src(%arg6 : memref<8x1025xi32, #tpu.memory_space<vmem>>) dst(%dma_wait3A_186 : memref<8x1025xi32, #tpu.memory_space<hbm>>)
      tpu.yield
    }) : () -> ()
    return
  }
}

module attributes {stable_mosaic.version = 14 : i64} {
  func.func @_tc_pool_body(%arg0: i32, %arg1: memref<1x1x512x512xf32, #tpu.memory_space<vmem>>, %arg2: memref<32x32xi32, #tpu.memory_space<vmem>>) attributes {dimension_semantics = [#tpu.dimension_semantics<arbitrary>], iteration_bounds = array<i64: 1>, scalar_prefetch = 0 : i64, scratch_operands = 0 : i64, tpu.core_type = #tpu.core_type<tc>, window_params = [{transform_indices = @transform_0, window_bounds = array<i64: 1, 1, 512, 512>}, {pipeline_mode = #tpu.pipeline_mode<synchronous>, transform_indices = @transform_1, window_bounds = array<i64: 32, 32>}]} {
    %get3A = arith.constant 0 : index
    %get3A_0 = arith.constant 0 : index
    %get3A_1 = arith.constant 0 : index
    %get3A_2 = arith.constant 0 : index
    %get3A_3 = vector.load %arg1[%get3A, %get3A_0, %get3A_1, %get3A_2] : memref<1x1x512x512xf32, #tpu.memory_space<vmem>>, vector<1x1x512x512xf32>
    %get3A_4 = vector.shape_cast %get3A_3 : vector<1x1x512x512xf32> to vector<512x512xf32>
    %gt3A = arith.constant 0.000000e+00 : f32
    %gt3A_5 = vector.broadcast %gt3A : f32 to vector<512x512xf32>
    %gt3A_6 = arith.cmpf ogt, %get3A_4, %gt3A_5 : vector<512x512xf32>
    %convert_element_type3A = arith.extui %gt3A_6 : vector<512x512xi1> to vector<512x512xi32>
    %convert_element_type3A_7 = arith.sitofp %convert_element_type3A : vector<512x512xi32> to vector<512x512xf32>
    %iota3A = tpu.iota {dimensions = array<i32: 0>} : vector<32x512xi32>
    %iota3A_8 = tpu.iota {dimensions = array<i32: 1>} : vector<32x512xi32>
    %jit3A = arith.constant 16 : i32
    %div3A = vector.broadcast %jit3A : i32 to vector<32x512xi32>
    %div3A_9 = arith.divsi %iota3A_8, %div3A : vector<32x512xi32>
    %sign3A = arith.constant 0 : i32
    %sign3A_10 = vector.broadcast %sign3A : i32 to vector<32x512xi32>
    %sign3A_11 = arith.cmpi sgt, %iota3A_8, %sign3A_10 : vector<32x512xi32>
    %sign3A_12 = arith.extui %sign3A_11 : vector<32x512xi1> to vector<32x512xi32>
    %sign3A_13 = arith.constant 0 : i32
    %sign3A_14 = vector.broadcast %sign3A_13 : i32 to vector<32x512xi32>
    %sign3A_15 = arith.cmpi slt, %iota3A_8, %sign3A_14 : vector<32x512xi32>
    %sign3A_16 = arith.extui %sign3A_15 : vector<32x512xi1> to vector<32x512xi32>
    %sign3A_17 = arith.subi %sign3A_12, %sign3A_16 : vector<32x512xi32>
    %sign3A_18 = arith.constant 0 : i32
    %sign3A_19 = arith.cmpi sgt, %jit3A, %sign3A_18 : i32
    %sign3A_20 = arith.extui %sign3A_19 : i1 to i32
    %sign3A_21 = arith.constant 0 : i32
    %sign3A_22 = arith.cmpi slt, %jit3A, %sign3A_21 : i32
    %sign3A_23 = arith.extui %sign3A_22 : i1 to i32
    %sign3A_24 = arith.subi %sign3A_20, %sign3A_23 : i32
    %ne3A = vector.broadcast %sign3A_24 : i32 to vector<32x512xi32>
    %ne3A_25 = arith.cmpi ne, %sign3A_17, %ne3A : vector<32x512xi32>
    %rem3A = vector.broadcast %jit3A : i32 to vector<32x512xi32>
    %rem3A_26 = arith.remsi %iota3A_8, %rem3A : vector<32x512xi32>
    %ne3A_27 = arith.constant 0 : i32
    %ne3A_28 = vector.broadcast %ne3A_27 : i32 to vector<32x512xi32>
    %ne3A_29 = arith.cmpi ne, %rem3A_26, %ne3A_28 : vector<32x512xi32>
    %and3A = arith.andi %ne3A_25, %ne3A_29 : vector<32x512xi1>
    %sub3A = arith.constant 1 : i32
    %sub3A_30 = vector.broadcast %sub3A : i32 to vector<32x512xi32>
    %sub3A_31 = arith.subi %div3A_9, %sub3A_30 : vector<32x512xi32>
    %select_n3A = arith.select %and3A, %sub3A_31, %div3A_9 : vector<32x512xi1>, vector<32x512xi32>
    %eq3A = arith.cmpi eq, %select_n3A, %iota3A : vector<32x512xi32>
    %convert_element_type3A_32 = arith.extui %eq3A : vector<32x512xi1> to vector<32x512xi32>
    %convert_element_type3A_33 = arith.sitofp %convert_element_type3A_32 : vector<32x512xi32> to vector<32x512xf32>
    %iota3A_34 = tpu.iota {dimensions = array<i32: 0>} : vector<512x32xi32>
    %iota3A_35 = tpu.iota {dimensions = array<i32: 1>} : vector<512x32xi32>
    %jit3A_36 = arith.constant 16 : i32
    %div3A_37 = vector.broadcast %jit3A_36 : i32 to vector<512x32xi32>
    %div3A_38 = arith.divsi %iota3A_34, %div3A_37 : vector<512x32xi32>
    %sign3A_39 = arith.constant 0 : i32
    %sign3A_40 = vector.broadcast %sign3A_39 : i32 to vector<512x32xi32>
    %sign3A_41 = arith.cmpi sgt, %iota3A_34, %sign3A_40 : vector<512x32xi32>
    %sign3A_42 = arith.extui %sign3A_41 : vector<512x32xi1> to vector<512x32xi32>
    %sign3A_43 = arith.constant 0 : i32
    %sign3A_44 = vector.broadcast %sign3A_43 : i32 to vector<512x32xi32>
    %sign3A_45 = arith.cmpi slt, %iota3A_34, %sign3A_44 : vector<512x32xi32>
    %sign3A_46 = arith.extui %sign3A_45 : vector<512x32xi1> to vector<512x32xi32>
    %sign3A_47 = arith.subi %sign3A_42, %sign3A_46 : vector<512x32xi32>
    %sign3A_48 = arith.constant 0 : i32
    %sign3A_49 = arith.cmpi sgt, %jit3A_36, %sign3A_48 : i32
    %sign3A_50 = arith.extui %sign3A_49 : i1 to i32
    %sign3A_51 = arith.constant 0 : i32
    %sign3A_52 = arith.cmpi slt, %jit3A_36, %sign3A_51 : i32
    %sign3A_53 = arith.extui %sign3A_52 : i1 to i32
    %sign3A_54 = arith.subi %sign3A_50, %sign3A_53 : i32
    %ne3A_55 = vector.broadcast %sign3A_54 : i32 to vector<512x32xi32>
    %ne3A_56 = arith.cmpi ne, %sign3A_47, %ne3A_55 : vector<512x32xi32>
    %rem3A_57 = vector.broadcast %jit3A_36 : i32 to vector<512x32xi32>
    %rem3A_58 = arith.remsi %iota3A_34, %rem3A_57 : vector<512x32xi32>
    %ne3A_59 = arith.constant 0 : i32
    %ne3A_60 = vector.broadcast %ne3A_59 : i32 to vector<512x32xi32>
    %ne3A_61 = arith.cmpi ne, %rem3A_58, %ne3A_60 : vector<512x32xi32>
    %and3A_62 = arith.andi %ne3A_56, %ne3A_61 : vector<512x32xi1>
    %sub3A_63 = arith.constant 1 : i32
    %sub3A_64 = vector.broadcast %sub3A_63 : i32 to vector<512x32xi32>
    %sub3A_65 = arith.subi %div3A_38, %sub3A_64 : vector<512x32xi32>
    %select_n3A_66 = arith.select %and3A_62, %sub3A_65, %div3A_38 : vector<512x32xi1>, vector<512x32xi32>
    %eq3A_67 = arith.cmpi eq, %select_n3A_66, %iota3A_35 : vector<512x32xi32>
    %convert_element_type3A_68 = arith.extui %eq3A_67 : vector<512x32xi1> to vector<512x32xi32>
    %convert_element_type3A_69 = arith.sitofp %convert_element_type3A_68 : vector<512x32xi32> to vector<512x32xf32>
    %dot_general3A = arith.constant dense<0.000000e+00> : vector<32x512xf32>
    %dot_general3A_70 = tpu.matmul %convert_element_type3A_33, %convert_element_type3A_7, %dot_general3A {dimension_numbers = #tpu.dot_dimension_numbers<[1], [0], [0], [1], [0, 0, 1, 1], [], []>, transpose_lhs_hint = false} : vector<32x512xf32>, vector<512x512xf32>, vector<32x512xf32> -> vector<32x512xf32>
    %dot_general3A_71 = arith.constant dense<0.000000e+00> : vector<32x32xf32>
    %dot_general3A_72 = tpu.matmul %dot_general3A_70, %convert_element_type3A_69, %dot_general3A_71 {dimension_numbers = #tpu.dot_dimension_numbers<[1], [0], [0], [1], [0, 0, 1, 1], [], []>, transpose_lhs_hint = false} : vector<32x512xf32>, vector<512x32xf32>, vector<32x32xf32> -> vector<32x32xf32>
    %gt3A_73 = arith.constant 5.000000e-01 : f32
    %gt3A_74 = vector.broadcast %gt3A_73 : f32 to vector<32x32xf32>
    %gt3A_75 = arith.cmpf ogt, %dot_general3A_72, %gt3A_74 : vector<32x32xf32>
    %convert_element_type3A_76 = arith.extui %gt3A_75 : vector<32x32xi1> to vector<32x32xi32>
    %swap3A = arith.constant 0 : index
    %swap3A_77 = arith.constant 0 : index
    %swap3A_78 = vector.load %arg2[%swap3A, %swap3A_77] : memref<32x32xi32, #tpu.memory_space<vmem>>, vector<32x32xi32>
    tpu.vector_store %arg2[%swap3A, %swap3A_77], %convert_element_type3A_76 {strides = array<i32>} : memref<32x32xi32, #tpu.memory_space<vmem>>, vector<32x32xi32>,
    return
  }
  func.func @transform_0(%arg0: i32) -> (i32, i32, i32, i32) {
    %c0_i32 = arith.constant 0 : i32
    %c0_i32_0 = arith.constant 0 : i32
    %c0_i32_1 = arith.constant 0 : i32
    %c0_i32_2 = arith.constant 0 : i32
    %c0_i32_3 = arith.constant 0 : i32
    return %c0_i32, %c0_i32_0, %c0_i32_1, %c0_i32_2 : i32, i32, i32, i32
  }
  func.func @transform_1(%arg0: i32) -> (i32, i32) {
    %c0_i32 = arith.constant 0 : i32
    %c0_i32_0 = arith.constant 0 : i32
    %c0_i32_1 = arith.constant 0 : i32
    return %c0_i32, %c0_i32_0 : i32, i32
  }
}

</mosaic_0001>

<sc_bundles>
// kernel: kernel.4.cloned.1.call-start
scs
__scs_entry_jumppad:
0x0: {  	(pc) =	sbr.rel $0x88, $3  }
0x1: {  	(tag) =	ssettag $0x0;
	lr =	simm.s32 $0x1  }
0x2: {  	[smem:$0x3FA0] =	sst lr;
	_ =	strace $0xD0000000  }
0x3: {  	_ = 	snop  }
0x4: {  	_ = 	snop  }
0x5: {  	_ = 	snop  }
0x6: {  	_ = 	snop  }
0x7: {  	_ = 	snop  }
__scs_overlays_trampoline_lowered:
0x8: {  	[smem:$0x3FAF] =	sst s0  }
0x9: {  	[smem:$0x3FB0] =	sst s1  }
0xa: {  	[smem:$0x3FB1] =	sst s2  }
0xb: {  	[smem:$0x3FB2] =	sst s3  }
0xc: {  	[smem:$0x3FB3] =	sst s4  }
0xd: {  	[smem:$0x3FB4] =	sst s5  }
0xe: {  	[smem:$0x3FB5] =	sst s6  }
0xf: {  	[smem:$0x3FB6] =	sst s7  }
0x10: {  	[smem:$0x3FB7] =	sst s8  }
0x11: {  	[smem:$0x3FB8] =	sst s9;
	s0 =	simm.s32 @!p0 $0x0  }
0x12: {  	s1 =	sld [smem:$0x3F9E];
	s0 =	simm.s32 @p0 $0x1  }
0x13: {  	[smem:$0x3FB9] =	sst s0;
	s0 =	simm.s32 @!p1 $0x0  }
0x14: {  	s2 =	sld [smem:$0x3F9D];
	s0 =	simm.s32 @p1 $0x1  }
0x15: {  	[smem:$0x3FBA] =	sst s0;
	s0 =	simm.s32 @!p2 $0x0  }
0x16: {  	s3 =	sld [smem:$0x3FDB];
	s0 =	simm.s32 @p2 $0x1  }
0x17: {  	s4 =	simm.s32 $0x1BF5;
	[smem:$0x3FBC] =	sst s0  }
0x18: {  	s0 =	sld [smem:$0x3F9F];
	_ =	swait.ge [sflag:s4], $0x0  }
0x19: {  	s7 =	sld [smem:$0x3FA0]  }
0x1a: {  	s8 =	sadd.s32 $0xFFFFE003, lr  }
0x1b: {  	s9 =	sadd.s32 $0xFFFFFEF7, lr;
	s5 =	simm.s32 $0xFFFFFFFF;
	p2 =	slt.u32 s8, $0xFFFFF086  }
0x1c: {  	p1 =	slt.u32 s9, $0xF7A;
	s5 =	simm.s32 @!p2 $0x0  }
0x1d: {  	s5 =	simm.s32 @p1 $0x1;
	p0 =	seq.s32 s7, s2  }
0x1e: {  	s7 =	smul.u32 @!p0 $0xF7A, s2;
	p2 =	seq.s32 @!p0 s5, $0x0  }
0x1f: {  	s9 =	smul.u32 $0xF7A, s1;
	s8 =	simm.s32 @!p0 $0x1BF5;
	p2 =	por !p2, p0  }
0x20: {  	[sflag:s8] =	ssyncset.s32 @!p0 $0xFFFFF086;
	s6 =	sadd.s32 @!p0 s3, s7;
	s7 =	simm.s32 @!p0 $0x108  }
0x21: {  	s3 =	sadd.s32 s3, s9;
	s6 =	sadd.s32 @!p0 $0x88, s6;
	s7 =	simm.s32 @p2 $0x1082  }
0x22: {  	[simem:s7], [sflag:s8] =	dma.local @!p0 [hbm:s6], $0xF7A  }
0x23: {  	s9 =	sor.u32 $0xD0000000, s2;
	s6 =	simm.s32 $0x108;
	_ =	swait.ge @!p0 [sflag:s8], $0x0  }
0x24: {  	s3 =	sadd.s32 $0x88, s3;
	s6 =	simm.s32 @!p1 $0x1082;
	[sflag:s4] =	ssyncset.s32 $0xFFFFF086  }
0x25: {  	[simem:s6], [sflag:s4] =	dma.local [hbm:s3], $0xF7A  }
0x26: {  	[smem:$0x3FA0] =	sst s1;
	(tag) =	ssettag s2;
	_ =	strace s9  }
0x27: {  	s1 =	sld [smem:$0x3FB0]  }
0x28: {  	s2 =	sld [smem:$0x3FB1]  }
0x29: {  	s4 =	sld [smem:$0x3FB3]  }
0x2a: {  	p0 =	seq.s32 s5, $0x0;
	s5 =	sld [smem:$0x3FB4]  }
0x2b: {  	s6 =	sld [smem:$0x3FB5]  }
0x2c: {  	s7 =	sld [smem:$0x3FB6]  }
0x2d: {  	s3 =	simm.s32 $0x108;
	s8 =	sld [smem:$0x3FB7]  }
0x2e: {  	s3 =	simm.s32 @!p0 $0x1082;
	s9 =	sld [smem:$0x3FB8]  }
0x2f: {  	lr =	sadd.s32 s0, s3;
	s0 =	sld [smem:$0x3FAF]  }
0x30: {  	s3 =	sld [smem:$0x3FB2]  }
0x31: {  	[smem:$0x3FBB] =	sst s10  }
0x32: {  	s10 =	sld [smem:$0x3FB9];
	_ =	sdelay $0x3  }
0x33: {  	p0 =	seq.s32 s10, $0x1;
	s10 =	sld [smem:$0x3FBB];
	_ =	sdelay $0x3  }
0x34: {  	[smem:$0x3FBB] =	sst s10  }
0x35: {  	s10 =	sld [smem:$0x3FBA];
	_ =	sdelay $0x3  }
0x36: {  	p1 =	seq.s32 s10, $0x1;
	s10 =	sld [smem:$0x3FBB];
	_ =	sdelay $0x3  }
0x37: {  	[smem:$0x3FBB] =	sst s10  }
0x38: {  	s10 =	sld [smem:$0x3FBC]  }
0x39: {  	_ = 	snop;
	(pc) =	sbr.ind lr, $3  }
0x3a: {  	_ = 	snop  }
0x3b: {  	_ = 	snop  }
0x3c: {  	p2 =	seq.s32 s10, $0x1;
	s10 =	sld [smem:$0x3FBB]  }
0x3d: {  	_ =	shalt  }
0x3e: {  	_ =	shalt  }
0x3f: {  	_ =	shalt  }
0x40: {  	_ =	shalt  }
0x41: {  	_ =	shalt  }
0x42: {  	_ =	shalt  }
0x43: {  	_ =	shalt  }
0x44: {  	_ =	shalt  }
0x45: {  	_ =	shalt  }
0x46: {  	_ =	shalt  }
0x47: {  	_ =	shalt  }
0x48: {  	_ =	shalt  }
0x49: {  	_ =	shalt  }
0x4a: {  	_ =	shalt  }
0x4b: {  	_ =	shalt  }
0x4c: {  	_ =	shalt  }
0x4d: {  	_ =	shalt  }
0x4e: {  	_ =	shalt  }
0x4f: {  	_ =	shalt  }
0x50: {  	_ =	shalt  }
0x51: {  	_ =	shalt  }
0x52: {  	_ =	shalt  }
0x53: {  	_ =	shalt  }
0x54: {  	_ =	shalt  }
0x55: {  	_ =	shalt  }
0x56: {  	_ =	shalt  }
0x57: {  	_ =	shalt  }
0x58: {  	_ =	shalt  }
0x59: {  	_ =	shalt  }
0x5a: {  	_ =	shalt  }
0x5b: {  	_ =	shalt  }
0x5c: {  	_ =	shalt  }
0x5d: {  	_ =	shalt  }
0x5e: {  	_ =	shalt  }
0x5f: {  	_ =	shalt  }
0x60: {  	_ =	shalt  }
0x61: {  	_ =	shalt  }
0x62: {  	_ =	shalt  }
0x63: {  	_ =	shalt  }
0x64: {  	_ =	shalt  }
0x65: {  	_ =	shalt  }
0x66: {  	_ =	shalt  }
0x67: {  	_ =	shalt  }
0x68: {  	_ =	shalt  }
0x69: {  	_ =	shalt  }
0x6a: {  	_ =	shalt  }
0x6b: {  	_ =	shalt  }
0x6c: {  	_ =	shalt  }
0x6d: {  	_ =	shalt  }
0x6e: {  	_ =	shalt  }
0x6f: {  	_ =	shalt  }
0x70: {  	_ =	shalt  }
0x71: {  	_ =	shalt  }
0x72: {  	_ =	shalt  }
0x73: {  	_ =	shalt  }
0x74: {  	_ =	shalt  }
0x75: {  	_ =	shalt  }
0x76: {  	_ =	shalt  }
0x77: {  	_ =	shalt  }
0x78: {  	_ =	shalt  }
0x79: {  	_ =	shalt  }
0x7a: {  	_ =	shalt  }
0x7b: {  	_ =	shalt  }
0x7c: {  	_ =	shalt  }
0x7d: {  	_ =	shalt  }
0x7e: {  	_ =	shalt  }
0x7f: {  	_ =	shalt  }
0x80: {  	_ =	shalt  }
0x81: {  	_ =	shalt  }
0x82: {  	_ =	shalt  }
0x83: {  	_ =	shalt  }
0x84: {  	_ =	shalt  }
0x85: {  	_ =	shalt  }
0x86: {  	_ =	shalt  }
0x87: {  	_ =	shalt  }
.Lfunc_end0:
.L_simem_size_0:
called_computation_lowered:
.L_overlay_start_0:
0x88: {  	s2 =	sld [smem:$0x3FD9]  }
0x89: {  	s3 =	sld [smem:$0x3FFE];
	_ =	sdelay $0x1  }
0x8a: {  	s1 =	srdreg.scid  }
0x8b: {  	s0 =	sand.u32 $0x1, s1  }
0x8c: {  	s17 =	sshll.u32 s0, $0xA;
	s2 =	sadd.s32 s3, s2  }
0x8d: {  	s2 =	sadd.s32 s2, s17  }
0x8e: {  	[smem:$0x3FC7] =	sst s2  }
0x8f: {  	_ = 	snop  }
0x90: {  	s2 =	sld [smem:$0x3FD0];
	(tm) =	ssettm $0x1  }
0x91: {  	s18 =	sld [smem:$0x3FFB];
	_ =	sdelay $0x3  }
0x92: {  	_ =	strace s18  }
0x93: {  	s3 =	sld [smem:$0x3FFC];
	_ =	sdelay $0x3  }
0x94: {  	_ =	strace s3  }
0x95: {  	s3 =	sld [smem:$0x3FFD];
	_ =	sdelay $0x3  }
0x96: {  	_ =	strace s3  }
0x97: {  	_ =	strace $0x8FFFFFFF  }
0x98: {  	s19 =	sld [smem:$0x3FDB];
	_ =	sdelay $0x1  }
0x99: {  	s4 =	simm.s32 $_scs_section_size  }
0x9a: {  	s5 =	simm.s32 $_size__tile_overlayer_lowered;
	s6 =	simm.s32 $_tile_overlayer_lowered  }
0x9b: {  	s22 =	simm.s32 $0x1BFF;
	s21 =	sshll.u32 s6, $0x1;
	s3 =	sadd.s32 s4, s19  }
0x9c: {  	s7 =	simm.s32 $0x0;
	s20 =	sshll.u32 s5, $0x1;
	s5 =	sadd.s32 s21, s3  }
0x9d: {  	[timem:s7], [sflag:s22] =	dma.local [hbm:s5], s20  }
0x9e: {  	_ =	swait.ge [sflag:s22], s20  }
0x9f: {  	s4 =	ssub.s32 $0x0, s20;
	[sflag:s22] =	ssyncset.done $0x0  }
0xa0: {  	[sflag:s22] =	ssyncadd.s32 s4;
	_ =	sdelay $0x1  }
0xa1: {  	s23 =	simm.s32 $0x1B8B  }
0xa2: {  	_ =	swait.ge [sflag:s23], $0x1  }
0xa3: {  	[sflag:s23] =	ssyncset.done $0x0  }
0xa4: {  	s25 =	simm.s32 $0x1B8E;
	s24 =	sld [smem:$0x3FFE];
	[sflag:s23] =	ssyncadd.s32 $0xFFFFFFFF  }
0xa5: {  	s26 =	simm.s32 $execute0_lowered;
	[smem:$0x3FD2] =	sst s25  }
0xa6: {  	s5 =	sshll.u32 s26, $0x1;
	_ =	strace $0x80000046;
	[dreg:$0x1] =	wrdreg $0xFFFFFFFF  }
0xa7: {  	s28 =	simm.s32 $_size_execute0_lowered;
	s3 =	sadd.s32 s3, s5;
	[dreg:$0x0] =	wrdreg $0x0  }
0xa8: {  	s5 =	sshll.u32 s28, $0x1;
	[dreg:$0x2] =	wrdreg s3  }
0xa9: {  	[dreg:$0x3] =	wrdreg s5  }
0xaa: {  	[dreg:$0x4] =	wrdreg $0xC0  }
0xab: {  	_ =	task [dreg:s7], $0x5FFFF  }
0xac: {  	[dreg:$0x1] =	wrdreg $0xFFFFFFFF  }
0xad: {  	[dreg:$0x0] =	wrdreg $0x60  }
0xae: {  	[dreg:$0x2] =	wrdreg s24  }
0xaf: {  	[dreg:$0x3] =	wrdreg s2  }
0xb0: {  	[dreg:$0x4] =	wrdreg $0x28500  }
0xb1: {  	[dreg:$0x5] =	wrdreg $0x9  }
0xb2: {  	_ =	task.clear_ibuf [dreg:s7], $0x6FFFF;
	_ =	strace $0x90000046  }
0xb3: {  	s29 =	simm.s32 $0x9;
	_ =	strace $0x80000048  }
0xb4: {  	_ =	swait.ge [sflag:s29], $0x1  }
0xb5: {  	[sflag:s29] =	ssyncadd.s32 $0xFFFFFFFF  }
0xb6: {  	_ =	strace $0x90000048  }
0xb7: {  	_ =	sfence  }
0xb8: {  	s30 =	sld [smem:$0x0];
	_ =	sdelay $0x2  }
0xb9: {  	s31 =	sshll.u32 s1, $0xD;
	s1 =	sshrl.u32 s1, $0x2  }
0xba: {  	s3 =	sand.u32 $0x4000, s31;
	s1 =	sadd.s32 s1, s30  }
0xbb: {  	s0 =	sor.u32 s3, s0;
	s1 =	sshll.u32 s1, $0x11  }
0xbc: {  	s0 =	sor.u32 s1, s0  }
0xbd: {  	s0 =	sadd.s32 $0x8F2B, s0  }
0xbe: {  	[sflag:s0] =	ssyncadd.remote.s32 $0x1  }
0xbf: {  	_ =	sfence.sel $0xFFFF  }
0xc0: {  	[dreg:$0x0] =	wrdreg $0xFFFFFFFF;
	(pc) =	sbr.abs _section_cstart, $3  }
0xc1: {  	[dreg:$0x1] =	wrdreg $0xFFFFFFFF  }
0xc2: {  	_ =	task.clear_ibuf [dreg:s7], $0x2FFFF;
	_ =	strace $0x9FFFFFFF  }
0xc3: {  	(tm) =	ssettm $0x7FFFFFFF  }
tec
execute0_lowered:
.L_overlay_start_1:
0x0: {  	(tag) =	ssettag $0x1  }
0x1: {  	vm0 =	vcmask $0x300;
	v13 =	vimm.s32 $0x1  }
0x2: {  	v0 =	vlaneseq.u32;
	v1 =	vsel vm0, $0x0, v13  }
0x3: {  	v60 =	vadd.s32 $0x1, v0;
	[tilespmem:$0x1FC20] =	vst v1  }
0x4: {  	v61 =	vadd.s32 $0x11, v0;
	[tilespmem:$0x1FC30] =	vst v60  }
0x5: {  	v62 =	vadd.s32 $0x21, v0;
	[tilespmem:$0x1FC40] =	vst v61  }
0x6: {  	v63 =	vadd.s32 $0x31, v0;
	[tilespmem:$0x1FC50] =	vst v62  }
0x7: {  	v4 =	vadd.s32 $0x41, v0;
	[tilespmem:$0x1FC60] =	vst v63  }
0x8: {  	v5 =	vadd.s32 $0x51, v0;
	[tilespmem:$0x1FC70] =	vst v4  }
0x9: {  	v6 =	vadd.s32 $0x61, v0;
	[tilespmem:$0x1FC80] =	vst v5  }
0xa: {  	v7 =	vadd.s32 $0x71, v0;
	[tilespmem:$0x1FC90] =	vst v6  }
0xb: {  	v8 =	vadd.s32 $0x81, v0;
	[tilespmem:$0x1FCA0] =	vst v7  }
0xc: {  	v9 =	vadd.s32 $0x91, v0;
	[tilespmem:$0x1FCB0] =	vst v8  }
0xd: {  	v10 =	vadd.s32 $0xA1, v0;
	[tilespmem:$0x1FCC0] =	vst v9  }
0xe: {  	v11 =	vadd.s32 $0xB1, v0;
	[tilespmem:$0x1FCD0] =	vst v10  }
0xf: {  	v16 =	vadd.s32 $0xC1, v0;
	[tilespmem:$0x1FCE0] =	vst v11  }
0x10: {  	v17 =	vadd.s32 $0xD1, v0;
	[tilespmem:$0x1FCF0] =	vst v16  }
0x11: {  	v18 =	vadd.s32 $0xE1, v0;
	[tilespmem:$0x1FD00] =	vst v17  }
0x12: {  	v19 =	vadd.s32 $0xF1, v0;
	[tilespmem:$0x1FD10] =	vst v18  }
0x13: {  	v20 =	vadd.s32 $0x101, v0;
	[tilespmem:$0x1FD20] =	vst v19  }
0x14: {  	v21 =	vadd.s32 $0x111, v0;
	[tilespmem:$0x1FD30] =	vst v20  }
0x15: {  	v22 =	vadd.s32 $0x121, v0;
	[tilespmem:$0x1FD40] =	vst v21  }
0x16: {  	v23 =	vadd.s32 $0x131, v0;
	[tilespmem:$0x1FD50] =	vst v22  }
0x17: {  	v24 =	vadd.s32 $0x141, v0;
	[tilespmem:$0x1FD60] =	vst v23  }
0x18: {  	v25 =	vadd.s32 $0x151, v0;
	[tilespmem:$0x1FD70] =	vst v24  }
0x19: {  	v26 =	vadd.s32 $0x161, v0;
	[tilespmem:$0x1FD80] =	vst v25  }
0x1a: {  	v27 =	vadd.s32 $0x171, v0;
	[tilespmem:$0x1FD90] =	vst v26  }
0x1b: {  	v28 =	vadd.s32 $0x181, v0;
	[tilespmem:$0x1FDA0] =	vst v27  }
0x1c: {  	v29 =	vadd.s32 $0x191, v0;
	[tilespmem:$0x1FDB0] =	vst v28  }
0x1d: {  	v30 =	vadd.s32 $0x1A1, v0;
	[tilespmem:$0x1FDC0] =	vst v29  }
0x1e: {  	v31 =	vadd.s32 $0x1B1, v0;
	[tilespmem:$0x1FDD0] =	vst v30  }
0x1f: {  	v32 =	vadd.s32 $0x1C1, v0;
	[tilespmem:$0x1FDE0] =	vst v31  }
0x20: {  	v33 =	vadd.s32 $0x1D1, v0;
	[tilespmem:$0x1FDF0] =	vst v32  }
0x21: {  	v34 =	vadd.s32 $0x1E1, v0;
	[tilespmem:$0x1FE00] =	vst v33  }
0x22: {  	v35 =	vadd.s32 $0x1F1, v0;
	[tilespmem:$0x1FE10] =	vst v34  }
0x23: {  	v36 =	vadd.s32 $0x201, v0;
	[tilespmem:$0x1FE20] =	vst v35  }
0x24: {  	v37 =	vadd.s32 $0x211, v0;
	[tilespmem:$0x1FE30] =	vst v36  }
0x25: {  	v38 =	vadd.s32 $0x221, v0;
	[tilespmem:$0x1FE40] =	vst v37  }
0x26: {  	v39 =	vadd.s32 $0x231, v0;
	[tilespmem:$0x1FE50] =	vst v38  }
0x27: {  	v40 =	vadd.s32 $0x241, v0;
	[tilespmem:$0x1FE60] =	vst v39  }
0x28: {  	v41 =	vadd.s32 $0x251, v0;
	[tilespmem:$0x1FE70] =	vst v40  }
0x29: {  	v42 =	vadd.s32 $0x261, v0;
	[tilespmem:$0x1FE80] =	vst v41  }
0x2a: {  	v43 =	vadd.s32 $0x271, v0;
	[tilespmem:$0x1FE90] =	vst v42  }
0x2b: {  	s3 =	rddreg [dreg:$0x0];
	v44 =	vadd.s32 $0x281, v0;
	[tilespmem:$0x1FEA0] =	vst v43  }
0x2c: {  	s4 =	rddreg [dreg:$0x1];
	v45 =	vadd.s32 $0x291, v0;
	[tilespmem:$0x1FEB0] =	vst v44  }
0x2d: {  	s0 =	rddreg [dreg:$0x2];
	s2 =	simm.s32 $0x0;
	v46 =	vadd.s32 $0x2A1, v0;
	[tilespmem:$0x1FEC0] =	vst v45  }
0x2e: {  	s1 =	srdreg.scid;
	[smem:$0x7FF] =	sst s2;
	v47 =	vadd.s32 $0x2B1, v0;
	[tilespmem:$0x1FED0] =	vst v46  }
0x2f: {  	s5 =	sand.u32 $0x1, s1;
	s1 =	rddreg [dreg:$0x3];
	v48 =	vadd.s32 $0x2C1, v0;
	_ =	strace $0x80000047;
	[tilespmem:$0x1FEE0] =	vst v47  }
0x30: {  	v49 =	vadd.s32 $0x2D1, v0;
	[tilespmem:$0x1FEF0] =	vst v48  }
0x31: {  	v50 =	vadd.s32 $0x2E1, v0;
	[tilespmem:$0x1FF00] =	vst v49  }
0x32: {  	v51 =	vadd.s32 $0x2F1, v0;
	[tilespmem:$0x1FF10] =	vst v50  }
0x33: {  	v52 =	vadd.s32 $0x301, v0;
	[tilespmem:$0x1FF20] =	vst v51  }
0x34: {  	v53 =	vadd.s32 $0x311, v0;
	[tilespmem:$0x1FF30] =	vst v52  }
0x35: {  	v54 =	vadd.s32 $0x321, v0;
	[tilespmem:$0x1FF40] =	vst v53  }
0x36: {  	v55 =	vadd.s32 $0x331, v0;
	[tilespmem:$0x1FF50] =	vst v54  }
0x37: {  	v56 =	vadd.s32 $0x341, v0;
	[tilespmem:$0x1FF60] =	vst v55  }
0x38: {  	v57 =	vadd.s32 $0x351, v0;
	[tilespmem:$0x1FF70] =	vst v56  }
0x39: {  	s6 =	stileid.u32;
	s9 =	simm.s32 $0xC18;
	s10 =	simm.s32 $0x1020;
	v58 =	vadd.s32 $0x361, v0;
	[tilespmem:$0x1FF80] =	vst v57  }
0x3a: {  	s11 =	simm.s32 $0x1428;
	s12 =	simm.s32 $0x1830;
	s13 =	simm.s32 $0x1C38;
	v59 =	vadd.s32 $0x371, v0;
	[tilespmem:$0x1FF90] =	vst v58  }
0x3b: {  	s14 =	simm.s32 $0x2040;
	s15 =	simm.s32 $0x2448;
	s16 =	simm.s32 $0x1;
	v60 =	vadd.s32 $0x381, v0;
	[tilespmem:$0x1FFA0] =	vst v59  }
.Ltmp0:
0x3c: {  	s7 =	sshll.u32 s6, $0x4;
	s8 =	sshll.u32 s5, $0x3;
	v61 =	vadd.s32 $0x391, v0;
	[tilespmem:$0x1FFB0] =	vst v60;
	(pc) =	sbr.rel .LBB2_1-.Ltmp0, $4  }
0x3d: {  	s3 =	sadd.s32 $0x400, s3;
	s5 =	ssub.s32 $0x2, s5;
	v62 =	vadd.s32 $0x3A1, v0;
	s7 =	sor.u32 s8, s7;
	[tilespmem:$0x1FFC0] =	vst v61  }
0x3e: {  	p0 =	sne.s32 s6, $0x0;
	v63 =	vadd.s32 $0x3B1, v0;
	s31 =	sshrl.u32 s5, $0x1;
	[tilespmem:$0x1FFD0] =	vst v62;
	s7 =	smul.u32 $0x81, s7  }
0x3f: {  	s6 =	simm.s32 $0x2;
	v0 =	vadd.s32 $0x3C1, v0;
	s8 =	simm.s32 $0x810;
	[tilespmem:$0x1FFE0] =	vst v63;
	s5 =	ssub.s32 s5, s31  }
0x40: {  	[tilespmem:$0x1FFF0] =	vst v0;
	s5 =	smax.u32 s5, $0x1;
	s4 =	sadd.s32 s4, s7;
	s7 =	simm.s32 $0x400  }
.LBB2_3:
0x41: {  	[bflag:$0x0] =	sbarrier.arrive $0xFFFF  }
0x42: {  	[tilespmem:s8], [sflag:$0x1] =	stream.linear.gather [spmem:s0], $0x401, $0x38;
	[tilespmem:$0x2898] =	vst v63  }
0x43: {  	_ = 	snop  }
0x44: {  	[tilespmem:s9], [sflag:$0x1] =	stream.linear.gather [spmem:s0], $0x401, $0x38;
	[tilespmem:$0x2898] =	vst v63  }
0x45: {  	_ = 	snop  }
0x46: {  	[tilespmem:s10], [sflag:$0x1] =	stream.linear.gather [spmem:s0], $0x401, $0x38;
	[tilespmem:$0x2898] =	vst v63  }
0x47: {  	_ = 	snop  }
0x48: {  	[tilespmem:s11], [sflag:$0x1] =	stream.linear.gather [spmem:s0], $0x401, $0x38;
	[tilespmem:$0x2898] =	vst v63  }
0x49: {  	_ = 	snop  }
0x4a: {  	[tilespmem:s12], [sflag:$0x1] =	stream.linear.gather [spmem:s0], $0x401, $0x38;
	[tilespmem:$0x2898] =	vst v63  }
0x4b: {  	_ = 	snop  }
0x4c: {  	[tilespmem:s13], [sflag:$0x1] =	stream.linear.gather [spmem:s0], $0x401, $0x38;
	[tilespmem:$0x2898] =	vst v63  }
0x4d: {  	_ = 	snop  }
0x4e: {  	[tilespmem:s14], [sflag:$0x1] =	stream.linear.gather [spmem:s0], $0x401, $0x38;
	[tilespmem:$0x2898] =	vst v63  }
0x4f: {  	_ = 	snop  }
0x50: {  	[tilespmem:s15], [sflag:$0x1] =	stream.linear.gather [spmem:s0], $0x401, $0x38;
	[tilespmem:$0x2898] =	vst v63  }
0x51: {  	_ =	swait.ge [sflag:s16], $0x401  }
0x52: {  	[sflag:s16] =	ssyncset.done $0x0  }
0x53: {  	[sflag:s16] =	ssyncadd.s32 $0xFFFFFBFF  }
0x54: {  	_ =	swait.ge [sflag:s16], $0x401  }
0x55: {  	[sflag:s16] =	ssyncset.done $0x0  }
0x56: {  	[sflag:s16] =	ssyncadd.s32 $0xFFFFFBFF  }
0x57: {  	_ =	swait.ge [sflag:s16], $0x401  }
0x58: {  	[sflag:s16] =	ssyncset.done $0x0  }
0x59: {  	[sflag:s16] =	ssyncadd.s32 $0xFFFFFBFF  }
0x5a: {  	_ =	swait.ge [sflag:s16], $0x401  }
0x5b: {  	[sflag:s16] =	ssyncset.done $0x0  }
0x5c: {  	[sflag:s16] =	ssyncadd.s32 $0xFFFFFBFF  }
0x5d: {  	_ =	swait.ge [sflag:s16], $0x401  }
0x5e: {  	[sflag:s16] =	ssyncset.done $0x0  }
0x5f: {  	[sflag:s16] =	ssyncadd.s32 $0xFFFFFBFF  }
0x60: {  	_ =	swait.ge [sflag:s16], $0x401  }
0x61: {  	[sflag:s16] =	ssyncset.done $0x0  }
0x62: {  	[sflag:s16] =	ssyncadd.s32 $0xFFFFFBFF  }
0x63: {  	_ =	swait.ge [sflag:s16], $0x401  }
0x64: {  	[sflag:s16] =	ssyncset.done $0x0  }
0x65: {  	[sflag:s16] =	ssyncadd.s32 $0xFFFFFBFF  }
0x66: {  	s5 =	sadd.s32 $0xFFFFFFFF, s5;
	_ =	swait.ge [sflag:s16], $0x401  }
0x67: {  	p1 =	sne.s32 s5, $0x0;
	[sflag:s16] =	ssyncset.done $0x0  }
.Ltmp1:
0x68: {  	[sflag:s16] =	ssyncadd.s32 $0xFFFFFBFF;
	(pc) =	sbr.rel @!p1 .LBB2_4-.Ltmp1, $4  }
0x69: {  	[hbm4b:s4+s2] =	stream.linear.scatter [tilespmem:s8], [sflag:$0x2], $0x2040, $0x38;
	[tilespmem:$0x2898] =	vst v63  }
0x6a: {  	_ =	swait.ge [sflag:s6], $0x2040  }
0x6b: {  	[sflag:s6] =	ssyncset.done $0x0  }
0x6c: {  	[sflag:s6] =	ssyncadd.s32 $0xFFFFDFC0  }
.LBB2_1:
.Ltmp2:
0x6d: {  	(pc) =	sbr.rel @p0 .LBB2_3-.Ltmp2, $1  }
0x6e: {  	_ =	sdelay $0x3  }
0x6f: {  	[tilespmem:s2], [sflag:$0x2] =	stream.linear.gather [hbm4b:s3+s2], $0x400, $0x38;
	[tilespmem:$0x2898] =	vst v63  }
0x70: {  	_ =	swait.ge [sflag:s6], $0x400  }
0x71: {  	[sflag:s6] =	ssyncset.done $0x0  }
0x72: {  	[sflag:s6] =	ssyncadd.s32 $0xFFFFFC00  }
0x73: {  	[tilespmem:$0x410] =	vst v13  }
0x74: {  	v0 =	vld [tilespmem:$0x1FC20];
	[tilespmem:$0x420] =	vst v13  }
0x75: {  	v12 =	vld [tilespmem:$0x10];
	[tilespmem:$0x430] =	vst v13  }
0x76: {  	v16 =	vld [tilespmem:$0x20];
	[tilespmem:$0x440] =	vst v13  }
0x77: {  	v18 =	vld [tilespmem:$0x30];
	[tilespmem:$0x450] =	vst v13  }
0x78: {  	v61 =	vld [tilespmem:$0x40];
	[tilespmem:$0x460] =	vst v13  }
0x79: {  	v60 =	vld [tilespmem:$0x50];
	[tilespmem:$0x470] =	vst v13  }
0x7a: {  	v59 =	vld [tilespmem:$0x60];
	[tilespmem:$0x480] =	vst v13  }
0x7b: {  	v58 =	vld [tilespmem:$0x70];
	[tilespmem:$0x490] =	vst v13  }
0x7c: {  	v57 =	vld [tilespmem:$0x80];
	[tilespmem:$0x4A0] =	vst v13  }
0x7d: {  	v56 =	vld [tilespmem:$0x90];
	[tilespmem:$0x4B0] =	vst v13  }
0x7e: {  	v55 =	vld [tilespmem:$0xA0];
	[tilespmem:$0x4C0] =	vst v13  }
0x7f: {  	v54 =	vld [tilespmem:$0xB0];
	[tilespmem:$0x4D0] =	vst v13  }
0x80: {  	v53 =	vld [tilespmem:$0xC0];
	[tilespmem:$0x4E0] =	vst v13  }
0x81: {  	v52 =	vld [tilespmem:$0xD0];
	[tilespmem:$0x4F0] =	vst v13  }
0x82: {  	v51 =	vld [tilespmem:$0xE0];
	[tilespmem:$0x500] =	vst v13  }
0x83: {  	v50 =	vld [tilespmem:$0xF0];
	[tilespmem:$0x510] =	vst v13  }
0x84: {  	v49 =	vld [tilespmem:$0x100];
	[tilespmem:$0x520] =	vst v13  }
0x85: {  	v48 =	vld [tilespmem:$0x110];
	[tilespmem:$0x530] =	vst v13  }
0x86: {  	v47 =	vld [tilespmem:$0x120];
	[tilespmem:$0x400] =	vst v0  }
0x87: {  	v0 =	vld [tilespmem:$0x0];
	[tilespmem:$0x540] =	vst v13  }
0x88: {  	[tilespmem:$0x550] =	vst v13  }
0x89: {  	[tilespmem:$0x560] =	vst v13  }
0x8a: {  	[tilespmem:$0x570] =	vst v13  }
0x8b: {  	[tilespmem:$0x580] =	vst v13  }
0x8c: {  	[tilespmem:$0x590] =	vst v13  }
0x8d: {  	[tilespmem:$0x5A0] =	vst v13  }
0x8e: {  	[tilespmem:$0x5B0] =	vst v13  }
0x8f: {  	[tilespmem:$0x5C0] =	vst v13  }
0x90: {  	[tilespmem:$0x5D0] =	vst v13;
	v46 =	vld [tilespmem:$0x130]  }
0x91: {  	[tilespmem:$0x5E0] =	vst v13;
	v45 =	vld [tilespmem:$0x140]  }
0x92: {  	[tilespmem:$0x5F0] =	vst v13;
	v44 =	vld [tilespmem:$0x150]  }
0x93: {  	[tilespmem:$0x600] =	vst v13;
	v43 =	vld [tilespmem:$0x160]  }
0x94: {  	[tilespmem:$0x610] =	vst v13;
	v42 =	vld [tilespmem:$0x170]  }
0x95: {  	[tilespmem:$0x620] =	vst v13;
	v40 =	vld [tilespmem:$0x180]  }
0x96: {  	[tilespmem:$0x630] =	vst v13;
	v41 =	vld [tilespmem:$0x190]  }
0x97: {  	[tilespmem:$0x640] =	vst v13;
	v39 =	vld [tilespmem:$0x1A0]  }
0x98: {  	[tilespmem:$0x650] =	vst v13;
	v38 =	vld [tilespmem:$0x1B0]  }
0x99: {  	[tilespmem:$0x660] =	vst v13;
	v37 =	vld [tilespmem:$0x1C0]  }
0x9a: {  	[tilespmem:$0x670] =	vst v13;
	v36 =	vld [tilespmem:$0x1D0]  }
0x9b: {  	[tilespmem:$0x680] =	vst v13;
	v35 =	vld [tilespmem:$0x1E0]  }
0x9c: {  	[tilespmem:$0x690] =	vst v13;
	v34 =	vld [tilespmem:$0x1F0]  }
0x9d: {  	[tilespmem:$0x6A0] =	vst v13;
	v33 =	vld [tilespmem:$0x200]  }
0x9e: {  	[tilespmem:$0x6B0] =	vst v13;
	v32 =	vld [tilespmem:$0x210]  }
0x9f: {  	[tilespmem:$0x6C0] =	vst v13;
	v31 =	vld [tilespmem:$0x220]  }
0xa0: {  	[tilespmem:$0x6D0] =	vst v13;
	v30 =	vld [tilespmem:$0x230]  }
0xa1: {  	[tilespmem:$0x6E0] =	vst v13;
	v29 =	vld [tilespmem:$0x240]  }
0xa2: {  	[tilespmem:$0x6F0] =	vst v13;
	v28 =	vld [tilespmem:$0x250]  }
0xa3: {  	[tilespmem:$0x700] =	vst v13;
	v27 =	vld [tilespmem:$0x260]  }
0xa4: {  	[tilespmem:$0x710] =	vst v13;
	v26 =	vld [tilespmem:$0x270];
	(xrf0) =	vadd.scan.msk.s32 $0xffff, v0  }
0xa5: {  	[tilespmem:$0x720] =	vst v13;
	v25 =	vld [tilespmem:$0x280];
	(xrf0) =	vadd.scan.msk.s32 $0xffff, v12  }
0xa6: {  	[tilespmem:$0x730] =	vst v13;
	v24 =	vld [tilespmem:$0x290]  }
0xa7: {  	[tilespmem:$0x740] =	vst v13;
	v23 =	vld [tilespmem:$0x2A0]  }
0xa8: {  	[tilespmem:$0x750] =	vst v13;
	v22 =	vld [tilespmem:$0x2B0]  }
0xa9: {  	[tilespmem:$0x760] =	vst v13;
	v21 =	vld [tilespmem:$0x2C0]  }
0xaa: {  	[tilespmem:$0x770] =	vst v13;
	v20 =	vld [tilespmem:$0x2D0];
	v62, _, _ =	vpop (xrf0)  }
0xab: {  	[tilespmem:$0x780] =	vst v13;
	v19 =	vld [tilespmem:$0x2E0];
	(v2sf) =	vpush v62, $0xF;
	v10, _, _ =	vpop (xrf0)  }
0xac: {  	[tilespmem:$0x790] =	vst v13;
	v11 =	vld [tilespmem:$0x330];
	(v2sf) =	vpush v10, $0xF  }
0xad: {  	[tilespmem:$0x7A0] =	vst v13;
	v17 =	vld [tilespmem:$0x2F0]  }
0xae: {  	[tilespmem:$0x7B0] =	vst v13;
	v1 =	vld [tilespmem:$0x300]  }
0xaf: {  	[tilespmem:$0x7C0] =	vst v13;
	v8 =	vld [tilespmem:$0x310]  }
0xb0: {  	[tilespmem:$0x7D0] =	vst v13;
	vm3 =	vgt.s32 v0, $0x0;
	v0 =	vld [tilespmem:$0x3A0];
	(xrf0) =	vadd.scan.msk.s32 $0xffff, v16  }
0xb1: {  	[tilespmem:$0x1FB70] =	vst v11;
	v11 =	vld [tilespmem:$0x360]  }
0xb2: {  	[tilespmem:$0x7E0] =	vst v13;
	v9 =	vld [tilespmem:$0x320];
	(xrf0) =	vadd.scan.msk.s32 $0xffff, v18  }
0xb3: {  	[tilespmem:$0x7F0] =	vst v13;
	v7 =	vld [tilespmem:$0x340];
	(xrf0) =	vadd.scan.msk.s32 $0xffff, v61  }
0xb4: {  	[tilespmem:$0x1FB50] =	vst v8;
	v8 =	vld [tilespmem:$0x350];
	(xrf0) =	vadd.scan.msk.s32 $0xffff, v60  }
0xb5: {  	[tilespmem:$0x1FBE0] =	vst v0;
	v0 =	vld [tilespmem:$0x3B0];
	(xrf0) =	vadd.scan.msk.s32 $0xffff, v59  }
0xb6: {  	[tilespmem:$0x1FBA0] =	vst v11;
	v11 =	vld [tilespmem:$0x380];
	(xrf0) =	vadd.scan.msk.s32 $0xffff, v58;
	v63, _, _ =	vpop (xrf0)  }
0xb7: {  	[tilespmem:$0x1FB40] =	vst v1;
	v1 =	vld [tilespmem:$0x3C0];
	(v2sf) =	vpush v63, $0xF  }
0xb8: {  	[tilespmem:$0x800] =	vst v13;
	vm2 =	vgt.s32 v16, $0x0;
	v16 =	vld [tilespmem:$0x3E0];
	(xrf0) =	vadd.scan.msk.s32 $0xffff, v57;
	v2, _, _ =	vpop (xrf0)  }
0xb9: {  	vm4 =	vgt.s32 v61, $0x0;
	v61 =	vld [tilespmem:$0x1FC30];
	[tilespmem:$0x1FB90] =	vst v8;
	(v2sf) =	vpush v2, $0xF;
	v3, _, _ =	vpop (xrf0)  }
0xba: {  	v8 =	vld [tilespmem:$0x370];
	[tilespmem:$0x1FBF0] =	vst v0;
	v0 =	vbroadcast v62, $0xF;
	(v2sf) =	vpush v3, $0xF;
	v4, _, _ =	vpop (xrf0);
	s17 =	spop (v2sf)  }
0xbb: {  	vm1 =	vgt.s32 v12, $0x0;
	(xrf0) =	vadd.scan.msk.s32 $0xffff, v56;
	[tilespmem:$0x1FBC0] =	vst v11;
	v11 =	vld [tilespmem:$0x390];
	(v2sf) =	vpush v4, $0xF;
	v5, _, _ =	vpop (xrf0);
	s18 =	spop (v2sf)  }
0xbc: {  	[tilespmem:$0x1FC00] =	vst v1;
	(xrf0) =	vadd.scan.msk.s32 $0xffff, v55;
	v1 =	vadd.s32 v0, v10;
	v10 =	vld [tilespmem:$0x3D0];
	(v2sf) =	vpush v5, $0xF;
	v6, _, _ =	vpop (xrf0);
	s17 =	sadd.s32 s17, s18  }
0xbd: {  	[tilespmem:$0x1FB60] =	vst v9;
	(xrf0) =	vadd.scan.msk.s32 $0xffff, v54;
	(v2sf) =	vpush v6, $0xF;
	v0 =	vadd.s32 s17, v63;
	v63 =	vld [tilespmem:$0x3F0]  }
0xbe: {  	v9, _, _ =	vpop (xrf0);
	(xrf0) =	vadd.scan.msk.s32 $0xffff, v53;
	[tilespmem:v62+s7+$0x0] =	vst.idx.msk vm3, v61;
	v62 =	vld [tilespmem:$0x1FC40]  }
0xbf: {  	(v2sf) =	vpush v9, $0xF  }
0xc0: {  	[tilespmem:$0x1FB80] =	vst v7;
	(xrf0) =	vadd.scan.msk.s32 $0xffff, v52  }
0xc1: {  	[tilespmem:$0x1FBB0] =	vst v8;
	v7, _, _ =	vpop (xrf0);
	(xrf0) =	vadd.scan.msk.s32 $0xffff, v51  }
0xc2: {  	(v2sf) =	vpush v7, $0xF;
	[tilespmem:$0x1FBD0] =	vst v11;
	(xrf0) =	vadd.scan.msk.s32 $0xffff, v50;
	v8, _, _ =	vpop (xrf0)  }
0xc3: {  	(xrf0) =	vadd.scan.msk.s32 $0xffff, v49;
	(v2sf) =	vpush v8, $0xF;
	v11, _, _ =	vpop (xrf0);
	[tilespmem:v1+s7+$0x0] =	vst.idx.msk vm1, v62;
	v62 =	vld [tilespmem:$0x1FC50]  }
0xc4: {  	(xrf0) =	vadd.scan.msk.s32 $0xffff, v48;
	(v2sf) =	vpush v11, $0xF;
	v14, _, _ =	vpop (xrf0)  }
0xc5: {  	(xrf0) =	vadd.scan.msk.s32 $0xffff, v47;
	(v2sf) =	vpush v14, $0xF  }
0xc6: {  	(xrf0) =	vadd.scan.msk.s32 $0xffff, v46;
	v15, _, _ =	vpop (xrf0);
	s31 =	spop (v2sf)  }
0xc7: {  	vm0 =	vgt.s32 v18, $0x0;
	(xrf0) =	vadd.scan.msk.s32 $0xffff, v45;
	v12, _, _ =	vpop (xrf0);
	(v2sf) =	vpush v15, $0xF;
	s17 =	sadd.s32 s31, s17  }
0xc8: {  	v18, _, _ =	vpop (xrf0);
	(v2sf) =	vpush v12, $0xF;
	s19 =	spop (v2sf);
	v2 =	vadd.s32 s17, v2;
	[tilespmem:v0+s7+$0x0] =	vst.idx.msk vm2, v62;
	v62 =	vld [tilespmem:$0x1FC60]  }
0xc9: {  	[tilespmem:$0x1FC10] =	vst v10;
	v10, _, _ =	vpop (xrf0);
	(v2sf) =	vpush v18, $0xF;
	s17 =	sadd.s32 s19, s17;
	s20 =	spop (v2sf)  }
0xca: {  	vm14 =	vgt.s32 v60, $0x0;
	v61, _, _ =	vpop (xrf0);
	(v2sf) =	vpush v10, $0xF;
	v3 =	vadd.s32 s17, v3;
	s17 =	sadd.s32 s20, s17;
	s21 =	spop (v2sf)  }
0xcb: {  	vm6 =	vgt.s32 v57, $0x0;
	v57 =	vld [tilespmem:$0x1FC70];
	(xrf0) =	vadd.scan.msk.s32 $0xffff, v44;
	v60, _, _ =	vpop (xrf0);
	(v2sf) =	vpush v61, $0xF;
	s22 =	spop (v2sf);
	v1 =	vadd.s32 s17, v4;
	s17 =	sadd.s32 s21, s17  }
0xcc: {  	vm5 =	vgt.s32 v59, $0x0;
	v59 =	vld [tilespmem:$0x1FC80];
	(v2sf) =	vpush v60, $0xF;
	s23 =	spop (v2sf);
	v4, _, _ =	vpop (xrf0);
	v5 =	vadd.s32 s17, v5;
	s17 =	sadd.s32 s22, s17  }
0xcd: {  	vm15 =	vgt.s32 v58, $0x0;
	(v2sf) =	vpush v4, $0xF;
	v58, _, _ =	vpop (xrf0);
	v0 =	vadd.s32 s17, v6;
	s17 =	sadd.s32 s23, s17;
	[tilespmem:v2+s7+$0x0] =	vst.idx.msk vm0, v62;
	v62 =	vld [tilespmem:$0x1FC90]  }
0xce: {  	vm9 =	vgt.s32 v56, $0x0;
	(xrf0) =	vadd.scan.msk.s32 $0xffff, v43;
	s24 =	spop (v2sf);
	(v2sf) =	vpush v58, $0xF;
	v56 =	vadd.s32 s17, v9;
	v9 =	vld [tilespmem:$0x1FCA0]  }
0xcf: {  	vm10 =	vgt.s32 v55, $0x0;
	v55 =	vld [tilespmem:$0x1FCB0];
	(xrf0) =	vadd.scan.msk.s32 $0xffff, v42  }
0xd0: {  	(xrf0) =	vadd.scan.msk.s32 $0xffff, v40;
	s17 =	sadd.s32 s24, s17;
	[tilespmem:v3+s7+$0x0] =	vst.idx.msk vm4, v57  }
0xd1: {  	s25 =	spop (v2sf);
	v6, _, _ =	vpop (xrf0);
	(xrf0) =	vadd.scan.msk.s32 $0xffff, v41;
	v3 =	vadd.s32 s17, v7;
	v57 =	vld [tilespmem:$0x1FCC0];
	[tilespmem:v1+s7+$0x0] =	vst.idx.msk vm14, v59  }
0xd2: {  	s26 =	spop (v2sf);
	(xrf0) =	vadd.scan.msk.s32 $0xffff, v39;
	s17 =	sadd.s32 s25, s17;
	[tilespmem:v5+s7+$0x0] =	vst.idx.msk vm5, v62  }
0xd3: {  	vm11 =	vgt.s32 v54, $0x0;
	s28 =	spop (v2sf);
	(xrf0) =	vadd.scan.msk.s32 $0xffff, v38;
	v5 =	vadd.s32 s17, v8;
	s17 =	sadd.s32 s26, s17;
	[tilespmem:v0+s7+$0x0] =	vst.idx.msk vm15, v9  }
0xd4: {  	(v2sf) =	vpush v6, $0xF;
	s29 =	spop (v2sf);
	v1, _, _ =	vpop (xrf0);
	(xrf0) =	vadd.scan.msk.s32 $0xffff, v37;
	[tilespmem:v56+s7+$0x0] =	vst.idx.msk vm6, v55;
	v56 =	vadd.s32 s17, v11;
	s17 =	sadd.s32 s28, s17  }
0xd5: {  	vm14 =	vgt.s32 v51, $0x0;
	(v2sf) =	vpush v1, $0xF;
	(xrf0) =	vadd.scan.msk.s32 $0xffff, v36;
	v62 =	vld [tilespmem:$0x1FCD0];
	v0, _, _ =	vpop (xrf0);
	v59 =	vadd.s32 s17, v14;
	s17 =	sadd.s32 s29, s17  }
0xd6: {  	s30 =	spop (v2sf);
	(xrf0) =	vadd.scan.msk.s32 $0xffff, v35;
	(v2sf) =	vpush v0, $0xF;
	[tilespmem:v3+s7+$0x0] =	vst.idx.msk vm9, v57;
	v3, _, _ =	vpop (xrf0);
	v51 =	vadd.s32 s17, v15;
	v15 =	vld [tilespmem:$0x1FCE0]  }
0xd7: {  	vm12 =	vgt.s32 v53, $0x0;
	s31 =	spop (v2sf);
	(v2sf) =	vpush v3, $0xF;
	v8, _, _ =	vpop (xrf0);
	(xrf0) =	vadd.scan.msk.s32 $0xffff, v34  }
0xd8: {  	v53 =	vld [tilespmem:$0x1FCF0];
	s19 =	spop (v2sf);
	s17 =	sadd.s32 s30, s17;
	(v2sf) =	vpush v8, $0xF;
	v9, _, _ =	vpop (xrf0)  }
0xd9: {  	vm13 =	vgt.s32 v52, $0x0;
	s20 =	spop (v2sf);
	v52 =	vadd.s32 s17, v12;
	(v2sf) =	vpush v9, $0xF;
	v12, _, _ =	vpop (xrf0)  }
0xda: {  	s21 =	spop (v2sf);
	[tilespmem:v5+s7+$0x0] =	vst.idx.msk vm10, v62;
	s17 =	sadd.s32 s31, s17;
	(v2sf) =	vpush v12, $0xF;
	v2, _, _ =	vpop (xrf0)  }
0xdb: {  	s22 =	spop (v2sf);
	v55 =	vld [tilespmem:$0x1FD00];
	v14 =	vadd.s32 s17, v18;
	s17 =	sadd.s32 s19, s17;
	(v2sf) =	vpush v2, $0xF;
	[tilespmem:v56+s7+$0x0] =	vst.idx.msk vm11, v15;
	v15, _, _ =	vpop (xrf0)  }
0xdc: {  	vm15 =	vgt.s32 v50, $0x0;
	s23 =	spop (v2sf);
	v57 =	vld [tilespmem:$0x1FD10];
	v10 =	vadd.s32 s17, v10;
	s17 =	sadd.s32 s20, s17;
	(xrf0) =	vadd.scan.msk.s32 $0xffff, v33;
	(v2sf) =	vpush v15, $0xF;
	v18, _, _ =	vpop (xrf0)  }
0xdd: {  	s24 =	spop (v2sf);
	vm9 =	vgt.s32 v49, $0x0;
	v54 =	vadd.s32 s17, v61;
	s17 =	sadd.s32 s21, s17;
	[tilespmem:v59+s7+$0x0] =	vst.idx.msk vm12, v53;
	v59 =	vld [tilespmem:$0x1FD20];
	(v2sf) =	vpush v18, $0xF;
	v11, _, _ =	vpop (xrf0)  }
0xde: {  	vm10 =	vgt.s32 v48, $0x0;
	v56 =	vadd.s32 s17, v60;
	v60 =	vld [tilespmem:$0x1FD30];
	(v2sf) =	vpush v11, $0xF  }
0xdf: {  	(xrf0) =	vadd.scan.msk.s32 $0xffff, v32;
	v61 =	vld [tilespmem:$0x1FD40];
	vm11 =	vgt.s32 v47, $0x0  }
0xe0: {  	vm7 =	vgt.s32 v44, $0x0;
	v44 =	vld [tilespmem:$0x1FD50];
	s17 =	sadd.s32 s22, s17;
	vm12 =	vgt.s32 v46, $0x0;
	(xrf0) =	vadd.scan.msk.s32 $0xffff, v31;
	[tilespmem:v51+s7+$0x0] =	vst.idx.msk vm13, v55  }
0xe1: {  	v4 =	vadd.s32 s17, v4;
	s17 =	sadd.s32 s23, s17;
	vm13 =	vgt.s32 v45, $0x0;
	(xrf0) =	vadd.scan.msk.s32 $0xffff, v30;
	v45 =	vld [tilespmem:$0x1FD60];
	[tilespmem:v52+s7+$0x0] =	vst.idx.msk vm14, v57  }
0xe2: {  	vm8 =	vgt.s32 v40, $0x0;
	v46 =	vld [tilespmem:$0x1FD70];
	(xrf0) =	vadd.scan.msk.s32 $0xffff, v29;
	v62, _, _ =	vpop (xrf0);
	[tilespmem:v14+s7+$0x0] =	vst.idx.msk vm15, v59;
	v14 =	vadd.s32 s17, v58  }
0xe3: {  	s25 =	spop (v2sf);
	vm14 =	vgt.s32 v43, $0x0;
	(xrf0) =	vadd.scan.msk.s32 $0xffff, v28;
	(v2sf) =	vpush v62, $0xF;
	s17 =	sadd.s32 s24, s17;
	[tilespmem:v10+s7+$0x0] =	vst.idx.msk vm9, v60  }
0xe4: {  	s26 =	spop (v2sf);
	(xrf0) =	vadd.scan.msk.s32 $0xffff, v27;
	vm15 =	vgt.s32 v42, $0x0;
	v6 =	vadd.s32 s17, v6;
	s17 =	sadd.s32 s25, s17;
	[tilespmem:v54+s7+$0x0] =	vst.idx.msk vm10, v61  }
0xe5: {  	v47 =	vld [tilespmem:$0x1FD80];
	(xrf0) =	vadd.scan.msk.s32 $0xffff, v26;
	vm9 =	vgt.s32 v41, $0x0;
	v1 =	vadd.s32 s17, v1;
	s17 =	sadd.s32 s26, s17;
	s28 =	spop (v2sf);
	[tilespmem:v56+s7+$0x0] =	vst.idx.msk vm11, v44  }
0xe6: {  	v50 =	vld [tilespmem:$0x1FD90];
	(xrf0) =	vadd.scan.msk.s32 $0xffff, v25;
	vm10 =	vgt.s32 v39, $0x0;
	v0 =	vadd.s32 s17, v0;
	s17 =	sadd.s32 s28, s17;
	[tilespmem:v4+s7+$0x0] =	vst.idx.msk vm12, v45;
	v4, _, _ =	vpop (xrf0);
	s29 =	spop (v2sf)  }
0xe7: {  	vm11 =	vgt.s32 v38, $0x0;
	v3 =	vadd.s32 s17, v3;
	[tilespmem:v14+s7+$0x0] =	vst.idx.msk vm13, v46;
	(v2sf) =	vpush v4, $0xF;
	v48, _, _ =	vpop (xrf0);
	s17 =	sadd.s32 s29, s17;
	s30 =	spop (v2sf);
	v14 =	vld [tilespmem:$0x1FDA0]  }
0xe8: {  	v40 =	vld [tilespmem:$0x1FE40];
	(xrf0) =	vadd.scan.msk.s32 $0xffff, v24;
	vm12 =	vgt.s32 v37, $0x0;
	(v2sf) =	vpush v48, $0xF;
	v49, _, _ =	vpop (xrf0);
	v8 =	vadd.s32 s17, v8;
	s17 =	sadd.s32 s30, s17;
	s31 =	spop (v2sf)  }
0xe9: {  	v54 =	vld [tilespmem:$0x1FDB0];
	(xrf0) =	vadd.scan.msk.s32 $0xffff, v23;
	vm13 =	vgt.s32 v36, $0x0;
	(v2sf) =	vpush v49, $0xF;
	v51, _, _ =	vpop (xrf0);
	v9 =	vadd.s32 s17, v9;
	s17 =	sadd.s32 s31, s17;
	s19 =	spop (v2sf)  }
0xea: {  	v57 =	vld [tilespmem:$0x1FDC0];
	[tilespmem:v6+s7+$0x0] =	vst.idx.msk vm7, v47;
	(xrf0) =	vadd.scan.msk.s32 $0xffff, v22;
	(v2sf) =	vpush v51, $0xF;
	v52, _, _ =	vpop (xrf0);
	v12 =	vadd.s32 s17, v12;
	s17 =	sadd.s32 s19, s17;
	s20 =	spop (v2sf)  }
0xeb: {  	v58 =	vld [tilespmem:$0x1FDD0];
	[tilespmem:v1+s7+$0x0] =	vst.idx.msk vm14, v50;
	(v2sf) =	vpush v52, $0xF;
	v53, _, _ =	vpop (xrf0);
	(xrf0) =	vadd.scan.msk.s32 $0xffff, v21;
	v2 =	vadd.s32 s17, v2;
	s17 =	sadd.s32 s20, s17;
	s21 =	spop (v2sf)  }
0xec: {  	v59 =	vld [tilespmem:$0x1FDE0];
	[tilespmem:v0+s7+$0x0] =	vst.idx.msk vm15, v14;
	(v2sf) =	vpush v53, $0xF;
	v14, _, _ =	vpop (xrf0);
	(xrf0) =	vadd.scan.msk.s32 $0xffff, v20;
	v15 =	vadd.s32 s17, v15;
	s17 =	sadd.s32 s21, s17;
	s22 =	spop (v2sf)  }
0xed: {  	v60 =	vld [tilespmem:$0x1FDF0];
	vm14 =	vgt.s32 v35, $0x0;
	(v2sf) =	vpush v14, $0xF;
	v55, _, _ =	vpop (xrf0);
	(xrf0) =	vadd.scan.msk.s32 $0xffff, v19;
	v18 =	vadd.s32 s17, v18;
	s17 =	sadd.s32 s22, s17;
	s23 =	spop (v2sf)  }
0xee: {  	v61 =	vld [tilespmem:$0x1FE00];
	[tilespmem:v3+s7+$0x0] =	vst.idx.msk vm8, v54;
	(v2sf) =	vpush v55, $0xF;
	v56, _, _ =	vpop (xrf0);
	(xrf0) =	vadd.scan.msk.s32 $0xffff, v17;
	v11 =	vadd.s32 s17, v11;
	s17 =	sadd.s32 s23, s17  }
0xef: {  	[tilespmem:v8+s7+$0x0] =	vst.idx.msk vm9, v57;
	(v2sf) =	vpush v56, $0xF;
	v8, _, _ =	vpop (xrf0);
	v7 =	vadd.s32 s17, v62;
	v62 =	vld [tilespmem:$0x1FE10]  }
0xf0: {  	v43 =	vld [tilespmem:$0x1FB50];
	[tilespmem:v9+s7+$0x0] =	vst.idx.msk vm10, v58;
	(v2sf) =	vpush v8, $0xF;
	v9, _, _ =	vpop (xrf0)  }
0xf1: {  	v42 =	vld [tilespmem:$0x1FB80];
	[tilespmem:v12+s7+$0x0] =	vst.idx.msk vm11, v59;
	(v2sf) =	vpush v9, $0xF;
	v12, _, _ =	vpop (xrf0)  }
0xf2: {  	v41 =	vld [tilespmem:$0x1FB70];
	[tilespmem:v2+s7+$0x0] =	vst.idx.msk vm12, v60;
	(v2sf) =	vpush v12, $0xF;
	v2, _, _ =	vpop (xrf0)  }
0xf3: {  	v39 =	vld [tilespmem:$0x1FB90];
	s24 =	spop (v2sf);
	[tilespmem:v15+s7+$0x0] =	vst.idx.msk vm13, v61;
	(v2sf) =	vpush v2, $0xF;
	v15, _, _ =	vpop (xrf0)  }
0xf4: {  	v44 =	vld [tilespmem:$0x1FB60];
	(v2sf) =	vpush v15, $0xF;
	[tilespmem:v18+s7+$0x0] =	vst.idx.msk vm14, v62;
	v18, _, _ =	vpop (xrf0)  }
0xf5: {  	v38 =	vld [tilespmem:$0x1FBA0];
	(v2sf) =	vpush v18, $0xF  }
0xf6: {  	v45 =	vld [tilespmem:$0x1FB40];
	s17 =	sadd.s32 s24, s17;
	s25 =	spop (v2sf)  }
0xf7: {  	v37 =	vld [tilespmem:$0x1FE30];
	v4 =	vadd.s32 s17, v4;
	s17 =	sadd.s32 s25, s17;
	s26 =	spop (v2sf)  }
0xf8: {  	v36 =	vld [tilespmem:$0x1FE20];
	vm15 =	vgt.s32 v34, $0x0;
	v5 =	vadd.s32 s17, v48;
	s17 =	sadd.s32 s26, s17;
	s28 =	spop (v2sf)  }
0xf9: {  	v34 =	vld [tilespmem:$0x1FBC0];
	vm8 =	vgt.s32 v33, $0x0;
	v6 =	vadd.s32 s17, v49;
	s17 =	sadd.s32 s28, s17;
	s29 =	spop (v2sf)  }
0xfa: {  	v33 =	vld [tilespmem:$0x1FBD0];
	vm9 =	vgt.s32 v32, $0x0;
	v1 =	vadd.s32 s17, v51;
	s17 =	sadd.s32 s29, s17;
	s30 =	spop (v2sf)  }
0xfb: {  	vm10 =	vgt.s32 v31, $0x0;
	v58 =	vld [tilespmem:$0x1FE90];
	v10 =	vadd.s32 s17, v52;
	s17 =	sadd.s32 s30, s17;
	s31 =	spop (v2sf)  }
0xfc: {  	vm11 =	vgt.s32 v30, $0x0;
	v48 =	vld [tilespmem:$0x1FE50];
	v0 =	vadd.s32 s17, v53;
	s17 =	sadd.s32 s31, s17;
	s19 =	spop (v2sf)  }
0xfd: {  	vm12 =	vgt.s32 v29, $0x0;
	v51 =	vld [tilespmem:$0x1FE60];
	v14 =	vadd.s32 s17, v14;
	s17 =	sadd.s32 s19, s17;
	s20 =	spop (v2sf)  }
0xfe: {  	vm13 =	vgt.s32 v28, $0x0;
	[tilespmem:v11+s7+$0x0] =	vst.idx.msk vm15, v36;
	v53 =	vld [tilespmem:$0x1FE70];
	v3 =	vadd.s32 s17, v55;
	s17 =	sadd.s32 s20, s17;
	s21 =	spop (v2sf)  }
0xff: {  	(xrf0) =	vadd.scan.msk.s32 $0xffff, v45;
	vm14 =	vgt.s32 v27, $0x0;
	[tilespmem:v7+s7+$0x0] =	vst.idx.msk vm8, v37;
	v55 =	vadd.s32 s17, v56;
	s17 =	sadd.s32 s21, s17;
	s22 =	spop (v2sf);
	v56 =	vld [tilespmem:$0x1FE80]  }
0x100: {  	v60 =	vld [tilespmem:$0x1FEA0];
	vm15 =	vgt.s32 v26, $0x0;
	[tilespmem:v4+s7+$0x0] =	vst.idx.msk vm9, v40;
	v8 =	vadd.s32 s17, v8;
	s17 =	sadd.s32 s22, s17;
	s23 =	spop (v2sf)  }
0x101: {  	(xrf0) =	vadd.scan.msk.s32 $0xffff, v43;
	v61 =	vld [tilespmem:$0x1FEB0];
	vm8 =	vgt.s32 v25, $0x0;
	[tilespmem:v5+s7+$0x0] =	vst.idx.msk vm10, v48;
	v9 =	vadd.s32 s17, v9;
	s17 =	sadd.s32 s23, s17;
	s24 =	spop (v2sf)  }
0x102: {  	(xrf0) =	vadd.scan.msk.s32 $0xffff, v44;
	v36 =	vld [tilespmem:$0x1FBB0];
	vm9 =	vgt.s32 v24, $0x0;
	[tilespmem:v6+s7+$0x0] =	vst.idx.msk vm11, v51;
	v12 =	vadd.s32 s17, v12;
	s17 =	sadd.s32 s24, s17;
	s25 =	spop (v2sf)  }
0x103: {  	vm10 =	vgt.s32 v23, $0x0;
	[tilespmem:v1+s7+$0x0] =	vst.idx.msk vm12, v53;
	vm12 =	vgt.s32 v21, $0x0;
	v21 =	vld [tilespmem:$0x1FEC0];
	v2 =	vadd.s32 s17, v2;
	s17 =	sadd.s32 s25, s17;
	s26 =	spop (v2sf)  }
0x104: {  	(xrf0) =	vadd.scan.msk.s32 $0xffff, v41;
	vm11 =	vgt.s32 v22, $0x0;
	v22 =	vld [tilespmem:$0x1FED0];
	[tilespmem:v10+s7+$0x0] =	vst.idx.msk vm13, v56;
	v15 =	vadd.s32 s17, v15;
	s17 =	sadd.s32 s26, s17;
	s28 =	spop (v2sf)  }
0x105: {  	(xrf0) =	vadd.scan.msk.s32 $0xffff, v42;
	v31, _, _ =	vpop (xrf0);
	v24 =	vld [tilespmem:$0x1FEE0];
	[tilespmem:v0+s7+$0x0] =	vst.idx.msk vm14, v58;
	v23 =	vadd.s32 s17, v18;
	s17 =	sadd.s32 s28, s17  }
0x106: {  	(xrf0) =	vadd.scan.msk.s32 $0xffff, v39;
	(v2sf) =	vpush v31, $0xF;
	[tilespmem:v14+s7+$0x0] =	vst.idx.msk vm15, v60;
	v28 =	vadd.s32 s17, v31;
	v31 =	vld [tilespmem:$0x1FEF0]  }
0x107: {  	v30 =	vld [tilespmem:$0x1FBE0];
	(xrf0) =	vadd.scan.msk.s32 $0xffff, v38;
	[tilespmem:v3+s7+$0x0] =	vst.idx.msk vm8, v61  }
0x108: {  	v32 =	vld [tilespmem:$0x1FBF0];
	v11, _, _ =	vpop (xrf0);
	(xrf0) =	vadd.scan.msk.s32 $0xffff, v36;
	[tilespmem:v55+s7+$0x0] =	vst.idx.msk vm9, v21  }
0x109: {  	v37 =	vld [tilespmem:$0x1FC00];
	(v2sf) =	vpush v11, $0xF;
	v29, _, _ =	vpop (xrf0);
	(xrf0) =	vadd.scan.msk.s32 $0xffff, v34;
	[tilespmem:v8+s7+$0x0] =	vst.idx.msk vm10, v22  }
0x10a: {  	v40 =	vld [tilespmem:$0x1FC10];
	(v2sf) =	vpush v29, $0xF;
	v7, _, _ =	vpop (xrf0);
	vm13 =	vgt.s32 v20, $0x0;
	[tilespmem:v9+s7+$0x0] =	vst.idx.msk vm11, v24  }
0x10b: {  	(v2sf) =	vpush v7, $0xF;
	v27, _, _ =	vpop (xrf0);
	(xrf0) =	vadd.scan.msk.s32 $0xffff, v33;
	[tilespmem:v12+s7+$0x0] =	vst.idx.msk vm12, v31;
	v12 =	vld [tilespmem:$0x1FF00]  }
0x10c: {  	(v2sf) =	vpush v27, $0xF;
	v46, _, _ =	vpop (xrf0);
	(xrf0) =	vadd.scan.msk.s32 $0xffff, v30  }
0x10d: {  	(v2sf) =	vpush v46, $0xF;
	v47, _, _ =	vpop (xrf0)  }
0x10e: {  	(v2sf) =	vpush v47, $0xF;
	(xrf0) =	vadd.scan.msk.s32 $0xffff, v32;
	v49, _, _ =	vpop (xrf0)  }
0x10f: {  	(xrf0) =	vadd.scan.msk.s32 $0xffff, v37;
	(v2sf) =	vpush v49, $0xF;
	v50, _, _ =	vpop (xrf0);
	vm14 =	vgt.s32 v19, $0x0  }
0x110: {  	(xrf0) =	vadd.scan.msk.s32 $0xffff, v40;
	(v2sf) =	vpush v50, $0xF;
	[tilespmem:v2+s7+$0x0] =	vst.idx.msk vm13, v12;
	v12 =	vld [tilespmem:$0x1FF10]  }
0x111: {  	(xrf0) =	vadd.scan.msk.s32 $0xffff, v16;
	v52, _, _ =	vpop (xrf0)  }
0x112: {  	v54, _, _ =	vpop (xrf0);
	(v2sf) =	vpush v52, $0xF  }
0x113: {  	(v2sf) =	vpush v54, $0xF  }
0x114: {  	v57, _, _ =	vpop (xrf0);
	vm15 =	vgt.s32 v17, $0x0  }
0x115: {  	v59, _, _ =	vpop (xrf0);
	(v2sf) =	vpush v57, $0xF;
	[tilespmem:v15+s7+$0x0] =	vst.idx.msk vm14, v12;
	v12 =	vld [tilespmem:$0x1FF20]  }
0x116: {  	v14, _, _ =	vpop (xrf0);
	(v2sf) =	vpush v59, $0xF  }
0x117: {  	s29 =	spop (v2sf);
	(v2sf) =	vpush v14, $0xF;
	v62, _, _ =	vpop (xrf0)  }
0x118: {  	s17 =	sadd.s32 s29, s17;
	s30 =	spop (v2sf);
	(v2sf) =	vpush v62, $0xF  }
0x119: {  	vm8 =	vgt.s32 v45, $0x0;
	v11 =	vadd.s32 s17, v11;
	s17 =	sadd.s32 s30, s17;
	s31 =	spop (v2sf)  }
0x11a: {  	vm9 =	vgt.s32 v43, $0x0;
	v35 =	vadd.s32 s17, v29;
	s17 =	sadd.s32 s31, s17;
	s19 =	spop (v2sf);
	[tilespmem:v23+s7+$0x0] =	vst.idx.msk vm15, v12;
	v12 =	vld [tilespmem:$0x1FF30]  }
0x11b: {  	vm10 =	vgt.s32 v44, $0x0;
	v7 =	vadd.s32 s17, v7;
	s17 =	sadd.s32 s19, s17;
	s20 =	spop (v2sf);
	vm12 =	vgt.s32 v42, $0x0;
	v42 =	vld [tilespmem:$0x1FF40]  }
0x11c: {  	v44 =	vld [tilespmem:$0x1FF50];
	vm11 =	vgt.s32 v41, $0x0;
	v41 =	vadd.s32 s17, v27;
	s17 =	sadd.s32 s20, s17;
	s21 =	spop (v2sf)  }
0x11d: {  	v4 =	vadd.s32 s17, v46;
	s17 =	sadd.s32 s21, s17;
	s22 =	spop (v2sf);
	v46 =	vld [tilespmem:$0x1FF60]  }
0x11e: {  	v48 =	vld [tilespmem:$0x1FF70];
	v43 =	vadd.s32 s17, v47;
	s17 =	sadd.s32 s22, s17;
	vm13 =	vgt.s32 v39, $0x0;
	s23 =	spop (v2sf)  }
0x11f: {  	v45 =	vadd.s32 s17, v49;
	v49 =	vld [tilespmem:$0x1FF80];
	s17 =	sadd.s32 s23, s17;
	s24 =	spop (v2sf);
	vm14 =	vgt.s32 v38, $0x0;
	[tilespmem:v28+s7+$0x0] =	vst.idx.msk vm8, v12  }
0x120: {  	v47 =	vadd.s32 s17, v50;
	s17 =	sadd.s32 s24, s17;
	v50 =	vld [tilespmem:$0x1FF90];
	vm15 =	vgt.s32 v36, $0x0;
	[tilespmem:v11+s7+$0x0] =	vst.idx.msk vm9, v42  }
0x121: {  	s25 =	spop (v2sf);
	v6 =	vadd.s32 s17, v52;
	v52 =	vld [tilespmem:$0x1FFA0];
	vm8 =	vgt.s32 v34, $0x0;
	[tilespmem:v35+s7+$0x0] =	vst.idx.msk vm10, v44  }
0x122: {  	v53 =	vld [tilespmem:$0x1FFB0];
	(xrf0) =	vadd.scan.msk.s32 $0xffff, v63;
	s17 =	sadd.s32 s25, s17;
	s26 =	spop (v2sf);
	vm9 =	vgt.s32 v33, $0x0;
	[tilespmem:v7+s7+$0x0] =	vst.idx.msk vm11, v46  }
0x123: {  	v55 =	vld [tilespmem:$0x1FFC0];
	v1 =	vadd.s32 s17, v54;
	s17 =	sadd.s32 s26, s17;
	vm10 =	vgt.s32 v30, $0x0;
	[tilespmem:v41+s7+$0x0] =	vst.idx.msk vm12, v48  }
0x124: {  	s28 =	spop (v2sf);
	v51 =	vadd.s32 s17, v57;
	v57 =	vld [tilespmem:$0x1FFD0];
	vm11 =	vgt.s32 v32, $0x0;
	[tilespmem:v4+s7+$0x0] =	vst.idx.msk vm13, v49  }
0x125: {  	v58 =	vld [tilespmem:$0x1FFE0];
	s17 =	sadd.s32 s28, s17;
	s29 =	spop (v2sf);
	vm12 =	vgt.s32 v37, $0x0;
	[tilespmem:v43+s7+$0x0] =	vst.idx.msk vm14, v50  }
0x126: {  	v0 =	vadd.s32 s17, v59;
	s17 =	sadd.s32 s29, s17;
	s30 =	spop (v2sf);
	v59 =	vld [tilespmem:$0x1FFF0];
	vm13 =	vgt.s32 v40, $0x0;
	[tilespmem:v45+s7+$0x0] =	vst.idx.msk vm15, v52  }
0x127: {  	v54 =	vadd.s32 s17, v14;
	s17 =	sadd.s32 s30, s17;
	s31 =	spop (v2sf);
	vm14 =	vgt.s32 v16, $0x0;
	[tilespmem:v47+s7+$0x0] =	vst.idx.msk vm8, v53  }
0x128: {  	v56, _, _ =	vpop (xrf0);
	v3 =	vadd.s32 s17, v62;
	s17 =	sadd.s32 s31, s17;
	vm15 =	vgt.s32 v63, $0x0;
	[tilespmem:v6+s7+$0x0] =	vst.idx.msk vm9, v55  }
0x129: {  	v5 =	vadd.s32 s17, v56;
	[tilespmem:v1+s7+$0x0] =	vst.idx.msk vm10, v57  }
0x12a: {  	v60 =	vlaneseq.u32;
	[tilespmem:v51+s7+$0x0] =	vst.idx.msk vm11, v58  }
0x12b: {  	v61 =	vadd.s32 $0x3D1, v60;
	[tilespmem:v0+s7+$0x0] =	vst.idx.msk vm12, v59  }
0x12c: {  	v62 =	vadd.s32 $0x3E1, v60;
	[tilespmem:v54+s7+$0x0] =	vst.idx.msk vm13, v61  }
0x12d: {  	v63 =	vadd.s32 $0x3F1, v60;
	[tilespmem:v3+s7+$0x0] =	vst.idx.msk vm14, v62  }
.Ltmp3:
0x12e: {  	[tilespmem:v5+s7+$0x0] =	vst.idx.msk vm15, v63;
	(pc) =	sbr.rel .LBB2_3-.Ltmp3, $4  }
0x12f: {  	[spmem:s0] =	stream.linear.scatter [tilespmem:s7], [sflag:$0x2], $0x410, $0x38;
	[tilespmem:$0x2898] =	vst v63  }
0x130: {  	_ =	swait.ge [sflag:s6], $0x410  }
0x131: {  	[sflag:s6] =	ssyncset.done $0x0  }
0x132: {  	[sflag:s6] =	ssyncadd.s32 $0xFFFFFBF0  }
.LBB2_4:
0x133: {  	_ =	sfence.sel $0x180000  }
0x134: {  	[bflag:$0x0] =	sbarrier.arrive $0xFFFF  }
0x135: {  	_ =	strace $0x90000047  }
0x136: {  	s0 =	sadd.s32 @!p0 $0x100000, s1;
	[bflag:$0x2] =	sbarrier.arrive $0xFFFF  }
0x137: {  	[sflag:s0] =	ssyncadd.tile.s32 @!p0 $0x1;
	_ =	shalt  }
.Lfunc_end2:
_tile_overlayer_lowered:
.L_overlay_start_2:
0x138: {  	(tag) =	ssettag $0x2  }
0x139: {  	s0 =	rddreg [dreg:$0x0];
	s2 =	stileid.u32  }
0x13a: {  	s1 =	rddreg [dreg:$0x1];
	p0 =	sne.s32 s2, $0x0  }
0x13b: {  	s3 =	rddreg [dreg:$0x2];
	[bflag:$0x3] =	sbarrier.arrive $0xFFFF;
	s2 =	simm.s32 @!p0 $0x1C02  }
0x13c: {  	[timem:s3], [sflag:s2] =	dma.local @!p0 [hbm:s0], s1  }
0x13d: {  	s0 =	simm.s32 @!p0 $0x2  }
0x13e: {  	_ =	swait.ge @!p0 [sflag:s0], s1  }
0x13f: {  	s1 =	ssub.s32 @!p0 $0x0, s1;
	[sflag:s0] =	ssyncset.done @!p0 $0x0  }
0x140: {  	[sflag:s0] =	ssyncadd.s32 @!p0 s1  }
0x141: {  	[bflag:$0x3] =	sbarrier.arrive $0xFFFF  }
0x142: {  	_ =	shalt  }

</sc_bundles>
